<compile_context>
chip_gen: v7x
topology: tpu7x:2x2x1
jax: 0.10.2.dev20260603
libtpu: 0.0.44.dev20260713+nightly
codegen_flags: <defaults>
</compile_context>

<pallas_src>
import functools

import jax
import jax.numpy as jnp
from jax import lax
from jax.experimental import pallas as pl
from jax.experimental.pallas import tpu as pltpu
from jax.experimental.pallas import tpu_sc as plsc

BATCH = 16384
EMBED_K = 32
NUM_ROWS = 1000000
NUM_WORKERS = 32
ROWS_PER_WORKER = BATCH // NUM_WORKERS
GROUPS = ROWS_PER_WORKER // 16
LANE = 128
NSLOTS = 30
NV_FIRST = NSLOTS - 16


def _tcol(idxv, i):
    return pl.multiple_of((idxv[i] // LANE) * LANE, LANE)


def _sc_mf_body(uidx_hbm, vidx_hbm, wt_hbm, ht_hbm, out_hbm,
                uidx_v, vidx_v, blocks, u_slab, out_v, sem_u, sem_v):
    cid = lax.axis_index("c")
    sid = lax.axis_index("s")
    wid = sid * 2 + cid
    base = wid * ROWS_PER_WORKER

    pltpu.sync_copy(uidx_hbm.at[pl.ds(base, ROWS_PER_WORKER)], uidx_v)
    pltpu.sync_copy(vidx_hbm.at[pl.ds(base, ROWS_PER_WORKER)], vidx_v)

    iota = lax.iota(jnp.int32, 16)
    vslots = jnp.where(iota < NV_FIRST, iota + 16, iota - NV_FIRST)

    def group_body(g, carry):
        uvec = uidx_v[pl.ds(g * 16, 16)]
        vvec = vidx_v[pl.ds(g * 16, 16)]
        ucols = jnp.bitwise_and(uvec, LANE - 1)
        vcols = jnp.bitwise_and(vvec, LANE - 1)

        cu = [pltpu.async_copy(
            wt_hbm.at[:, pl.ds(_tcol(uvec, i), LANE)], blocks.at[i], sem_u)
            for i in range(16)]
        for c in cu:
            c.wait()
        cv = [pltpu.async_copy(
            ht_hbm.at[:, pl.ds(_tcol(vvec, i), LANE)], blocks.at[16 + i],
            sem_v) for i in range(NV_FIRST)]
        for k in range(EMBED_K):
            u_slab[k, :] = plsc.load_gather(
                blocks, [iota, jnp.full((16,), k, jnp.int32), ucols])
        for i in range(NV_FIRST, 16):
            cv.append(pltpu.async_copy(
                ht_hbm.at[:, pl.ds(_tcol(vvec, i), LANE)],
                blocks.at[i - NV_FIRST], sem_v))
        for c in cv:
            c.wait()
        acc = jnp.zeros((16,), jnp.float32)
        for k in range(EMBED_K):
            v = plsc.load_gather(
                blocks, [vslots, jnp.full((16,), k, jnp.int32), vcols])
            acc = acc + u_slab[k, :] * v
        out_v[pl.ds(g * 16, 16)] = acc
        return carry

    lax.fori_loop(0, GROUPS, group_body, 0)

    pltpu.sync_copy(out_v, out_hbm.at[pl.ds(base, ROWS_PER_WORKER)])


@functools.partial(
    pl.kernel,
    out_type=jax.ShapeDtypeStruct((BATCH,), jnp.float32),
    mesh=plsc.VectorSubcoreMesh(core_axis_name="c", subcore_axis_name="s"),
    compiler_params=pltpu.CompilerParams(
        needs_layout_passes=False, use_tc_tiling_on_sc=True),
    scratch_types=[
        pltpu.VMEM((ROWS_PER_WORKER,), jnp.int32),
        pltpu.VMEM((ROWS_PER_WORKER,), jnp.int32),
        pltpu.VMEM((NSLOTS, EMBED_K, LANE), jnp.float32),
        pltpu.VMEM((EMBED_K, 16), jnp.float32),
        pltpu.VMEM((ROWS_PER_WORKER,), jnp.float32),
        pltpu.SemaphoreType.DMA,
        pltpu.SemaphoreType.DMA,
    ],
)
def _mf_sc(uidx_hbm, vidx_hbm, wt_hbm, ht_hbm, out_hbm,
           uidx_v, vidx_v, blocks, u_slab, out_v, sem_u, sem_v):
    _sc_mf_body(uidx_hbm, vidx_hbm, wt_hbm, ht_hbm, out_hbm,
                uidx_v, vidx_v, blocks, u_slab, out_v, sem_u, sem_v)


def kernel(x, W, H):
    uidx = x[:, 0].astype(jnp.int32)
    vidx = x[:, 1].astype(jnp.int32)
    return _mf_sc(uidx, vidx, W.T, H.T)

# --- scband reference (transcript-rebuilt; emitter-appended) ---
"""Pipeline reference for scband-mf-base-model-9637906612424 (READ-ONLY COPY).

The authoritative reference and input builder live on the scoring server;
editing this copy changes nothing except your own understanding.
"""

import jax, jax.numpy as jnp
import numpy as np

NUM_USERS = 1000000
NUM_ITEMS = 1000000
EMBED_K = 32
BATCH = 16384

def setup_inputs(seed: int = 0) -> dict:
    key = jax.random.key(seed)
    k1, k2, k3 = jax.random.split(key, 3)
    x = jax.random.randint(k1, (BATCH, 2), 0, NUM_USERS, dtype=jnp.int64 if jax.config.jax_enable_x64 else jnp.int32)
    W = jax.random.normal(k2, (NUM_USERS, EMBED_K), dtype=jnp.float32) * 0.01
    H = jax.random.normal(k3, (NUM_ITEMS, EMBED_K), dtype=jnp.float32) * 0.01
    return {"x": x, "W": W, "H": H}

def reference(x, W, H):
    user_idx = x[:, 0]
    item_idx = x[:, 1]
    U_emb = jnp.take(W, user_idx, axis=0)
    V_emb = jnp.take(H, item_idx, axis=0)
    out = jnp.sum(U_emb * V_emb, axis=1)
    return out

if __name__ == "__main__":
    import jax
    _d = setup_inputs()
    print(jax.jit(kernel)(*tuple(_d.values())))

</pallas_src>

<mosaic_0001>
#map = affine_map<(d0, d1) -> (0)>
#map1 = affine_map<(d0, d1) -> (0, 0)>
module attributes {stable_mosaic.version = 14 : i64} {
  func.func @_mf_sc(%arg0: i32, %arg1: i32, %arg2: memref<16384xi32, #tpu.memory_space<hbm>>, %arg3: memref<16384xi32, #tpu.memory_space<hbm>>, %arg4: memref<32x1000000xf32, #tpu.memory_space<hbm>>, %arg5: memref<32x1000000xf32, #tpu.memory_space<hbm>>, %arg6: memref<16384xf32, #tpu.memory_space<hbm>>, %arg7: memref<512xi32, #tpu.memory_space<vmem>>, %arg8: memref<512xi32, #tpu.memory_space<vmem>>, %arg9: memref<30x32x128xf32, #tpu.memory_space<vmem>>, %arg10: memref<32x16xf32, #tpu.memory_space<vmem>>, %arg11: memref<512xf32, #tpu.memory_space<vmem>>, %arg12: memref<!tpu.dma_semaphore, #tpu.memory_space<semaphore_mem>>, %arg13: memref<!tpu.dma_semaphore, #tpu.memory_space<semaphore_mem>>) attributes {dimension_semantics = [#tpu.dimension_semantics<core_parallel>, #tpu.dimension_semantics<subcore_parallel>], iteration_bounds = array<i64: 2, 16>, scalar_prefetch = 0 : i64, scratch_operands = 7 : i64, tpu.core_type = #tpu.core_type<sc_vector_subcore>, window_params = [{transform_indices = #map}, {transform_indices = #map}, {transform_indices = #map1}, {transform_indices = #map1}, {transform_indices = #map}]} {
    %mul3A = arith.constant 2 : i32
    %mul3A_0 = arith.muli %arg1, %mul3A : i32
    %add3A = arith.addi %mul3A_0, %arg0 : i32
    %mul3A_1 = arith.constant 512 : i32
    %mul3A_2 = arith.muli %add3A, %mul3A_1 : i32
    "tpu.region"() ({
      %run_scoped3A = tpu.sem_alloc : memref<!tpu.dma_semaphore, #tpu.memory_space<semaphore_mem>>
      %dma_start3A = tpu.memref_slice %arg2[%mul3A_2] : memref<16384xi32, #tpu.memory_space<hbm>> -> memref<512xi32, #tpu.memory_space<hbm>>
      %dma_start3A_15 = tpu.memref_slice %arg2[%mul3A_2] : memref<16384xi32, #tpu.memory_space<hbm>> -> memref<512xi32, #tpu.memory_space<hbm>>
      tpu.enqueue_dma source(%dma_start3A_15 : memref<512xi32, #tpu.memory_space<hbm>>) target(%arg7 : memref<512xi32, #tpu.memory_space<vmem>>) target_semaphore(%run_scoped3A : memref<!tpu.dma_semaphore, #tpu.memory_space<semaphore_mem>>)
      %dma_wait3A = tpu.memref_slice %arg2[%mul3A_2] : memref<16384xi32, #tpu.memory_space<hbm>> -> memref<512xi32, #tpu.memory_space<hbm>>
      %dma_wait3A_16 = tpu.memref_slice %arg2[%mul3A_2] : memref<16384xi32, #tpu.memory_space<hbm>> -> memref<512xi32, #tpu.memory_space<hbm>>
      tpu.wait_dma2 semaphore(%run_scoped3A : memref<!tpu.dma_semaphore, #tpu.memory_space<semaphore_mem>>) src(%dma_wait3A_16 : memref<512xi32, #tpu.memory_space<hbm>>) dst(%arg7 : memref<512xi32, #tpu.memory_space<vmem>>)
      tpu.yield
    }) : () -> ()
    "tpu.region"() ({
      %run_scoped3A = tpu.sem_alloc : memref<!tpu.dma_semaphore, #tpu.memory_space<semaphore_mem>>
      %dma_start3A = tpu.memref_slice %arg3[%mul3A_2] : memref<16384xi32, #tpu.memory_space<hbm>> -> memref<512xi32, #tpu.memory_space<hbm>>
      %dma_start3A_15 = tpu.memref_slice %arg3[%mul3A_2] : memref<16384xi32, #tpu.memory_space<hbm>> -> memref<512xi32, #tpu.memory_space<hbm>>
      tpu.enqueue_dma source(%dma_start3A_15 : memref<512xi32, #tpu.memory_space<hbm>>) target(%arg8 : memref<512xi32, #tpu.memory_space<vmem>>) target_semaphore(%run_scoped3A : memref<!tpu.dma_semaphore, #tpu.memory_space<semaphore_mem>>)
      %dma_wait3A = tpu.memref_slice %arg3[%mul3A_2] : memref<16384xi32, #tpu.memory_space<hbm>> -> memref<512xi32, #tpu.memory_space<hbm>>
      %dma_wait3A_16 = tpu.memref_slice %arg3[%mul3A_2] : memref<16384xi32, #tpu.memory_space<hbm>> -> memref<512xi32, #tpu.memory_space<hbm>>
      tpu.wait_dma2 semaphore(%run_scoped3A : memref<!tpu.dma_semaphore, #tpu.memory_space<semaphore_mem>>) src(%dma_wait3A_16 : memref<512xi32, #tpu.memory_space<hbm>>) dst(%arg8 : memref<512xi32, #tpu.memory_space<vmem>>)
      tpu.yield
    }) : () -> ()
    %iota3A = tpu.iota {dimensions = array<i32: 0>} : vector<16xi32>
    %lt3A = arith.constant 14 : i32
    %lt3A_3 = vector.broadcast %lt3A : i32 to vector<16xi32>
    %lt3A_4 = arith.cmpi slt, %iota3A, %lt3A_3 : vector<16xi32>
    %add3A_5 = arith.constant 16 : i32
    %add3A_6 = vector.broadcast %add3A_5 : i32 to vector<16xi32>
    %add3A_7 = arith.addi %iota3A, %add3A_6 : vector<16xi32>
    %sub3A = arith.constant 14 : i32
    %sub3A_8 = vector.broadcast %sub3A : i32 to vector<16xi32>
    %sub3A_9 = arith.subi %iota3A, %sub3A_8 : vector<16xi32>
    %select_n3A = arith.select %lt3A_4, %add3A_7, %sub3A_9 : vector<16xi1>, vector<16xi32>
    %scan3A = arith.constant 0 : i32
    %scan3A_10 = arith.constant 0 : i32
    %scan3A_11 = arith.constant 32 : i32
    %scan3A_12 = arith.addi %scan3A_10, %scan3A_11 : i32
    %scan3A_13 = arith.constant 1 : i32
    scf.for %scan3A_15 = %scan3A_10 to %scan3A_12 step %scan3A_13  : i32 {
      %mul3A_16 = arith.constant 16 : i32
      %mul3A_17 = arith.muli %scan3A_15, %mul3A_16 : i32
      %get3A = arith.index_cast %mul3A_17 : i32 to index
      %get3A_18 = tpu.vector_load %arg7[%get3A] {strides = array<i32>} : memref<512xi32, #tpu.memory_space<vmem>>, vector<16xi32>,
      %mul3A_19 = arith.constant 16 : i32
      %mul3A_20 = arith.muli %scan3A_15, %mul3A_19 : i32
      %get3A_21 = arith.index_cast %mul3A_20 : i32 to index
      %get3A_22 = tpu.vector_load %arg8[%get3A_21] {strides = array<i32>} : memref<512xi32, #tpu.memory_space<vmem>>, vector<16xi32>,
      %and3A = arith.constant 127 : i32
      %and3A_23 = vector.broadcast %and3A : i32 to vector<16xi32>
      %and3A_24 = arith.andi %get3A_18, %and3A_23 : vector<16xi32>
      %and3A_25 = arith.constant 127 : i32
      %and3A_26 = vector.broadcast %and3A_25 : i32 to vector<16xi32>
      %and3A_27 = arith.andi %get3A_22, %and3A_26 : vector<16xi32>
      %slice3A = vector.extract_strided_slice %get3A_18 {offsets = [0], sizes = [1], strides = [1]} : vector<16xi32> to vector<1xi32>
      %squeeze3A = vector.extract %slice3A[0] : i32 from vector<1xi32>
      %jit3A = arith.constant 128 : i32
      %div3A = arith.divsi %squeeze3A, %jit3A : i32
      %sign3A = arith.constant 0 : i32
      %sign3A_28 = arith.cmpi sgt, %squeeze3A, %sign3A : i32
      %sign3A_29 = arith.extui %sign3A_28 : i1 to i32
      %sign3A_30 = arith.constant 0 : i32
      %sign3A_31 = arith.cmpi slt, %squeeze3A, %sign3A_30 : i32
      %sign3A_32 = arith.extui %sign3A_31 : i1 to i32
      %sign3A_33 = arith.subi %sign3A_29, %sign3A_32 : i32
      %sign3A_34 = arith.constant 0 : i32
      %sign3A_35 = arith.cmpi sgt, %jit3A, %sign3A_34 : i32
      %sign3A_36 = arith.extui %sign3A_35 : i1 to i32
      %sign3A_37 = arith.constant 0 : i32
      %sign3A_38 = arith.cmpi slt, %jit3A, %sign3A_37 : i32
      %sign3A_39 = arith.extui %sign3A_38 : i1 to i32
      %sign3A_40 = arith.subi %sign3A_36, %sign3A_39 : i32
      %ne3A = arith.cmpi ne, %sign3A_33, %sign3A_40 : i32
      %rem3A = arith.remsi %squeeze3A, %jit3A : i32
      %ne3A_41 = arith.constant 0 : i32
      %ne3A_42 = arith.cmpi ne, %rem3A, %ne3A_41 : i32
      %and3A_43 = arith.andi %ne3A, %ne3A_42 : i1
      %sub3A_44 = arith.constant 1 : i32
      %sub3A_45 = arith.subi %div3A, %sub3A_44 : i32
      %select_n3A_46 = arith.select %and3A_43, %sub3A_45, %div3A : i32
      %mul3A_47 = arith.constant 128 : i32
      %mul3A_48 = arith.muli %select_n3A_46, %mul3A_47 : i32
      %multiple_of3A = tpu.assume_multiple %mul3A_48, 128 : i32
      %dma_start3A = arith.constant 0 : i32
      %dma_start3A_49 = arith.constant 0 : i32
      %dma_start3A_50 = arith.constant 0 : i32
      %dma_start3A_51 = tpu.memref_slice %arg9[%dma_start3A, %dma_start3A_49, %dma_start3A_50] : memref<30x32x128xf32, #tpu.memory_space<vmem>> -> memref<1x32x128xf32, #tpu.memory_space<vmem>>
      %dma_start3A_52 = tpu.memref_squeeze %dma_start3A_51 : memref<1x32x128xf32, #tpu.memory_space<vmem>> -> memref<32x128xf32, #tpu.memory_space<vmem>>
      %dma_start3A_53 = arith.constant 0 : i32
      %dma_start3A_54 = tpu.memref_slice %arg4[%dma_start3A_53, %multiple_of3A] : memref<32x1000000xf32, #tpu.memory_space<hbm>> -> memref<32x128xf32, #tpu.memory_space<hbm>>
      %dma_start3A_55 = arith.constant 0 : i32
      %dma_start3A_56 = arith.constant 0 : i32
      %dma_start3A_57 = tpu.memref_slice %arg9[%dma_start3A, %dma_start3A_55, %dma_start3A_56] : memref<30x32x128xf32, #tpu.memory_space<vmem>> -> memref<1x32x128xf32, #tpu.memory_space<vmem>>
      %dma_start3A_58 = tpu.memref_squeeze %dma_start3A_57 : memref<1x32x128xf32, #tpu.memory_space<vmem>> -> memref<32x128xf32, #tpu.memory_space<vmem>>
      %dma_start3A_59 = arith.constant 0 : i32
      %dma_start3A_60 = tpu.memref_slice %arg4[%dma_start3A_59, %multiple_of3A] : memref<32x1000000xf32, #tpu.memory_space<hbm>> -> memref<32x128xf32, #tpu.memory_space<hbm>>
      tpu.enqueue_dma source(%dma_start3A_60 : memref<32x128xf32, #tpu.memory_space<hbm>>) target(%dma_start3A_58 : memref<32x128xf32, #tpu.memory_space<vmem>>) target_semaphore(%arg12 : memref<!tpu.dma_semaphore, #tpu.memory_space<semaphore_mem>>)
      %slice3A_61 = vector.extract_strided_slice %get3A_18 {offsets = [1], sizes = [1], strides = [1]} : vector<16xi32> to vector<1xi32>
      %squeeze3A_62 = vector.extract %slice3A_61[0] : i32 from vector<1xi32>
      %jit3A_63 = arith.constant 128 : i32
      %div3A_64 = arith.divsi %squeeze3A_62, %jit3A_63 : i32
      %sign3A_65 = arith.constant 0 : i32
      %sign3A_66 = arith.cmpi sgt, %squeeze3A_62, %sign3A_65 : i32
      %sign3A_67 = arith.extui %sign3A_66 : i1 to i32
      %sign3A_68 = arith.constant 0 : i32
      %sign3A_69 = arith.cmpi slt, %squeeze3A_62, %sign3A_68 : i32
      %sign3A_70 = arith.extui %sign3A_69 : i1 to i32
      %sign3A_71 = arith.subi %sign3A_67, %sign3A_70 : i32
      %sign3A_72 = arith.constant 0 : i32
      %sign3A_73 = arith.cmpi sgt, %jit3A_63, %sign3A_72 : i32
      %sign3A_74 = arith.extui %sign3A_73 : i1 to i32
      %sign3A_75 = arith.constant 0 : i32
      %sign3A_76 = arith.cmpi slt, %jit3A_63, %sign3A_75 : i32
      %sign3A_77 = arith.extui %sign3A_76 : i1 to i32
      %sign3A_78 = arith.subi %sign3A_74, %sign3A_77 : i32
      %ne3A_79 = arith.cmpi ne, %sign3A_71, %sign3A_78 : i32
      %rem3A_80 = arith.remsi %squeeze3A_62, %jit3A_63 : i32
      %ne3A_81 = arith.constant 0 : i32
      %ne3A_82 = arith.cmpi ne, %rem3A_80, %ne3A_81 : i32
      %and3A_83 = arith.andi %ne3A_79, %ne3A_82 : i1
      %sub3A_84 = arith.constant 1 : i32
      %sub3A_85 = arith.subi %div3A_64, %sub3A_84 : i32
      %select_n3A_86 = arith.select %and3A_83, %sub3A_85, %div3A_64 : i32
      %mul3A_87 = arith.constant 128 : i32
      %mul3A_88 = arith.muli %select_n3A_86, %mul3A_87 : i32
      %multiple_of3A_89 = tpu.assume_multiple %mul3A_88, 128 : i32
      %dma_start3A_90 = arith.constant 1 : i32
      %dma_start3A_91 = arith.constant 0 : i32
      %dma_start3A_92 = arith.constant 0 : i32
      %dma_start3A_93 = tpu.memref_slice %arg9[%dma_start3A_90, %dma_start3A_91, %dma_start3A_92] : memref<30x32x128xf32, #tpu.memory_space<vmem>> -> memref<1x32x128xf32, #tpu.memory_space<vmem>>
      %dma_start3A_94 = tpu.memref_squeeze %dma_start3A_93 : memref<1x32x128xf32, #tpu.memory_space<vmem>> -> memref<32x128xf32, #tpu.memory_space<vmem>>
      %dma_start3A_95 = arith.constant 0 : i32
      %dma_start3A_96 = tpu.memref_slice %arg4[%dma_start3A_95, %multiple_of3A_89] : memref<32x1000000xf32, #tpu.memory_space<hbm>> -> memref<32x128xf32, #tpu.memory_space<hbm>>
      %dma_start3A_97 = arith.constant 0 : i32
      %dma_start3A_98 = arith.constant 0 : i32
      %dma_start3A_99 = tpu.memref_slice %arg9[%dma_start3A_90, %dma_start3A_97, %dma_start3A_98] : memref<30x32x128xf32, #tpu.memory_space<vmem>> -> memref<1x32x128xf32, #tpu.memory_space<vmem>>
      %dma_start3A_100 = tpu.memref_squeeze %dma_start3A_99 : memref<1x32x128xf32, #tpu.memory_space<vmem>> -> memref<32x128xf32, #tpu.memory_space<vmem>>
      %dma_start3A_101 = arith.constant 0 : i32
      %dma_start3A_102 = tpu.memref_slice %arg4[%dma_start3A_101, %multiple_of3A_89] : memref<32x1000000xf32, #tpu.memory_space<hbm>> -> memref<32x128xf32, #tpu.memory_space<hbm>>
      tpu.enqueue_dma source(%dma_start3A_102 : memref<32x128xf32, #tpu.memory_space<hbm>>) target(%dma_start3A_100 : memref<32x128xf32, #tpu.memory_space<vmem>>) target_semaphore(%arg12 : memref<!tpu.dma_semaphore, #tpu.memory_space<semaphore_mem>>)
      %slice3A_103 = vector.extract_strided_slice %get3A_18 {offsets = [2], sizes = [1], strides = [1]} : vector<16xi32> to vector<1xi32>
      %squeeze3A_104 = vector.extract %slice3A_103[0] : i32 from vector<1xi32>
      %jit3A_105 = arith.constant 128 : i32
      %div3A_106 = arith.divsi %squeeze3A_104, %jit3A_105 : i32
      %sign3A_107 = arith.constant 0 : i32
      %sign3A_108 = arith.cmpi sgt, %squeeze3A_104, %sign3A_107 : i32
      %sign3A_109 = arith.extui %sign3A_108 : i1 to i32
      %sign3A_110 = arith.constant 0 : i32
      %sign3A_111 = arith.cmpi slt, %squeeze3A_104, %sign3A_110 : i32
      %sign3A_112 = arith.extui %sign3A_111 : i1 to i32
      %sign3A_113 = arith.subi %sign3A_109, %sign3A_112 : i32
      %sign3A_114 = arith.constant 0 : i32
      %sign3A_115 = arith.cmpi sgt, %jit3A_105, %sign3A_114 : i32
      %sign3A_116 = arith.extui %sign3A_115 : i1 to i32
      %sign3A_117 = arith.constant 0 : i32
      %sign3A_118 = arith.cmpi slt, %jit3A_105, %sign3A_117 : i32
      %sign3A_119 = arith.extui %sign3A_118 : i1 to i32
      %sign3A_120 = arith.subi %sign3A_116, %sign3A_119 : i32
      %ne3A_121 = arith.cmpi ne, %sign3A_113, %sign3A_120 : i32
      %rem3A_122 = arith.remsi %squeeze3A_104, %jit3A_105 : i32
      %ne3A_123 = arith.constant 0 : i32
      %ne3A_124 = arith.cmpi ne, %rem3A_122, %ne3A_123 : i32
      %and3A_125 = arith.andi %ne3A_121, %ne3A_124 : i1
      %sub3A_126 = arith.constant 1 : i32
      %sub3A_127 = arith.subi %div3A_106, %sub3A_126 : i32
      %select_n3A_128 = arith.select %and3A_125, %sub3A_127, %div3A_106 : i32
      %mul3A_129 = arith.constant 128 : i32
      %mul3A_130 = arith.muli %select_n3A_128, %mul3A_129 : i32
      %multiple_of3A_131 = tpu.assume_multiple %mul3A_130, 128 : i32
      %dma_start3A_132 = arith.constant 2 : i32
      %dma_start3A_133 = arith.constant 0 : i32
      %dma_start3A_134 = arith.constant 0 : i32
      %dma_start3A_135 = tpu.memref_slice %arg9[%dma_start3A_132, %dma_start3A_133, %dma_start3A_134] : memref<30x32x128xf32, #tpu.memory_space<vmem>> -> memref<1x32x128xf32, #tpu.memory_space<vmem>>
      %dma_start3A_136 = tpu.memref_squeeze %dma_start3A_135 : memref<1x32x128xf32, #tpu.memory_space<vmem>> -> memref<32x128xf32, #tpu.memory_space<vmem>>
      %dma_start3A_137 = arith.constant 0 : i32
      %dma_start3A_138 = tpu.memref_slice %arg4[%dma_start3A_137, %multiple_of3A_131] : memref<32x1000000xf32, #tpu.memory_space<hbm>> -> memref<32x128xf32, #tpu.memory_space<hbm>>
      %dma_start3A_139 = arith.constant 0 : i32
      %dma_start3A_140 = arith.constant 0 : i32
      %dma_start3A_141 = tpu.memref_slice %arg9[%dma_start3A_132, %dma_start3A_139, %dma_start3A_140] : memref<30x32x128xf32, #tpu.memory_space<vmem>> -> memref<1x32x128xf32, #tpu.memory_space<vmem>>
      %dma_start3A_142 = tpu.memref_squeeze %dma_start3A_141 : memref<1x32x128xf32, #tpu.memory_space<vmem>> -> memref<32x128xf32, #tpu.memory_space<vmem>>
      %dma_start3A_143 = arith.constant 0 : i32
      %dma_start3A_144 = tpu.memref_slice %arg4[%dma_start3A_143, %multiple_of3A_131] : memref<32x1000000xf32, #tpu.memory_space<hbm>> -> memref<32x128xf32, #tpu.memory_space<hbm>>
      tpu.enqueue_dma source(%dma_start3A_144 : memref<32x128xf32, #tpu.memory_space<hbm>>) target(%dma_start3A_142 : memref<32x128xf32, #tpu.memory_space<vmem>>) target_semaphore(%arg12 : memref<!tpu.dma_semaphore, #tpu.memory_space<semaphore_mem>>)
      %slice3A_145 = vector.extract_strided_slice %get3A_18 {offsets = [3], sizes = [1], strides = [1]} : vector<16xi32> to vector<1xi32>
      %squeeze3A_146 = vector.extract %slice3A_145[0] : i32 from vector<1xi32>
      %jit3A_147 = arith.constant 128 : i32
      %div3A_148 = arith.divsi %squeeze3A_146, %jit3A_147 : i32
      %sign3A_149 = arith.constant 0 : i32
      %sign3A_150 = arith.cmpi sgt, %squeeze3A_146, %sign3A_149 : i32
      %sign3A_151 = arith.extui %sign3A_150 : i1 to i32
      %sign3A_152 = arith.constant 0 : i32
      %sign3A_153 = arith.cmpi slt, %squeeze3A_146, %sign3A_152 : i32
      %sign3A_154 = arith.extui %sign3A_153 : i1 to i32
      %sign3A_155 = arith.subi %sign3A_151, %sign3A_154 : i32
      %sign3A_156 = arith.constant 0 : i32
      %sign3A_157 = arith.cmpi sgt, %jit3A_147, %sign3A_156 : i32
      %sign3A_158 = arith.extui %sign3A_157 : i1 to i32
      %sign3A_159 = arith.constant 0 : i32
      %sign3A_160 = arith.cmpi slt, %jit3A_147, %sign3A_159 : i32
      %sign3A_161 = arith.extui %sign3A_160 : i1 to i32
      %sign3A_162 = arith.subi %sign3A_158, %sign3A_161 : i32
      %ne3A_163 = arith.cmpi ne, %sign3A_155, %sign3A_162 : i32
      %rem3A_164 = arith.remsi %squeeze3A_146, %jit3A_147 : i32
      %ne3A_165 = arith.constant 0 : i32
      %ne3A_166 = arith.cmpi ne, %rem3A_164, %ne3A_165 : i32
      %and3A_167 = arith.andi %ne3A_163, %ne3A_166 : i1
      %sub3A_168 = arith.constant 1 : i32
      %sub3A_169 = arith.subi %div3A_148, %sub3A_168 : i32
      %select_n3A_170 = arith.select %and3A_167, %sub3A_169, %div3A_148 : i32
      %mul3A_171 = arith.constant 128 : i32
      %mul3A_172 = arith.muli %select_n3A_170, %mul3A_171 : i32
      %multiple_of3A_173 = tpu.assume_multiple %mul3A_172, 128 : i32
      %dma_start3A_174 = arith.constant 3 : i32
      %dma_start3A_175 = arith.constant 0 : i32
      %dma_start3A_176 = arith.constant 0 : i32
      %dma_start3A_177 = tpu.memref_slice %arg9[%dma_start3A_174, %dma_start3A_175, %dma_start3A_176] : memref<30x32x128xf32, #tpu.memory_space<vmem>> -> memref<1x32x128xf32, #tpu.memory_space<vmem>>
      %dma_start3A_178 = tpu.memref_squeeze %dma_start3A_177 : memref<1x32x128xf32, #tpu.memory_space<vmem>> -> memref<32x128xf32, #tpu.memory_space<vmem>>
      %dma_start3A_179 = arith.constant 0 : i32
      %dma_start3A_180 = tpu.memref_slice %arg4[%dma_start3A_179, %multiple_of3A_173] : memref<32x1000000xf32, #tpu.memory_space<hbm>> -> memref<32x128xf32, #tpu.memory_space<hbm>>
      %dma_start3A_181 = arith.constant 0 : i32
      %dma_start3A_182 = arith.constant 0 : i32
      %dma_start3A_183 = tpu.memref_slice %arg9[%dma_start3A_174, %dma_start3A_181, %dma_start3A_182] : memref<30x32x128xf32, #tpu.memory_space<vmem>> -> memref<1x32x128xf32, #tpu.memory_space<vmem>>
      %dma_start3A_184 = tpu.memref_squeeze %dma_start3A_183 : memref<1x32x128xf32, #tpu.memory_space<vmem>> -> memref<32x128xf32, #tpu.memory_space<vmem>>
      %dma_start3A_185 = arith.constant 0 : i32
      %dma_start3A_186 = tpu.memref_slice %arg4[%dma_start3A_185, %multiple_of3A_173] : memref<32x1000000xf32, #tpu.memory_space<hbm>> -> memref<32x128xf32, #tpu.memory_space<hbm>>
      tpu.enqueue_dma source(%dma_start3A_186 : memref<32x128xf32, #tpu.memory_space<hbm>>) target(%dma_start3A_184 : memref<32x128xf32, #tpu.memory_space<vmem>>) target_semaphore(%arg12 : memref<!tpu.dma_semaphore, #tpu.memory_space<semaphore_mem>>)
      %slice3A_187 = vector.extract_strided_slice %get3A_18 {offsets = [4], sizes = [1], strides = [1]} : vector<16xi32> to vector<1xi32>
      %squeeze3A_188 = vector.extract %slice3A_187[0] : i32 from vector<1xi32>
      %jit3A_189 = arith.constant 128 : i32
      %div3A_190 = arith.divsi %squeeze3A_188, %jit3A_189 : i32
      %sign3A_191 = arith.constant 0 : i32
      %sign3A_192 = arith.cmpi sgt, %squeeze3A_188, %sign3A_191 : i32
      %sign3A_193 = arith.extui %sign3A_192 : i1 to i32
      %sign3A_194 = arith.constant 0 : i32
      %sign3A_195 = arith.cmpi slt, %squeeze3A_188, %sign3A_194 : i32
      %sign3A_196 = arith.extui %sign3A_195 : i1 to i32
      %sign3A_197 = arith.subi %sign3A_193, %sign3A_196 : i32
      %sign3A_198 = arith.constant 0 : i32
      %sign3A_199 = arith.cmpi sgt, %jit3A_189, %sign3A_198 : i32
      %sign3A_200 = arith.extui %sign3A_199 : i1 to i32
      %sign3A_201 = arith.constant 0 : i32
      %sign3A_202 = arith.cmpi slt, %jit3A_189, %sign3A_201 : i32
      %sign3A_203 = arith.extui %sign3A_202 : i1 to i32
      %sign3A_204 = arith.subi %sign3A_200, %sign3A_203 : i32
      %ne3A_205 = arith.cmpi ne, %sign3A_197, %sign3A_204 : i32
      %rem3A_206 = arith.remsi %squeeze3A_188, %jit3A_189 : i32
      %ne3A_207 = arith.constant 0 : i32
      %ne3A_208 = arith.cmpi ne, %rem3A_206, %ne3A_207 : i32
      %and3A_209 = arith.andi %ne3A_205, %ne3A_208 : i1
      %sub3A_210 = arith.constant 1 : i32
      %sub3A_211 = arith.subi %div3A_190, %sub3A_210 : i32
      %select_n3A_212 = arith.select %and3A_209, %sub3A_211, %div3A_190 : i32
      %mul3A_213 = arith.constant 128 : i32
      %mul3A_214 = arith.muli %select_n3A_212, %mul3A_213 : i32
      %multiple_of3A_215 = tpu.assume_multiple %mul3A_214, 128 : i32
      %dma_start3A_216 = arith.constant 4 : i32
      %dma_start3A_217 = arith.constant 0 : i32
      %dma_start3A_218 = arith.constant 0 : i32
      %dma_start3A_219 = tpu.memref_slice %arg9[%dma_start3A_216, %dma_start3A_217, %dma_start3A_218] : memref<30x32x128xf32, #tpu.memory_space<vmem>> -> memref<1x32x128xf32, #tpu.memory_space<vmem>>
      %dma_start3A_220 = tpu.memref_squeeze %dma_start3A_219 : memref<1x32x128xf32, #tpu.memory_space<vmem>> -> memref<32x128xf32, #tpu.memory_space<vmem>>
      %dma_start3A_221 = arith.constant 0 : i32
      %dma_start3A_222 = tpu.memref_slice %arg4[%dma_start3A_221, %multiple_of3A_215] : memref<32x1000000xf32, #tpu.memory_space<hbm>> -> memref<32x128xf32, #tpu.memory_space<hbm>>
      %dma_start3A_223 = arith.constant 0 : i32
      %dma_start3A_224 = arith.constant 0 : i32
      %dma_start3A_225 = tpu.memref_slice %arg9[%dma_start3A_216, %dma_start3A_223, %dma_start3A_224] : memref<30x32x128xf32, #tpu.memory_space<vmem>> -> memref<1x32x128xf32, #tpu.memory_space<vmem>>
      %dma_start3A_226 = tpu.memref_squeeze %dma_start3A_225 : memref<1x32x128xf32, #tpu.memory_space<vmem>> -> memref<32x128xf32, #tpu.memory_space<vmem>>
      %dma_start3A_227 = arith.constant 0 : i32
      %dma_start3A_228 = tpu.memref_slice %arg4[%dma_start3A_227, %multiple_of3A_215] : memref<32x1000000xf32, #tpu.memory_space<hbm>> -> memref<32x128xf32, #tpu.memory_space<hbm>>
      tpu.enqueue_dma source(%dma_start3A_228 : memref<32x128xf32, #tpu.memory_space<hbm>>) target(%dma_start3A_226 : memref<32x128xf32, #tpu.memory_space<vmem>>) target_semaphore(%arg12 : memref<!tpu.dma_semaphore, #tpu.memory_space<semaphore_mem>>)
      %slice3A_229 = vector.extract_strided_slice %get3A_18 {offsets = [5], sizes = [1], strides = [1]} : vector<16xi32> to vector<1xi32>
      %squeeze3A_230 = vector.extract %slice3A_229[0] : i32 from vector<1xi32>
      %jit3A_231 = arith.constant 128 : i32
      %div3A_232 = arith.divsi %squeeze3A_230, %jit3A_231 : i32
      %sign3A_233 = arith.constant 0 : i32
      %sign3A_234 = arith.cmpi sgt, %squeeze3A_230, %sign3A_233 : i32
      %sign3A_235 = arith.extui %sign3A_234 : i1 to i32
      %sign3A_236 = arith.constant 0 : i32
      %sign3A_237 = arith.cmpi slt, %squeeze3A_230, %sign3A_236 : i32
      %sign3A_238 = arith.extui %sign3A_237 : i1 to i32
      %sign3A_239 = arith.subi %sign3A_235, %sign3A_238 : i32
      %sign3A_240 = arith.constant 0 : i32
      %sign3A_241 = arith.cmpi sgt, %jit3A_231, %sign3A_240 : i32
      %sign3A_242 = arith.extui %sign3A_241 : i1 to i32
      %sign3A_243 = arith.constant 0 : i32
      %sign3A_244 = arith.cmpi slt, %jit3A_231, %sign3A_243 : i32
      %sign3A_245 = arith.extui %sign3A_244 : i1 to i32
      %sign3A_246 = arith.subi %sign3A_242, %sign3A_245 : i32
      %ne3A_247 = arith.cmpi ne, %sign3A_239, %sign3A_246 : i32
      %rem3A_248 = arith.remsi %squeeze3A_230, %jit3A_231 : i32
      %ne3A_249 = arith.constant 0 : i32
      %ne3A_250 = arith.cmpi ne, %rem3A_248, %ne3A_249 : i32
      %and3A_251 = arith.andi %ne3A_247, %ne3A_250 : i1
      %sub3A_252 = arith.constant 1 : i32
      %sub3A_253 = arith.subi %div3A_232, %sub3A_252 : i32
      %select_n3A_254 = arith.select %and3A_251, %sub3A_253, %div3A_232 : i32
      %mul3A_255 = arith.constant 128 : i32
      %mul3A_256 = arith.muli %select_n3A_254, %mul3A_255 : i32
      %multiple_of3A_257 = tpu.assume_multiple %mul3A_256, 128 : i32
      %dma_start3A_258 = arith.constant 5 : i32
      %dma_start3A_259 = arith.constant 0 : i32
      %dma_start3A_260 = arith.constant 0 : i32
      %dma_start3A_261 = tpu.memref_slice %arg9[%dma_start3A_258, %dma_start3A_259, %dma_start3A_260] : memref<30x32x128xf32, #tpu.memory_space<vmem>> -> memref<1x32x128xf32, #tpu.memory_space<vmem>>
      %dma_start3A_262 = tpu.memref_squeeze %dma_start3A_261 : memref<1x32x128xf32, #tpu.memory_space<vmem>> -> memref<32x128xf32, #tpu.memory_space<vmem>>
      %dma_start3A_263 = arith.constant 0 : i32
      %dma_start3A_264 = tpu.memref_slice %arg4[%dma_start3A_263, %multiple_of3A_257] : memref<32x1000000xf32, #tpu.memory_space<hbm>> -> memref<32x128xf32, #tpu.memory_space<hbm>>
      %dma_start3A_265 = arith.constant 0 : i32
      %dma_start3A_266 = arith.constant 0 : i32
      %dma_start3A_267 = tpu.memref_slice %arg9[%dma_start3A_258, %dma_start3A_265, %dma_start3A_266] : memref<30x32x128xf32, #tpu.memory_space<vmem>> -> memref<1x32x128xf32, #tpu.memory_space<vmem>>
      %dma_start3A_268 = tpu.memref_squeeze %dma_start3A_267 : memref<1x32x128xf32, #tpu.memory_space<vmem>> -> memref<32x128xf32, #tpu.memory_space<vmem>>
      %dma_start3A_269 = arith.constant 0 : i32
      %dma_start3A_270 = tpu.memref_slice %arg4[%dma_start3A_269, %multiple_of3A_257] : memref<32x1000000xf32, #tpu.memory_space<hbm>> -> memref<32x128xf32, #tpu.memory_space<hbm>>
      tpu.enqueue_dma source(%dma_start3A_270 : memref<32x128xf32, #tpu.memory_space<hbm>>) target(%dma_start3A_268 : memref<32x128xf32, #tpu.memory_space<vmem>>) target_semaphore(%arg12 : memref<!tpu.dma_semaphore, #tpu.memory_space<semaphore_mem>>)
      %slice3A_271 = vector.extract_strided_slice %get3A_18 {offsets = [6], sizes = [1], strides = [1]} : vector<16xi32> to vector<1xi32>
      %squeeze3A_272 = vector.extract %slice3A_271[0] : i32 from vector<1xi32>
      %jit3A_273 = arith.constant 128 : i32
      %div3A_274 = arith.divsi %squeeze3A_272, %jit3A_273 : i32
      %sign3A_275 = arith.constant 0 : i32
      %sign3A_276 = arith.cmpi sgt, %squeeze3A_272, %sign3A_275 : i32
      %sign3A_277 = arith.extui %sign3A_276 : i1 to i32
      %sign3A_278 = arith.constant 0 : i32
      %sign3A_279 = arith.cmpi slt, %squeeze3A_272, %sign3A_278 : i32
      %sign3A_280 = arith.extui %sign3A_279 : i1 to i32
      %sign3A_281 = arith.subi %sign3A_277, %sign3A_280 : i32
      %sign3A_282 = arith.constant 0 : i32
      %sign3A_283 = arith.cmpi sgt, %jit3A_273, %sign3A_282 : i32
      %sign3A_284 = arith.extui %sign3A_283 : i1 to i32
      %sign3A_285 = arith.constant 0 : i32
      %sign3A_286 = arith.cmpi slt, %jit3A_273, %sign3A_285 : i32
      %sign3A_287 = arith.extui %sign3A_286 : i1 to i32
      %sign3A_288 = arith.subi %sign3A_284, %sign3A_287 : i32
      %ne3A_289 = arith.cmpi ne, %sign3A_281, %sign3A_288 : i32
      %rem3A_290 = arith.remsi %squeeze3A_272, %jit3A_273 : i32
      %ne3A_291 = arith.constant 0 : i32
      %ne3A_292 = arith.cmpi ne, %rem3A_290, %ne3A_291 : i32
      %and3A_293 = arith.andi %ne3A_289, %ne3A_292 : i1
      %sub3A_294 = arith.constant 1 : i32
      %sub3A_295 = arith.subi %div3A_274, %sub3A_294 : i32
      %select_n3A_296 = arith.select %and3A_293, %sub3A_295, %div3A_274 : i32
      %mul3A_297 = arith.constant 128 : i32
      %mul3A_298 = arith.muli %select_n3A_296, %mul3A_297 : i32
      %multiple_of3A_299 = tpu.assume_multiple %mul3A_298, 128 : i32
      %dma_start3A_300 = arith.constant 6 : i32
      %dma_start3A_301 = arith.constant 0 : i32
      %dma_start3A_302 = arith.constant 0 : i32
      %dma_start3A_303 = tpu.memref_slice %arg9[%dma_start3A_300, %dma_start3A_301, %dma_start3A_302] : memref<30x32x128xf32, #tpu.memory_space<vmem>> -> memref<1x32x128xf32, #tpu.memory_space<vmem>>
      %dma_start3A_304 = tpu.memref_squeeze %dma_start3A_303 : memref<1x32x128xf32, #tpu.memory_space<vmem>> -> memref<32x128xf32, #tpu.memory_space<vmem>>
      %dma_start3A_305 = arith.constant 0 : i32
      %dma_start3A_306 = tpu.memref_slice %arg4[%dma_start3A_305, %multiple_of3A_299] : memref<32x1000000xf32, #tpu.memory_space<hbm>> -> memref<32x128xf32, #tpu.memory_space<hbm>>
      %dma_start3A_307 = arith.constant 0 : i32
      %dma_start3A_308 = arith.constant 0 : i32
      %dma_start3A_309 = tpu.memref_slice %arg9[%dma_start3A_300, %dma_start3A_307, %dma_start3A_308] : memref<30x32x128xf32, #tpu.memory_space<vmem>> -> memref<1x32x128xf32, #tpu.memory_space<vmem>>
      %dma_start3A_310 = tpu.memref_squeeze %dma_start3A_309 : memref<1x32x128xf32, #tpu.memory_space<vmem>> -> memref<32x128xf32, #tpu.memory_space<vmem>>
      %dma_start3A_311 = arith.constant 0 : i32
      %dma_start3A_312 = tpu.memref_slice %arg4[%dma_start3A_311, %multiple_of3A_299] : memref<32x1000000xf32, #tpu.memory_space<hbm>> -> memref<32x128xf32, #tpu.memory_space<hbm>>
      tpu.enqueue_dma source(%dma_start3A_312 : memref<32x128xf32, #tpu.memory_space<hbm>>) target(%dma_start3A_310 : memref<32x128xf32, #tpu.memory_space<vmem>>) target_semaphore(%arg12 : memref<!tpu.dma_semaphore, #tpu.memory_space<semaphore_mem>>)
      %slice3A_313 = vector.extract_strided_slice %get3A_18 {offsets = [7], sizes = [1], strides = [1]} : vector<16xi32> to vector<1xi32>
      %squeeze3A_314 = vector.extract %slice3A_313[0] : i32 from vector<1xi32>
      %jit3A_315 = arith.constant 128 : i32
      %div3A_316 = arith.divsi %squeeze3A_314, %jit3A_315 : i32
      %sign3A_317 = arith.constant 0 : i32
      %sign3A_318 = arith.cmpi sgt, %squeeze3A_314, %sign3A_317 : i32
      %sign3A_319 = arith.extui %sign3A_318 : i1 to i32
      %sign3A_320 = arith.constant 0 : i32
      %sign3A_321 = arith.cmpi slt, %squeeze3A_314, %sign3A_320 : i32
      %sign3A_322 = arith.extui %sign3A_321 : i1 to i32
      %sign3A_323 = arith.subi %sign3A_319, %sign3A_322 : i32
      %sign3A_324 = arith.constant 0 : i32
      %sign3A_325 = arith.cmpi sgt, %jit3A_315, %sign3A_324 : i32
      %sign3A_326 = arith.extui %sign3A_325 : i1 to i32
      %sign3A_327 = arith.constant 0 : i32
      %sign3A_328 = arith.cmpi slt, %jit3A_315, %sign3A_327 : i32
      %sign3A_329 = arith.extui %sign3A_328 : i1 to i32
      %sign3A_330 = arith.subi %sign3A_326, %sign3A_329 : i32
      %ne3A_331 = arith.cmpi ne, %sign3A_323, %sign3A_330 : i32
      %rem3A_332 = arith.remsi %squeeze3A_314, %jit3A_315 : i32
      %ne3A_333 = arith.constant 0 : i32
      %ne3A_334 = arith.cmpi ne, %rem3A_332, %ne3A_333 : i32
      %and3A_335 = arith.andi %ne3A_331, %ne3A_334 : i1
      %sub3A_336 = arith.constant 1 : i32
      %sub3A_337 = arith.subi %div3A_316, %sub3A_336 : i32
      %select_n3A_338 = arith.select %and3A_335, %sub3A_337, %div3A_316 : i32
      %mul3A_339 = arith.constant 128 : i32
      %mul3A_340 = arith.muli %select_n3A_338, %mul3A_339 : i32
      %multiple_of3A_341 = tpu.assume_multiple %mul3A_340, 128 : i32
      %dma_start3A_342 = arith.constant 7 : i32
      %dma_start3A_343 = arith.constant 0 : i32
      %dma_start3A_344 = arith.constant 0 : i32
      %dma_start3A_345 = tpu.memref_slice %arg9[%dma_start3A_342, %dma_start3A_343, %dma_start3A_344] : memref<30x32x128xf32, #tpu.memory_space<vmem>> -> memref<1x32x128xf32, #tpu.memory_space<vmem>>
      %dma_start3A_346 = tpu.memref_squeeze %dma_start3A_345 : memref<1x32x128xf32, #tpu.memory_space<vmem>> -> memref<32x128xf32, #tpu.memory_space<vmem>>
      %dma_start3A_347 = arith.constant 0 : i32
      %dma_start3A_348 = tpu.memref_slice %arg4[%dma_start3A_347, %multiple_of3A_341] : memref<32x1000000xf32, #tpu.memory_space<hbm>> -> memref<32x128xf32, #tpu.memory_space<hbm>>
      %dma_start3A_349 = arith.constant 0 : i32
      %dma_start3A_350 = arith.constant 0 : i32
      %dma_start3A_351 = tpu.memref_slice %arg9[%dma_start3A_342, %dma_start3A_349, %dma_start3A_350] : memref<30x32x128xf32, #tpu.memory_space<vmem>> -> memref<1x32x128xf32, #tpu.memory_space<vmem>>
      %dma_start3A_352 = tpu.memref_squeeze %dma_start3A_351 : memref<1x32x128xf32, #tpu.memory_space<vmem>> -> memref<32x128xf32, #tpu.memory_space<vmem>>
      %dma_start3A_353 = arith.constant 0 : i32
      %dma_start3A_354 = tpu.memref_slice %arg4[%dma_start3A_353, %multiple_of3A_341] : memref<32x1000000xf32, #tpu.memory_space<hbm>> -> memref<32x128xf32, #tpu.memory_space<hbm>>
      tpu.enqueue_dma source(%dma_start3A_354 : memref<32x128xf32, #tpu.memory_space<hbm>>) target(%dma_start3A_352 : memref<32x128xf32, #tpu.memory_space<vmem>>) target_semaphore(%arg12 : memref<!tpu.dma_semaphore, #tpu.memory_space<semaphore_mem>>)
      %slice3A_355 = vector.extract_strided_slice %get3A_18 {offsets = [8], sizes = [1], strides = [1]} : vector<16xi32> to vector<1xi32>
      %squeeze3A_356 = vector.extract %slice3A_355[0] : i32 from vector<1xi32>
      %jit3A_357 = arith.constant 128 : i32
      %div3A_358 = arith.divsi %squeeze3A_356, %jit3A_357 : i32
      %sign3A_359 = arith.constant 0 : i32
      %sign3A_360 = arith.cmpi sgt, %squeeze3A_356, %sign3A_359 : i32
      %sign3A_361 = arith.extui %sign3A_360 : i1 to i32
      %sign3A_362 = arith.constant 0 : i32
      %sign3A_363 = arith.cmpi slt, %squeeze3A_356, %sign3A_362 : i32
      %sign3A_364 = arith.extui %sign3A_363 : i1 to i32
      %sign3A_365 = arith.subi %sign3A_361, %sign3A_364 : i32
      %sign3A_366 = arith.constant 0 : i32
      %sign3A_367 = arith.cmpi sgt, %jit3A_357, %sign3A_366 : i32
      %sign3A_368 = arith.extui %sign3A_367 : i1 to i32
      %sign3A_369 = arith.constant 0 : i32
      %sign3A_370 = arith.cmpi slt, %jit3A_357, %sign3A_369 : i32
      %sign3A_371 = arith.extui %sign3A_370 : i1 to i32
      %sign3A_372 = arith.subi %sign3A_368, %sign3A_371 : i32
      %ne3A_373 = arith.cmpi ne, %sign3A_365, %sign3A_372 : i32
      %rem3A_374 = arith.remsi %squeeze3A_356, %jit3A_357 : i32
      %ne3A_375 = arith.constant 0 : i32
      %ne3A_376 = arith.cmpi ne, %rem3A_374, %ne3A_375 : i32
      %and3A_377 = arith.andi %ne3A_373, %ne3A_376 : i1
      %sub3A_378 = arith.constant 1 : i32
      %sub3A_379 = arith.subi %div3A_358, %sub3A_378 : i32
      %select_n3A_380 = arith.select %and3A_377, %sub3A_379, %div3A_358 : i32
      %mul3A_381 = arith.constant 128 : i32
      %mul3A_382 = arith.muli %select_n3A_380, %mul3A_381 : i32
      %multiple_of3A_383 = tpu.assume_multiple %mul3A_382, 128 : i32
      %dma_start3A_384 = arith.constant 8 : i32
      %dma_start3A_385 = arith.constant 0 : i32
      %dma_start3A_386 = arith.constant 0 : i32
      %dma_start3A_387 = tpu.memref_slice %arg9[%dma_start3A_384, %dma_start3A_385, %dma_start3A_386] : memref<30x32x128xf32, #tpu.memory_space<vmem>> -> memref<1x32x128xf32, #tpu.memory_space<vmem>>
      %dma_start3A_388 = tpu.memref_squeeze %dma_start3A_387 : memref<1x32x128xf32, #tpu.memory_space<vmem>> -> memref<32x128xf32, #tpu.memory_space<vmem>>
      %dma_start3A_389 = arith.constant 0 : i32
      %dma_start3A_390 = tpu.memref_slice %arg4[%dma_start3A_389, %multiple_of3A_383] : memref<32x1000000xf32, #tpu.memory_space<hbm>> -> memref<32x128xf32, #tpu.memory_space<hbm>>
      %dma_start3A_391 = arith.constant 0 : i32
      %dma_start3A_392 = arith.constant 0 : i32
      %dma_start3A_393 = tpu.memref_slice %arg9[%dma_start3A_384, %dma_start3A_391, %dma_start3A_392] : memref<30x32x128xf32, #tpu.memory_space<vmem>> -> memref<1x32x128xf32, #tpu.memory_space<vmem>>
      %dma_start3A_394 = tpu.memref_squeeze %dma_start3A_393 : memref<1x32x128xf32, #tpu.memory_space<vmem>> -> memref<32x128xf32, #tpu.memory_space<vmem>>
      %dma_start3A_395 = arith.constant 0 : i32
      %dma_start3A_396 = tpu.memref_slice %arg4[%dma_start3A_395, %multiple_of3A_383] : memref<32x1000000xf32, #tpu.memory_space<hbm>> -> memref<32x128xf32, #tpu.memory_space<hbm>>
      tpu.enqueue_dma source(%dma_start3A_396 : memref<32x128xf32, #tpu.memory_space<hbm>>) target(%dma_start3A_394 : memref<32x128xf32, #tpu.memory_space<vmem>>) target_semaphore(%arg12 : memref<!tpu.dma_semaphore, #tpu.memory_space<semaphore_mem>>)
      %slice3A_397 = vector.extract_strided_slice %get3A_18 {offsets = [9], sizes = [1], strides = [1]} : vector<16xi32> to vector<1xi32>
      %squeeze3A_398 = vector.extract %slice3A_397[0] : i32 from vector<1xi32>
      %jit3A_399 = arith.constant 128 : i32
      %div3A_400 = arith.divsi %squeeze3A_398, %jit3A_399 : i32
      %sign3A_401 = arith.constant 0 : i32
      %sign3A_402 = arith.cmpi sgt, %squeeze3A_398, %sign3A_401 : i32
      %sign3A_403 = arith.extui %sign3A_402 : i1 to i32
      %sign3A_404 = arith.constant 0 : i32
      %sign3A_405 = arith.cmpi slt, %squeeze3A_398, %sign3A_404 : i32
      %sign3A_406 = arith.extui %sign3A_405 : i1 to i32
      %sign3A_407 = arith.subi %sign3A_403, %sign3A_406 : i32
      %sign3A_408 = arith.constant 0 : i32
      %sign3A_409 = arith.cmpi sgt, %jit3A_399, %sign3A_408 : i32
      %sign3A_410 = arith.extui %sign3A_409 : i1 to i32
      %sign3A_411 = arith.constant 0 : i32
      %sign3A_412 = arith.cmpi slt, %jit3A_399, %sign3A_411 : i32
      %sign3A_413 = arith.extui %sign3A_412 : i1 to i32
      %sign3A_414 = arith.subi %sign3A_410, %sign3A_413 : i32
      %ne3A_415 = arith.cmpi ne, %sign3A_407, %sign3A_414 : i32
      %rem3A_416 = arith.remsi %squeeze3A_398, %jit3A_399 : i32
      %ne3A_417 = arith.constant 0 : i32
      %ne3A_418 = arith.cmpi ne, %rem3A_416, %ne3A_417 : i32
      %and3A_419 = arith.andi %ne3A_415, %ne3A_418 : i1
      %sub3A_420 = arith.constant 1 : i32
      %sub3A_421 = arith.subi %div3A_400, %sub3A_420 : i32
      %select_n3A_422 = arith.select %and3A_419, %sub3A_421, %div3A_400 : i32
      %mul3A_423 = arith.constant 128 : i32
      %mul3A_424 = arith.muli %select_n3A_422, %mul3A_423 : i32
      %multiple_of3A_425 = tpu.assume_multiple %mul3A_424, 128 : i32
      %dma_start3A_426 = arith.constant 9 : i32
      %dma_start3A_427 = arith.constant 0 : i32
      %dma_start3A_428 = arith.constant 0 : i32
      %dma_start3A_429 = tpu.memref_slice %arg9[%dma_start3A_426, %dma_start3A_427, %dma_start3A_428] : memref<30x32x128xf32, #tpu.memory_space<vmem>> -> memref<1x32x128xf32, #tpu.memory_space<vmem>>
      %dma_start3A_430 = tpu.memref_squeeze %dma_start3A_429 : memref<1x32x128xf32, #tpu.memory_space<vmem>> -> memref<32x128xf32, #tpu.memory_space<vmem>>
      %dma_start3A_431 = arith.constant 0 : i32
      %dma_start3A_432 = tpu.memref_slice %arg4[%dma_start3A_431, %multiple_of3A_425] : memref<32x1000000xf32, #tpu.memory_space<hbm>> -> memref<32x128xf32, #tpu.memory_space<hbm>>
      %dma_start3A_433 = arith.constant 0 : i32
      %dma_start3A_434 = arith.constant 0 : i32
      %dma_start3A_435 = tpu.memref_slice %arg9[%dma_start3A_426, %dma_start3A_433, %dma_start3A_434] : memref<30x32x128xf32, #tpu.memory_space<vmem>> -> memref<1x32x128xf32, #tpu.memory_space<vmem>>
      %dma_start3A_436 = tpu.memref_squeeze %dma_start3A_435 : memref<1x32x128xf32, #tpu.memory_space<vmem>> -> memref<32x128xf32, #tpu.memory_space<vmem>>
      %dma_start3A_437 = arith.constant 0 : i32
      %dma_start3A_438 = tpu.memref_slice %arg4[%dma_start3A_437, %multiple_of3A_425] : memref<32x1000000xf32, #tpu.memory_space<hbm>> -> memref<32x128xf32, #tpu.memory_space<hbm>>
      tpu.enqueue_dma source(%dma_start3A_438 : memref<32x128xf32, #tpu.memory_space<hbm>>) target(%dma_start3A_436 : memref<32x128xf32, #tpu.memory_space<vmem>>) target_semaphore(%arg12 : memref<!tpu.dma_semaphore, #tpu.memory_space<semaphore_mem>>)
      %slice3A_439 = vector.extract_strided_slice %get3A_18 {offsets = [10], sizes = [1], strides = [1]} : vector<16xi32> to vector<1xi32>
      %squeeze3A_440 = vector.extract %slice3A_439[0] : i32 from vector<1xi32>
      %jit3A_441 = arith.constant 128 : i32
      %div3A_442 = arith.divsi %squeeze3A_440, %jit3A_441 : i32
      %sign3A_443 = arith.constant 0 : i32
      %sign3A_444 = arith.cmpi sgt, %squeeze3A_440, %sign3A_443 : i32
      %sign3A_445 = arith.extui %sign3A_444 : i1 to i32
      %sign3A_446 = arith.constant 0 : i32
      %sign3A_447 = arith.cmpi slt, %squeeze3A_440, %sign3A_446 : i32
      %sign3A_448 = arith.extui %sign3A_447 : i1 to i32
      %sign3A_449 = arith.subi %sign3A_445, %sign3A_448 : i32
      %sign3A_450 = arith.constant 0 : i32
      %sign3A_451 = arith.cmpi sgt, %jit3A_441, %sign3A_450 : i32
      %sign3A_452 = arith.extui %sign3A_451 : i1 to i32
      %sign3A_453 = arith.constant 0 : i32
      %sign3A_454 = arith.cmpi slt, %jit3A_441, %sign3A_453 : i32
      %sign3A_455 = arith.extui %sign3A_454 : i1 to i32
      %sign3A_456 = arith.subi %sign3A_452, %sign3A_455 : i32
      %ne3A_457 = arith.cmpi ne, %sign3A_449, %sign3A_456 : i32
      %rem3A_458 = arith.remsi %squeeze3A_440, %jit3A_441 : i32
      %ne3A_459 = arith.constant 0 : i32
      %ne3A_460 = arith.cmpi ne, %rem3A_458, %ne3A_459 : i32
      %and3A_461 = arith.andi %ne3A_457, %ne3A_460 : i1
      %sub3A_462 = arith.constant 1 : i32
      %sub3A_463 = arith.subi %div3A_442, %sub3A_462 : i32
      %select_n3A_464 = arith.select %and3A_461, %sub3A_463, %div3A_442 : i32
      %mul3A_465 = arith.constant 128 : i32
      %mul3A_466 = arith.muli %select_n3A_464, %mul3A_465 : i32
      %multiple_of3A_467 = tpu.assume_multiple %mul3A_466, 128 : i32
      %dma_start3A_468 = arith.constant 10 : i32
      %dma_start3A_469 = arith.constant 0 : i32
      %dma_start3A_470 = arith.constant 0 : i32
      %dma_start3A_471 = tpu.memref_slice %arg9[%dma_start3A_468, %dma_start3A_469, %dma_start3A_470] : memref<30x32x128xf32, #tpu.memory_space<vmem>> -> memref<1x32x128xf32, #tpu.memory_space<vmem>>
      %dma_start3A_472 = tpu.memref_squeeze %dma_start3A_471 : memref<1x32x128xf32, #tpu.memory_space<vmem>> -> memref<32x128xf32, #tpu.memory_space<vmem>>
      %dma_start3A_473 = arith.constant 0 : i32
      %dma_start3A_474 = tpu.memref_slice %arg4[%dma_start3A_473, %multiple_of3A_467] : memref<32x1000000xf32, #tpu.memory_space<hbm>> -> memref<32x128xf32, #tpu.memory_space<hbm>>
      %dma_start3A_475 = arith.constant 0 : i32
      %dma_start3A_476 = arith.constant 0 : i32
      %dma_start3A_477 = tpu.memref_slice %arg9[%dma_start3A_468, %dma_start3A_475, %dma_start3A_476] : memref<30x32x128xf32, #tpu.memory_space<vmem>> -> memref<1x32x128xf32, #tpu.memory_space<vmem>>
      %dma_start3A_478 = tpu.memref_squeeze %dma_start3A_477 : memref<1x32x128xf32, #tpu.memory_space<vmem>> -> memref<32x128xf32, #tpu.memory_space<vmem>>
      %dma_start3A_479 = arith.constant 0 : i32
      %dma_start3A_480 = tpu.memref_slice %arg4[%dma_start3A_479, %multiple_of3A_467] : memref<32x1000000xf32, #tpu.memory_space<hbm>> -> memref<32x128xf32, #tpu.memory_space<hbm>>
      tpu.enqueue_dma source(%dma_start3A_480 : memref<32x128xf32, #tpu.memory_space<hbm>>) target(%dma_start3A_478 : memref<32x128xf32, #tpu.memory_space<vmem>>) target_semaphore(%arg12 : memref<!tpu.dma_semaphore, #tpu.memory_space<semaphore_mem>>)
      %slice3A_481 = vector.extract_strided_slice %get3A_18 {offsets = [11], sizes = [1], strides = [1]} : vector<16xi32> to vector<1xi32>
      %squeeze3A_482 = vector.extract %slice3A_481[0] : i32 from vector<1xi32>
      %jit3A_483 = arith.constant 128 : i32
      %div3A_484 = arith.divsi %squeeze3A_482, %jit3A_483 : i32
      %sign3A_485 = arith.constant 0 : i32
      %sign3A_486 = arith.cmpi sgt, %squeeze3A_482, %sign3A_485 : i32
      %sign3A_487 = arith.extui %sign3A_486 : i1 to i32
      %sign3A_488 = arith.constant 0 : i32
      %sign3A_489 = arith.cmpi slt, %squeeze3A_482, %sign3A_488 : i32
      %sign3A_490 = arith.extui %sign3A_489 : i1 to i32
      %sign3A_491 = arith.subi %sign3A_487, %sign3A_490 : i32
      %sign3A_492 = arith.constant 0 : i32
      %sign3A_493 = arith.cmpi sgt, %jit3A_483, %sign3A_492 : i32
      %sign3A_494 = arith.extui %sign3A_493 : i1 to i32
      %sign3A_495 = arith.constant 0 : i32
      %sign3A_496 = arith.cmpi slt, %jit3A_483, %sign3A_495 : i32
      %sign3A_497 = arith.extui %sign3A_496 : i1 to i32
      %sign3A_498 = arith.subi %sign3A_494, %sign3A_497 : i32
      %ne3A_499 = arith.cmpi ne, %sign3A_491, %sign3A_498 : i32
      %rem3A_500 = arith.remsi %squeeze3A_482, %jit3A_483 : i32
      %ne3A_501 = arith.constant 0 : i32
      %ne3A_502 = arith.cmpi ne, %rem3A_500, %ne3A_501 : i32
      %and3A_503 = arith.andi %ne3A_499, %ne3A_502 : i1
      %sub3A_504 = arith.constant 1 : i32
      %sub3A_505 = arith.subi %div3A_484, %sub3A_504 : i32
      %select_n3A_506 = arith.select %and3A_503, %sub3A_505, %div3A_484 : i32
      %mul3A_507 = arith.constant 128 : i32
      %mul3A_508 = arith.muli %select_n3A_506, %mul3A_507 : i32
      %multiple_of3A_509 = tpu.assume_multiple %mul3A_508, 128 : i32
      %dma_start3A_510 = arith.constant 11 : i32
      %dma_start3A_511 = arith.constant 0 : i32
      %dma_start3A_512 = arith.constant 0 : i32
      %dma_start3A_513 = tpu.memref_slice %arg9[%dma_start3A_510, %dma_start3A_511, %dma_start3A_512] : memref<30x32x128xf32, #tpu.memory_space<vmem>> -> memref<1x32x128xf32, #tpu.memory_space<vmem>>
      %dma_start3A_514 = tpu.memref_squeeze %dma_start3A_513 : memref<1x32x128xf32, #tpu.memory_space<vmem>> -> memref<32x128xf32, #tpu.memory_space<vmem>>
      %dma_start3A_515 = arith.constant 0 : i32
      %dma_start3A_516 = tpu.memref_slice %arg4[%dma_start3A_515, %multiple_of3A_509] : memref<32x1000000xf32, #tpu.memory_space<hbm>> -> memref<32x128xf32, #tpu.memory_space<hbm>>
      %dma_start3A_517 = arith.constant 0 : i32
      %dma_start3A_518 = arith.constant 0 : i32
      %dma_start3A_519 = tpu.memref_slice %arg9[%dma_start3A_510, %dma_start3A_517, %dma_start3A_518] : memref<30x32x128xf32, #tpu.memory_space<vmem>> -> memref<1x32x128xf32, #tpu.memory_space<vmem>>
      %dma_start3A_520 = tpu.memref_squeeze %dma_start3A_519 : memref<1x32x128xf32, #tpu.memory_space<vmem>> -> memref<32x128xf32, #tpu.memory_space<vmem>>
      %dma_start3A_521 = arith.constant 0 : i32
      %dma_start3A_522 = tpu.memref_slice %arg4[%dma_start3A_521, %multiple_of3A_509] : memref<32x1000000xf32, #tpu.memory_space<hbm>> -> memref<32x128xf32, #tpu.memory_space<hbm>>
      tpu.enqueue_dma source(%dma_start3A_522 : memref<32x128xf32, #tpu.memory_space<hbm>>) target(%dma_start3A_520 : memref<32x128xf32, #tpu.memory_space<vmem>>) target_semaphore(%arg12 : memref<!tpu.dma_semaphore, #tpu.memory_space<semaphore_mem>>)
      %slice3A_523 = vector.extract_strided_slice %get3A_18 {offsets = [12], sizes = [1], strides = [1]} : vector<16xi32> to vector<1xi32>
      %squeeze3A_524 = vector.extract %slice3A_523[0] : i32 from vector<1xi32>
      %jit3A_525 = arith.constant 128 : i32
      %div3A_526 = arith.divsi %squeeze3A_524, %jit3A_525 : i32
      %sign3A_527 = arith.constant 0 : i32
      %sign3A_528 = arith.cmpi sgt, %squeeze3A_524, %sign3A_527 : i32
      %sign3A_529 = arith.extui %sign3A_528 : i1 to i32
      %sign3A_530 = arith.constant 0 : i32
      %sign3A_531 = arith.cmpi slt, %squeeze3A_524, %sign3A_530 : i32
      %sign3A_532 = arith.extui %sign3A_531 : i1 to i32
      %sign3A_533 = arith.subi %sign3A_529, %sign3A_532 : i32
      %sign3A_534 = arith.constant 0 : i32
      %sign3A_535 = arith.cmpi sgt, %jit3A_525, %sign3A_534 : i32
      %sign3A_536 = arith.extui %sign3A_535 : i1 to i32
      %sign3A_537 = arith.constant 0 : i32
      %sign3A_538 = arith.cmpi slt, %jit3A_525, %sign3A_537 : i32
      %sign3A_539 = arith.extui %sign3A_538 : i1 to i32
      %sign3A_540 = arith.subi %sign3A_536, %sign3A_539 : i32
      %ne3A_541 = arith.cmpi ne, %sign3A_533, %sign3A_540 : i32
      %rem3A_542 = arith.remsi %squeeze3A_524, %jit3A_525 : i32
      %ne3A_543 = arith.constant 0 : i32
      %ne3A_544 = arith.cmpi ne, %rem3A_542, %ne3A_543 : i32
      %and3A_545 = arith.andi %ne3A_541, %ne3A_544 : i1
      %sub3A_546 = arith.constant 1 : i32
      %sub3A_547 = arith.subi %div3A_526, %sub3A_546 : i32
      %select_n3A_548 = arith.select %and3A_545, %sub3A_547, %div3A_526 : i32
      %mul3A_549 = arith.constant 128 : i32
      %mul3A_550 = arith.muli %select_n3A_548, %mul3A_549 : i32
      %multiple_of3A_551 = tpu.assume_multiple %mul3A_550, 128 : i32
      %dma_start3A_552 = arith.constant 12 : i32
      %dma_start3A_553 = arith.constant 0 : i32
      %dma_start3A_554 = arith.constant 0 : i32
      %dma_start3A_555 = tpu.memref_slice %arg9[%dma_start3A_552, %dma_start3A_553, %dma_start3A_554] : memref<30x32x128xf32, #tpu.memory_space<vmem>> -> memref<1x32x128xf32, #tpu.memory_space<vmem>>
      %dma_start3A_556 = tpu.memref_squeeze %dma_start3A_555 : memref<1x32x128xf32, #tpu.memory_space<vmem>> -> memref<32x128xf32, #tpu.memory_space<vmem>>
      %dma_start3A_557 = arith.constant 0 : i32
      %dma_start3A_558 = tpu.memref_slice %arg4[%dma_start3A_557, %multiple_of3A_551] : memref<32x1000000xf32, #tpu.memory_space<hbm>> -> memref<32x128xf32, #tpu.memory_space<hbm>>
      %dma_start3A_559 = arith.constant 0 : i32
      %dma_start3A_560 = arith.constant 0 : i32
      %dma_start3A_561 = tpu.memref_slice %arg9[%dma_start3A_552, %dma_start3A_559, %dma_start3A_560] : memref<30x32x128xf32, #tpu.memory_space<vmem>> -> memref<1x32x128xf32, #tpu.memory_space<vmem>>
      %dma_start3A_562 = tpu.memref_squeeze %dma_start3A_561 : memref<1x32x128xf32, #tpu.memory_space<vmem>> -> memref<32x128xf32, #tpu.memory_space<vmem>>
      %dma_start3A_563 = arith.constant 0 : i32
      %dma_start3A_564 = tpu.memref_slice %arg4[%dma_start3A_563, %multiple_of3A_551] : memref<32x1000000xf32, #tpu.memory_space<hbm>> -> memref<32x128xf32, #tpu.memory_space<hbm>>
      tpu.enqueue_dma source(%dma_start3A_564 : memref<32x128xf32, #tpu.memory_space<hbm>>) target(%dma_start3A_562 : memref<32x128xf32, #tpu.memory_space<vmem>>) target_semaphore(%arg12 : memref<!tpu.dma_semaphore, #tpu.memory_space<semaphore_mem>>)
      %slice3A_565 = vector.extract_strided_slice %get3A_18 {offsets = [13], sizes = [1], strides = [1]} : vector<16xi32> to vector<1xi32>
      %squeeze3A_566 = vector.extract %slice3A_565[0] : i32 from vector<1xi32>
      %jit3A_567 = arith.constant 128 : i32
      %div3A_568 = arith.divsi %squeeze3A_566, %jit3A_567 : i32
      %sign3A_569 = arith.constant 0 : i32
      %sign3A_570 = arith.cmpi sgt, %squeeze3A_566, %sign3A_569 : i32
      %sign3A_571 = arith.extui %sign3A_570 : i1 to i32
      %sign3A_572 = arith.constant 0 : i32
      %sign3A_573 = arith.cmpi slt, %squeeze3A_566, %sign3A_572 : i32
      %sign3A_574 = arith.extui %sign3A_573 : i1 to i32
      %sign3A_575 = arith.subi %sign3A_571, %sign3A_574 : i32
      %sign3A_576 = arith.constant 0 : i32
      %sign3A_577 = arith.cmpi sgt, %jit3A_567, %sign3A_576 : i32
      %sign3A_578 = arith.extui %sign3A_577 : i1 to i32
      %sign3A_579 = arith.constant 0 : i32
      %sign3A_580 = arith.cmpi slt, %jit3A_567, %sign3A_579 : i32
      %sign3A_581 = arith.extui %sign3A_580 : i1 to i32
      %sign3A_582 = arith.subi %sign3A_578, %sign3A_581 : i32
      %ne3A_583 = arith.cmpi ne, %sign3A_575, %sign3A_582 : i32
      %rem3A_584 = arith.remsi %squeeze3A_566, %jit3A_567 : i32
      %ne3A_585 = arith.constant 0 : i32
      %ne3A_586 = arith.cmpi ne, %rem3A_584, %ne3A_585 : i32
      %and3A_587 = arith.andi %ne3A_583, %ne3A_586 : i1
      %sub3A_588 = arith.constant 1 : i32
      %sub3A_589 = arith.subi %div3A_568, %sub3A_588 : i32
      %select_n3A_590 = arith.select %and3A_587, %sub3A_589, %div3A_568 : i32
      %mul3A_591 = arith.constant 128 : i32
      %mul3A_592 = arith.muli %select_n3A_590, %mul3A_591 : i32
      %multiple_of3A_593 = tpu.assume_multiple %mul3A_592, 128 : i32
      %dma_start3A_594 = arith.constant 13 : i32
      %dma_start3A_595 = arith.constant 0 : i32
      %dma_start3A_596 = arith.constant 0 : i32
      %dma_start3A_597 = tpu.memref_slice %arg9[%dma_start3A_594, %dma_start3A_595, %dma_start3A_596] : memref<30x32x128xf32, #tpu.memory_space<vmem>> -> memref<1x32x128xf32, #tpu.memory_space<vmem>>
      %dma_start3A_598 = tpu.memref_squeeze %dma_start3A_597 : memref<1x32x128xf32, #tpu.memory_space<vmem>> -> memref<32x128xf32, #tpu.memory_space<vmem>>
      %dma_start3A_599 = arith.constant 0 : i32
      %dma_start3A_600 = tpu.memref_slice %arg4[%dma_start3A_599, %multiple_of3A_593] : memref<32x1000000xf32, #tpu.memory_space<hbm>> -> memref<32x128xf32, #tpu.memory_space<hbm>>
      %dma_start3A_601 = arith.constant 0 : i32
      %dma_start3A_602 = arith.constant 0 : i32
      %dma_start3A_603 = tpu.memref_slice %arg9[%dma_start3A_594, %dma_start3A_601, %dma_start3A_602] : memref<30x32x128xf32, #tpu.memory_space<vmem>> -> memref<1x32x128xf32, #tpu.memory_space<vmem>>
      %dma_start3A_604 = tpu.memref_squeeze %dma_start3A_603 : memref<1x32x128xf32, #tpu.memory_space<vmem>> -> memref<32x128xf32, #tpu.memory_space<vmem>>
      %dma_start3A_605 = arith.constant 0 : i32
      %dma_start3A_606 = tpu.memref_slice %arg4[%dma_start3A_605, %multiple_of3A_593] : memref<32x1000000xf32, #tpu.memory_space<hbm>> -> memref<32x128xf32, #tpu.memory_space<hbm>>
      tpu.enqueue_dma source(%dma_start3A_606 : memref<32x128xf32, #tpu.memory_space<hbm>>) target(%dma_start3A_604 : memref<32x128xf32, #tpu.memory_space<vmem>>) target_semaphore(%arg12 : memref<!tpu.dma_semaphore, #tpu.memory_space<semaphore_mem>>)
      %slice3A_607 = vector.extract_strided_slice %get3A_18 {offsets = [14], sizes = [1], strides = [1]} : vector<16xi32> to vector<1xi32>
      %squeeze3A_608 = vector.extract %slice3A_607[0] : i32 from vector<1xi32>
      %jit3A_609 = arith.constant 128 : i32
      %div3A_610 = arith.divsi %squeeze3A_608, %jit3A_609 : i32
      %sign3A_611 = arith.constant 0 : i32
      %sign3A_612 = arith.cmpi sgt, %squeeze3A_608, %sign3A_611 : i32
      %sign3A_613 = arith.extui %sign3A_612 : i1 to i32
      %sign3A_614 = arith.constant 0 : i32
      %sign3A_615 = arith.cmpi slt, %squeeze3A_608, %sign3A_614 : i32
      %sign3A_616 = arith.extui %sign3A_615 : i1 to i32
      %sign3A_617 = arith.subi %sign3A_613, %sign3A_616 : i32
      %sign3A_618 = arith.constant 0 : i32
      %sign3A_619 = arith.cmpi sgt, %jit3A_609, %sign3A_618 : i32
      %sign3A_620 = arith.extui %sign3A_619 : i1 to i32
      %sign3A_621 = arith.constant 0 : i32
      %sign3A_622 = arith.cmpi slt, %jit3A_609, %sign3A_621 : i32
      %sign3A_623 = arith.extui %sign3A_622 : i1 to i32
      %sign3A_624 = arith.subi %sign3A_620, %sign3A_623 : i32
      %ne3A_625 = arith.cmpi ne, %sign3A_617, %sign3A_624 : i32
      %rem3A_626 = arith.remsi %squeeze3A_608, %jit3A_609 : i32
      %ne3A_627 = arith.constant 0 : i32
      %ne3A_628 = arith.cmpi ne, %rem3A_626, %ne3A_627 : i32
      %and3A_629 = arith.andi %ne3A_625, %ne3A_628 : i1
      %sub3A_630 = arith.constant 1 : i32
      %sub3A_631 = arith.subi %div3A_610, %sub3A_630 : i32
      %select_n3A_632 = arith.select %and3A_629, %sub3A_631, %div3A_610 : i32
      %mul3A_633 = arith.constant 128 : i32
      %mul3A_634 = arith.muli %select_n3A_632, %mul3A_633 : i32
      %multiple_of3A_635 = tpu.assume_multiple %mul3A_634, 128 : i32
      %dma_start3A_636 = arith.constant 14 : i32
      %dma_start3A_637 = arith.constant 0 : i32
      %dma_start3A_638 = arith.constant 0 : i32
      %dma_start3A_639 = tpu.memref_slice %arg9[%dma_start3A_636, %dma_start3A_637, %dma_start3A_638] : memref<30x32x128xf32, #tpu.memory_space<vmem>> -> memref<1x32x128xf32, #tpu.memory_space<vmem>>
      %dma_start3A_640 = tpu.memref_squeeze %dma_start3A_639 : memref<1x32x128xf32, #tpu.memory_space<vmem>> -> memref<32x128xf32, #tpu.memory_space<vmem>>
      %dma_start3A_641 = arith.constant 0 : i32
      %dma_start3A_642 = tpu.memref_slice %arg4[%dma_start3A_641, %multiple_of3A_635] : memref<32x1000000xf32, #tpu.memory_space<hbm>> -> memref<32x128xf32, #tpu.memory_space<hbm>>
      %dma_start3A_643 = arith.constant 0 : i32
      %dma_start3A_644 = arith.constant 0 : i32
      %dma_start3A_645 = tpu.memref_slice %arg9[%dma_start3A_636, %dma_start3A_643, %dma_start3A_644] : memref<30x32x128xf32, #tpu.memory_space<vmem>> -> memref<1x32x128xf32, #tpu.memory_space<vmem>>
      %dma_start3A_646 = tpu.memref_squeeze %dma_start3A_645 : memref<1x32x128xf32, #tpu.memory_space<vmem>> -> memref<32x128xf32, #tpu.memory_space<vmem>>
      %dma_start3A_647 = arith.constant 0 : i32
      %dma_start3A_648 = tpu.memref_slice %arg4[%dma_start3A_647, %multiple_of3A_635] : memref<32x1000000xf32, #tpu.memory_space<hbm>> -> memref<32x128xf32, #tpu.memory_space<hbm>>
      tpu.enqueue_dma source(%dma_start3A_648 : memref<32x128xf32, #tpu.memory_space<hbm>>) target(%dma_start3A_646 : memref<32x128xf32, #tpu.memory_space<vmem>>) target_semaphore(%arg12 : memref<!tpu.dma_semaphore, #tpu.memory_space<semaphore_mem>>)
      %slice3A_649 = vector.extract_strided_slice %get3A_18 {offsets = [15], sizes = [1], strides = [1]} : vector<16xi32> to vector<1xi32>
      %squeeze3A_650 = vector.extract %slice3A_649[0] : i32 from vector<1xi32>
      %jit3A_651 = arith.constant 128 : i32
      %div3A_652 = arith.divsi %squeeze3A_650, %jit3A_651 : i32
      %sign3A_653 = arith.constant 0 : i32
      %sign3A_654 = arith.cmpi sgt, %squeeze3A_650, %sign3A_653 : i32
      %sign3A_655 = arith.extui %sign3A_654 : i1 to i32
      %sign3A_656 = arith.constant 0 : i32
      %sign3A_657 = arith.cmpi slt, %squeeze3A_650, %sign3A_656 : i32
      %sign3A_658 = arith.extui %sign3A_657 : i1 to i32
      %sign3A_659 = arith.subi %sign3A_655, %sign3A_658 : i32
      %sign3A_660 = arith.constant 0 : i32
      %sign3A_661 = arith.cmpi sgt, %jit3A_651, %sign3A_660 : i32
      %sign3A_662 = arith.extui %sign3A_661 : i1 to i32
      %sign3A_663 = arith.constant 0 : i32
      %sign3A_664 = arith.cmpi slt, %jit3A_651, %sign3A_663 : i32
      %sign3A_665 = arith.extui %sign3A_664 : i1 to i32
      %sign3A_666 = arith.subi %sign3A_662, %sign3A_665 : i32
      %ne3A_667 = arith.cmpi ne, %sign3A_659, %sign3A_666 : i32
      %rem3A_668 = arith.remsi %squeeze3A_650, %jit3A_651 : i32
      %ne3A_669 = arith.constant 0 : i32
      %ne3A_670 = arith.cmpi ne, %rem3A_668, %ne3A_669 : i32
      %and3A_671 = arith.andi %ne3A_667, %ne3A_670 : i1
      %sub3A_672 = arith.constant 1 : i32
      %sub3A_673 = arith.subi %div3A_652, %sub3A_672 : i32
      %select_n3A_674 = arith.select %and3A_671, %sub3A_673, %div3A_652 : i32
      %mul3A_675 = arith.constant 128 : i32
      %mul3A_676 = arith.muli %select_n3A_674, %mul3A_675 : i32
      %multiple_of3A_677 = tpu.assume_multiple %mul3A_676, 128 : i32
      %dma_start3A_678 = arith.constant 15 : i32
      %dma_start3A_679 = arith.constant 0 : i32
      %dma_start3A_680 = arith.constant 0 : i32
      %dma_start3A_681 = tpu.memref_slice %arg9[%dma_start3A_678, %dma_start3A_679, %dma_start3A_680] : memref<30x32x128xf32, #tpu.memory_space<vmem>> -> memref<1x32x128xf32, #tpu.memory_space<vmem>>
      %dma_start3A_682 = tpu.memref_squeeze %dma_start3A_681 : memref<1x32x128xf32, #tpu.memory_space<vmem>> -> memref<32x128xf32, #tpu.memory_space<vmem>>
      %dma_start3A_683 = arith.constant 0 : i32
      %dma_start3A_684 = tpu.memref_slice %arg4[%dma_start3A_683, %multiple_of3A_677] : memref<32x1000000xf32, #tpu.memory_space<hbm>> -> memref<32x128xf32, #tpu.memory_space<hbm>>
      %dma_start3A_685 = arith.constant 0 : i32
      %dma_start3A_686 = arith.constant 0 : i32
      %dma_start3A_687 = tpu.memref_slice %arg9[%dma_start3A_678, %dma_start3A_685, %dma_start3A_686] : memref<30x32x128xf32, #tpu.memory_space<vmem>> -> memref<1x32x128xf32, #tpu.memory_space<vmem>>
      %dma_start3A_688 = tpu.memref_squeeze %dma_start3A_687 : memref<1x32x128xf32, #tpu.memory_space<vmem>> -> memref<32x128xf32, #tpu.memory_space<vmem>>
      %dma_start3A_689 = arith.constant 0 : i32
      %dma_start3A_690 = tpu.memref_slice %arg4[%dma_start3A_689, %multiple_of3A_677] : memref<32x1000000xf32, #tpu.memory_space<hbm>> -> memref<32x128xf32, #tpu.memory_space<hbm>>
      tpu.enqueue_dma source(%dma_start3A_690 : memref<32x128xf32, #tpu.memory_space<hbm>>) target(%dma_start3A_688 : memref<32x128xf32, #tpu.memory_space<vmem>>) target_semaphore(%arg12 : memref<!tpu.dma_semaphore, #tpu.memory_space<semaphore_mem>>)
      %dma_wait3A = arith.constant 0 : i32
      %dma_wait3A_691 = arith.constant 0 : i32
      %dma_wait3A_692 = arith.constant 0 : i32
      %dma_wait3A_693 = tpu.memref_slice %arg9[%dma_wait3A, %dma_wait3A_691, %dma_wait3A_692] : memref<30x32x128xf32, #tpu.memory_space<vmem>> -> memref<1x32x128xf32, #tpu.memory_space<vmem>>
      %dma_wait3A_694 = tpu.memref_squeeze %dma_wait3A_693 : memref<1x32x128xf32, #tpu.memory_space<vmem>> -> memref<32x128xf32, #tpu.memory_space<vmem>>
      %dma_wait3A_695 = arith.constant 0 : i32
      %dma_wait3A_696 = tpu.memref_slice %arg4[%dma_wait3A_695, %multiple_of3A] : memref<32x1000000xf32, #tpu.memory_space<hbm>> -> memref<32x128xf32, #tpu.memory_space<hbm>>
      %dma_wait3A_697 = arith.constant 0 : i32
      %dma_wait3A_698 = arith.constant 0 : i32
      %dma_wait3A_699 = tpu.memref_slice %arg9[%dma_wait3A, %dma_wait3A_697, %dma_wait3A_698] : memref<30x32x128xf32, #tpu.memory_space<vmem>> -> memref<1x32x128xf32, #tpu.memory_space<vmem>>
      %dma_wait3A_700 = tpu.memref_squeeze %dma_wait3A_699 : memref<1x32x128xf32, #tpu.memory_space<vmem>> -> memref<32x128xf32, #tpu.memory_space<vmem>>
      %dma_wait3A_701 = arith.constant 0 : i32
      %dma_wait3A_702 = tpu.memref_slice %arg4[%dma_wait3A_701, %multiple_of3A] : memref<32x1000000xf32, #tpu.memory_space<hbm>> -> memref<32x128xf32, #tpu.memory_space<hbm>>
      tpu.wait_dma2 semaphore(%arg12 : memref<!tpu.dma_semaphore, #tpu.memory_space<semaphore_mem>>) src(%dma_wait3A_702 : memref<32x128xf32, #tpu.memory_space<hbm>>) dst(%dma_wait3A_700 : memref<32x128xf32, #tpu.memory_space<vmem>>)
      %dma_wait3A_703 = arith.constant 1 : i32
      %dma_wait3A_704 = arith.constant 0 : i32
      %dma_wait3A_705 = arith.constant 0 : i32
      %dma_wait3A_706 = tpu.memref_slice %arg9[%dma_wait3A_703, %dma_wait3A_704, %dma_wait3A_705] : memref<30x32x128xf32, #tpu.memory_space<vmem>> -> memref<1x32x128xf32, #tpu.memory_space<vmem>>
      %dma_wait3A_707 = tpu.memref_squeeze %dma_wait3A_706 : memref<1x32x128xf32, #tpu.memory_space<vmem>> -> memref<32x128xf32, #tpu.memory_space<vmem>>
      %dma_wait3A_708 = arith.constant 0 : i32
      %dma_wait3A_709 = tpu.memref_slice %arg4[%dma_wait3A_708, %multiple_of3A_89] : memref<32x1000000xf32, #tpu.memory_space<hbm>> -> memref<32x128xf32, #tpu.memory_space<hbm>>
      %dma_wait3A_710 = arith.constant 0 : i32
      %dma_wait3A_711 = arith.constant 0 : i32
      %dma_wait3A_712 = tpu.memref_slice %arg9[%dma_wait3A_703, %dma_wait3A_710, %dma_wait3A_711] : memref<30x32x128xf32, #tpu.memory_space<vmem>> -> memref<1x32x128xf32, #tpu.memory_space<vmem>>
      %dma_wait3A_713 = tpu.memref_squeeze %dma_wait3A_712 : memref<1x32x128xf32, #tpu.memory_space<vmem>> -> memref<32x128xf32, #tpu.memory_space<vmem>>
      %dma_wait3A_714 = arith.constant 0 : i32
      %dma_wait3A_715 = tpu.memref_slice %arg4[%dma_wait3A_714, %multiple_of3A_89] : memref<32x1000000xf32, #tpu.memory_space<hbm>> -> memref<32x128xf32, #tpu.memory_space<hbm>>
      tpu.wait_dma2 semaphore(%arg12 : memref<!tpu.dma_semaphore, #tpu.memory_space<semaphore_mem>>) src(%dma_wait3A_715 : memref<32x128xf32, #tpu.memory_space<hbm>>) dst(%dma_wait3A_713 : memref<32x128xf32, #tpu.memory_space<vmem>>)
      %dma_wait3A_716 = arith.constant 2 : i32
      %dma_wait3A_717 = arith.constant 0 : i32
      %dma_wait3A_718 = arith.constant 0 : i32
      %dma_wait3A_719 = tpu.memref_slice %arg9[%dma_wait3A_716, %dma_wait3A_717, %dma_wait3A_718] : memref<30x32x128xf32, #tpu.memory_space<vmem>> -> memref<1x32x128xf32, #tpu.memory_space<vmem>>
      %dma_wait3A_720 = tpu.memref_squeeze %dma_wait3A_719 : memref<1x32x128xf32, #tpu.memory_space<vmem>> -> memref<32x128xf32, #tpu.memory_space<vmem>>
      %dma_wait3A_721 = arith.constant 0 : i32
      %dma_wait3A_722 = tpu.memref_slice %arg4[%dma_wait3A_721, %multiple_of3A_131] : memref<32x1000000xf32, #tpu.memory_space<hbm>> -> memref<32x128xf32, #tpu.memory_space<hbm>>
      %dma_wait3A_723 = arith.constant 0 : i32
      %dma_wait3A_724 = arith.constant 0 : i32
      %dma_wait3A_725 = tpu.memref_slice %arg9[%dma_wait3A_716, %dma_wait3A_723, %dma_wait3A_724] : memref<30x32x128xf32, #tpu.memory_space<vmem>> -> memref<1x32x128xf32, #tpu.memory_space<vmem>>
      %dma_wait3A_726 = tpu.memref_squeeze %dma_wait3A_725 : memref<1x32x128xf32, #tpu.memory_space<vmem>> -> memref<32x128xf32, #tpu.memory_space<vmem>>
      %dma_wait3A_727 = arith.constant 0 : i32
      %dma_wait3A_728 = tpu.memref_slice %arg4[%dma_wait3A_727, %multiple_of3A_131] : memref<32x1000000xf32, #tpu.memory_space<hbm>> -> memref<32x128xf32, #tpu.memory_space<hbm>>
      tpu.wait_dma2 semaphore(%arg12 : memref<!tpu.dma_semaphore, #tpu.memory_space<semaphore_mem>>) src(%dma_wait3A_728 : memref<32x128xf32, #tpu.memory_space<hbm>>) dst(%dma_wait3A_726 : memref<32x128xf32, #tpu.memory_space<vmem>>)
      %dma_wait3A_729 = arith.constant 3 : i32
      %dma_wait3A_730 = arith.constant 0 : i32
      %dma_wait3A_731 = arith.constant 0 : i32
      %dma_wait3A_732 = tpu.memref_slice %arg9[%dma_wait3A_729, %dma_wait3A_730, %dma_wait3A_731] : memref<30x32x128xf32, #tpu.memory_space<vmem>> -> memref<1x32x128xf32, #tpu.memory_space<vmem>>
      %dma_wait3A_733 = tpu.memref_squeeze %dma_wait3A_732 : memref<1x32x128xf32, #tpu.memory_space<vmem>> -> memref<32x128xf32, #tpu.memory_space<vmem>>
      %dma_wait3A_734 = arith.constant 0 : i32
      %dma_wait3A_735 = tpu.memref_slice %arg4[%dma_wait3A_734, %multiple_of3A_173] : memref<32x1000000xf32, #tpu.memory_space<hbm>> -> memref<32x128xf32, #tpu.memory_space<hbm>>
      %dma_wait3A_736 = arith.constant 0 : i32
      %dma_wait3A_737 = arith.constant 0 : i32
      %dma_wait3A_738 = tpu.memref_slice %arg9[%dma_wait3A_729, %dma_wait3A_736, %dma_wait3A_737] : memref<30x32x128xf32, #tpu.memory_space<vmem>> -> memref<1x32x128xf32, #tpu.memory_space<vmem>>
      %dma_wait3A_739 = tpu.memref_squeeze %dma_wait3A_738 : memref<1x32x128xf32, #tpu.memory_space<vmem>> -> memref<32x128xf32, #tpu.memory_space<vmem>>
      %dma_wait3A_740 = arith.constant 0 : i32
      %dma_wait3A_741 = tpu.memref_slice %arg4[%dma_wait3A_740, %multiple_of3A_173] : memref<32x1000000xf32, #tpu.memory_space<hbm>> -> memref<32x128xf32, #tpu.memory_space<hbm>>
      tpu.wait_dma2 semaphore(%arg12 : memref<!tpu.dma_semaphore, #tpu.memory_space<semaphore_mem>>) src(%dma_wait3A_741 : memref<32x128xf32, #tpu.memory_space<hbm>>) dst(%dma_wait3A_739 : memref<32x128xf32, #tpu.memory_space<vmem>>)
      %dma_wait3A_742 = arith.constant 4 : i32
      %dma_wait3A_743 = arith.constant 0 : i32
      %dma_wait3A_744 = arith.constant 0 : i32
      %dma_wait3A_745 = tpu.memref_slice %arg9[%dma_wait3A_742, %dma_wait3A_743, %dma_wait3A_744] : memref<30x32x128xf32, #tpu.memory_space<vmem>> -> memref<1x32x128xf32, #tpu.memory_space<vmem>>
      %dma_wait3A_746 = tpu.memref_squeeze %dma_wait3A_745 : memref<1x32x128xf32, #tpu.memory_space<vmem>> -> memref<32x128xf32, #tpu.memory_space<vmem>>
      %dma_wait3A_747 = arith.constant 0 : i32
      %dma_wait3A_748 = tpu.memref_slice %arg4[%dma_wait3A_747, %multiple_of3A_215] : memref<32x1000000xf32, #tpu.memory_space<hbm>> -> memref<32x128xf32, #tpu.memory_space<hbm>>
      %dma_wait3A_749 = arith.constant 0 : i32
      %dma_wait3A_750 = arith.constant 0 : i32
      %dma_wait3A_751 = tpu.memref_slice %arg9[%dma_wait3A_742, %dma_wait3A_749, %dma_wait3A_750] : memref<30x32x128xf32, #tpu.memory_space<vmem>> -> memref<1x32x128xf32, #tpu.memory_space<vmem>>
      %dma_wait3A_752 = tpu.memref_squeeze %dma_wait3A_751 : memref<1x32x128xf32, #tpu.memory_space<vmem>> -> memref<32x128xf32, #tpu.memory_space<vmem>>
      %dma_wait3A_753 = arith.constant 0 : i32
      %dma_wait3A_754 = tpu.memref_slice %arg4[%dma_wait3A_753, %multiple_of3A_215] : memref<32x1000000xf32, #tpu.memory_space<hbm>> -> memref<32x128xf32, #tpu.memory_space<hbm>>
      tpu.wait_dma2 semaphore(%arg12 : memref<!tpu.dma_semaphore, #tpu.memory_space<semaphore_mem>>) src(%dma_wait3A_754 : memref<32x128xf32, #tpu.memory_space<hbm>>) dst(%dma_wait3A_752 : memref<32x128xf32, #tpu.memory_space<vmem>>)
      %dma_wait3A_755 = arith.constant 5 : i32
      %dma_wait3A_756 = arith.constant 0 : i32
      %dma_wait3A_757 = arith.constant 0 : i32
      %dma_wait3A_758 = tpu.memref_slice %arg9[%dma_wait3A_755, %dma_wait3A_756, %dma_wait3A_757] : memref<30x32x128xf32, #tpu.memory_space<vmem>> -> memref<1x32x128xf32, #tpu.memory_space<vmem>>
      %dma_wait3A_759 = tpu.memref_squeeze %dma_wait3A_758 : memref<1x32x128xf32, #tpu.memory_space<vmem>> -> memref<32x128xf32, #tpu.memory_space<vmem>>
      %dma_wait3A_760 = arith.constant 0 : i32
      %dma_wait3A_761 = tpu.memref_slice %arg4[%dma_wait3A_760, %multiple_of3A_257] : memref<32x1000000xf32, #tpu.memory_space<hbm>> -> memref<32x128xf32, #tpu.memory_space<hbm>>
      %dma_wait3A_762 = arith.constant 0 : i32
      %dma_wait3A_763 = arith.constant 0 : i32
      %dma_wait3A_764 = tpu.memref_slice %arg9[%dma_wait3A_755, %dma_wait3A_762, %dma_wait3A_763] : memref<30x32x128xf32, #tpu.memory_space<vmem>> -> memref<1x32x128xf32, #tpu.memory_space<vmem>>
      %dma_wait3A_765 = tpu.memref_squeeze %dma_wait3A_764 : memref<1x32x128xf32, #tpu.memory_space<vmem>> -> memref<32x128xf32, #tpu.memory_space<vmem>>
      %dma_wait3A_766 = arith.constant 0 : i32
      %dma_wait3A_767 = tpu.memref_slice %arg4[%dma_wait3A_766, %multiple_of3A_257] : memref<32x1000000xf32, #tpu.memory_space<hbm>> -> memref<32x128xf32, #tpu.memory_space<hbm>>
      tpu.wait_dma2 semaphore(%arg12 : memref<!tpu.dma_semaphore, #tpu.memory_space<semaphore_mem>>) src(%dma_wait3A_767 : memref<32x128xf32, #tpu.memory_space<hbm>>) dst(%dma_wait3A_765 : memref<32x128xf32, #tpu.memory_space<vmem>>)
      %dma_wait3A_768 = arith.constant 6 : i32
      %dma_wait3A_769 = arith.constant 0 : i32
      %dma_wait3A_770 = arith.constant 0 : i32
      %dma_wait3A_771 = tpu.memref_slice %arg9[%dma_wait3A_768, %dma_wait3A_769, %dma_wait3A_770] : memref<30x32x128xf32, #tpu.memory_space<vmem>> -> memref<1x32x128xf32, #tpu.memory_space<vmem>>
      %dma_wait3A_772 = tpu.memref_squeeze %dma_wait3A_771 : memref<1x32x128xf32, #tpu.memory_space<vmem>> -> memref<32x128xf32, #tpu.memory_space<vmem>>
      %dma_wait3A_773 = arith.constant 0 : i32
      %dma_wait3A_774 = tpu.memref_slice %arg4[%dma_wait3A_773, %multiple_of3A_299] : memref<32x1000000xf32, #tpu.memory_space<hbm>> -> memref<32x128xf32, #tpu.memory_space<hbm>>
      %dma_wait3A_775 = arith.constant 0 : i32
      %dma_wait3A_776 = arith.constant 0 : i32
      %dma_wait3A_777 = tpu.memref_slice %arg9[%dma_wait3A_768, %dma_wait3A_775, %dma_wait3A_776] : memref<30x32x128xf32, #tpu.memory_space<vmem>> -> memref<1x32x128xf32, #tpu.memory_space<vmem>>
      %dma_wait3A_778 = tpu.memref_squeeze %dma_wait3A_777 : memref<1x32x128xf32, #tpu.memory_space<vmem>> -> memref<32x128xf32, #tpu.memory_space<vmem>>
      %dma_wait3A_779 = arith.constant 0 : i32
      %dma_wait3A_780 = tpu.memref_slice %arg4[%dma_wait3A_779, %multiple_of3A_299] : memref<32x1000000xf32, #tpu.memory_space<hbm>> -> memref<32x128xf32, #tpu.memory_space<hbm>>
      tpu.wait_dma2 semaphore(%arg12 : memref<!tpu.dma_semaphore, #tpu.memory_space<semaphore_mem>>) src(%dma_wait3A_780 : memref<32x128xf32, #tpu.memory_space<hbm>>) dst(%dma_wait3A_778 : memref<32x128xf32, #tpu.memory_space<vmem>>)
      %dma_wait3A_781 = arith.constant 7 : i32
      %dma_wait3A_782 = arith.constant 0 : i32
      %dma_wait3A_783 = arith.constant 0 : i32
      %dma_wait3A_784 = tpu.memref_slice %arg9[%dma_wait3A_781, %dma_wait3A_782, %dma_wait3A_783] : memref<30x32x128xf32, #tpu.memory_space<vmem>> -> memref<1x32x128xf32, #tpu.memory_space<vmem>>
      %dma_wait3A_785 = tpu.memref_squeeze %dma_wait3A_784 : memref<1x32x128xf32, #tpu.memory_space<vmem>> -> memref<32x128xf32, #tpu.memory_space<vmem>>
      %dma_wait3A_786 = arith.constant 0 : i32
      %dma_wait3A_787 = tpu.memref_slice %arg4[%dma_wait3A_786, %multiple_of3A_341] : memref<32x1000000xf32, #tpu.memory_space<hbm>> -> memref<32x128xf32, #tpu.memory_space<hbm>>
      %dma_wait3A_788 = arith.constant 0 : i32
      %dma_wait3A_789 = arith.constant 0 : i32
      %dma_wait3A_790 = tpu.memref_slice %arg9[%dma_wait3A_781, %dma_wait3A_788, %dma_wait3A_789] : memref<30x32x128xf32, #tpu.memory_space<vmem>> -> memref<1x32x128xf32, #tpu.memory_space<vmem>>
      %dma_wait3A_791 = tpu.memref_squeeze %dma_wait3A_790 : memref<1x32x128xf32, #tpu.memory_space<vmem>> -> memref<32x128xf32, #tpu.memory_space<vmem>>
      %dma_wait3A_792 = arith.constant 0 : i32
      %dma_wait3A_793 = tpu.memref_slice %arg4[%dma_wait3A_792, %multiple_of3A_341] : memref<32x1000000xf32, #tpu.memory_space<hbm>> -> memref<32x128xf32, #tpu.memory_space<hbm>>
      tpu.wait_dma2 semaphore(%arg12 : memref<!tpu.dma_semaphore, #tpu.memory_space<semaphore_mem>>) src(%dma_wait3A_793 : memref<32x128xf32, #tpu.memory_space<hbm>>) dst(%dma_wait3A_791 : memref<32x128xf32, #tpu.memory_space<vmem>>)
      %dma_wait3A_794 = arith.constant 8 : i32
      %dma_wait3A_795 = arith.constant 0 : i32
      %dma_wait3A_796 = arith.constant 0 : i32
      %dma_wait3A_797 = tpu.memref_slice %arg9[%dma_wait3A_794, %dma_wait3A_795, %dma_wait3A_796] : memref<30x32x128xf32, #tpu.memory_space<vmem>> -> memref<1x32x128xf32, #tpu.memory_space<vmem>>
      %dma_wait3A_798 = tpu.memref_squeeze %dma_wait3A_797 : memref<1x32x128xf32, #tpu.memory_space<vmem>> -> memref<32x128xf32, #tpu.memory_space<vmem>>
      %dma_wait3A_799 = arith.constant 0 : i32
      %dma_wait3A_800 = tpu.memref_slice %arg4[%dma_wait3A_799, %multiple_of3A_383] : memref<32x1000000xf32, #tpu.memory_space<hbm>> -> memref<32x128xf32, #tpu.memory_space<hbm>>
      %dma_wait3A_801 = arith.constant 0 : i32
      %dma_wait3A_802 = arith.constant 0 : i32
      %dma_wait3A_803 = tpu.memref_slice %arg9[%dma_wait3A_794, %dma_wait3A_801, %dma_wait3A_802] : memref<30x32x128xf32, #tpu.memory_space<vmem>> -> memref<1x32x128xf32, #tpu.memory_space<vmem>>
      %dma_wait3A_804 = tpu.memref_squeeze %dma_wait3A_803 : memref<1x32x128xf32, #tpu.memory_space<vmem>> -> memref<32x128xf32, #tpu.memory_space<vmem>>
      %dma_wait3A_805 = arith.constant 0 : i32
      %dma_wait3A_806 = tpu.memref_slice %arg4[%dma_wait3A_805, %multiple_of3A_383] : memref<32x1000000xf32, #tpu.memory_space<hbm>> -> memref<32x128xf32, #tpu.memory_space<hbm>>
      tpu.wait_dma2 semaphore(%arg12 : memref<!tpu.dma_semaphore, #tpu.memory_space<semaphore_mem>>) src(%dma_wait3A_806 : memref<32x128xf32, #tpu.memory_space<hbm>>) dst(%dma_wait3A_804 : memref<32x128xf32, #tpu.memory_space<vmem>>)
      %dma_wait3A_807 = arith.constant 9 : i32
      %dma_wait3A_808 = arith.constant 0 : i32
      %dma_wait3A_809 = arith.constant 0 : i32
      %dma_wait3A_810 = tpu.memref_slice %arg9[%dma_wait3A_807, %dma_wait3A_808, %dma_wait3A_809] : memref<30x32x128xf32, #tpu.memory_space<vmem>> -> memref<1x32x128xf32, #tpu.memory_space<vmem>>
      %dma_wait3A_811 = tpu.memref_squeeze %dma_wait3A_810 : memref<1x32x128xf32, #tpu.memory_space<vmem>> -> memref<32x128xf32, #tpu.memory_space<vmem>>
      %dma_wait3A_812 = arith.constant 0 : i32
      %dma_wait3A_813 = tpu.memref_slice %arg4[%dma_wait3A_812, %multiple_of3A_425] : memref<32x1000000xf32, #tpu.memory_space<hbm>> -> memref<32x128xf32, #tpu.memory_space<hbm>>
      %dma_wait3A_814 = arith.constant 0 : i32
      %dma_wait3A_815 = arith.constant 0 : i32
      %dma_wait3A_816 = tpu.memref_slice %arg9[%dma_wait3A_807, %dma_wait3A_814, %dma_wait3A_815] : memref<30x32x128xf32, #tpu.memory_space<vmem>> -> memref<1x32x128xf32, #tpu.memory_space<vmem>>
      %dma_wait3A_817 = tpu.memref_squeeze %dma_wait3A_816 : memref<1x32x128xf32, #tpu.memory_space<vmem>> -> memref<32x128xf32, #tpu.memory_space<vmem>>
      %dma_wait3A_818 = arith.constant 0 : i32
      %dma_wait3A_819 = tpu.memref_slice %arg4[%dma_wait3A_818, %multiple_of3A_425] : memref<32x1000000xf32, #tpu.memory_space<hbm>> -> memref<32x128xf32, #tpu.memory_space<hbm>>
      tpu.wait_dma2 semaphore(%arg12 : memref<!tpu.dma_semaphore, #tpu.memory_space<semaphore_mem>>) src(%dma_wait3A_819 : memref<32x128xf32, #tpu.memory_space<hbm>>) dst(%dma_wait3A_817 : memref<32x128xf32, #tpu.memory_space<vmem>>)
      %dma_wait3A_820 = arith.constant 10 : i32
      %dma_wait3A_821 = arith.constant 0 : i32
      %dma_wait3A_822 = arith.constant 0 : i32
      %dma_wait3A_823 = tpu.memref_slice %arg9[%dma_wait3A_820, %dma_wait3A_821, %dma_wait3A_822] : memref<30x32x128xf32, #tpu.memory_space<vmem>> -> memref<1x32x128xf32, #tpu.memory_space<vmem>>
      %dma_wait3A_824 = tpu.memref_squeeze %dma_wait3A_823 : memref<1x32x128xf32, #tpu.memory_space<vmem>> -> memref<32x128xf32, #tpu.memory_space<vmem>>
      %dma_wait3A_825 = arith.constant 0 : i32
      %dma_wait3A_826 = tpu.memref_slice %arg4[%dma_wait3A_825, %multiple_of3A_467] : memref<32x1000000xf32, #tpu.memory_space<hbm>> -> memref<32x128xf32, #tpu.memory_space<hbm>>
      %dma_wait3A_827 = arith.constant 0 : i32
      %dma_wait3A_828 = arith.constant 0 : i32
      %dma_wait3A_829 = tpu.memref_slice %arg9[%dma_wait3A_820, %dma_wait3A_827, %dma_wait3A_828] : memref<30x32x128xf32, #tpu.memory_space<vmem>> -> memref<1x32x128xf32, #tpu.memory_space<vmem>>
      %dma_wait3A_830 = tpu.memref_squeeze %dma_wait3A_829 : memref<1x32x128xf32, #tpu.memory_space<vmem>> -> memref<32x128xf32, #tpu.memory_space<vmem>>
      %dma_wait3A_831 = arith.constant 0 : i32
      %dma_wait3A_832 = tpu.memref_slice %arg4[%dma_wait3A_831, %multiple_of3A_467] : memref<32x1000000xf32, #tpu.memory_space<hbm>> -> memref<32x128xf32, #tpu.memory_space<hbm>>
      tpu.wait_dma2 semaphore(%arg12 : memref<!tpu.dma_semaphore, #tpu.memory_space<semaphore_mem>>) src(%dma_wait3A_832 : memref<32x128xf32, #tpu.memory_space<hbm>>) dst(%dma_wait3A_830 : memref<32x128xf32, #tpu.memory_space<vmem>>)
      %dma_wait3A_833 = arith.constant 11 : i32
      %dma_wait3A_834 = arith.constant 0 : i32
      %dma_wait3A_835 = arith.constant 0 : i32
      %dma_wait3A_836 = tpu.memref_slice %arg9[%dma_wait3A_833, %dma_wait3A_834, %dma_wait3A_835] : memref<30x32x128xf32, #tpu.memory_space<vmem>> -> memref<1x32x128xf32, #tpu.memory_space<vmem>>
      %dma_wait3A_837 = tpu.memref_squeeze %dma_wait3A_836 : memref<1x32x128xf32, #tpu.memory_space<vmem>> -> memref<32x128xf32, #tpu.memory_space<vmem>>
      %dma_wait3A_838 = arith.constant 0 : i32
      %dma_wait3A_839 = tpu.memref_slice %arg4[%dma_wait3A_838, %multiple_of3A_509] : memref<32x1000000xf32, #tpu.memory_space<hbm>> -> memref<32x128xf32, #tpu.memory_space<hbm>>
      %dma_wait3A_840 = arith.constant 0 : i32
      %dma_wait3A_841 = arith.constant 0 : i32
      %dma_wait3A_842 = tpu.memref_slice %arg9[%dma_wait3A_833, %dma_wait3A_840, %dma_wait3A_841] : memref<30x32x128xf32, #tpu.memory_space<vmem>> -> memref<1x32x128xf32, #tpu.memory_space<vmem>>
      %dma_wait3A_843 = tpu.memref_squeeze %dma_wait3A_842 : memref<1x32x128xf32, #tpu.memory_space<vmem>> -> memref<32x128xf32, #tpu.memory_space<vmem>>
      %dma_wait3A_844 = arith.constant 0 : i32
      %dma_wait3A_845 = tpu.memref_slice %arg4[%dma_wait3A_844, %multiple_of3A_509] : memref<32x1000000xf32, #tpu.memory_space<hbm>> -> memref<32x128xf32, #tpu.memory_space<hbm>>
      tpu.wait_dma2 semaphore(%arg12 : memref<!tpu.dma_semaphore, #tpu.memory_space<semaphore_mem>>) src(%dma_wait3A_845 : memref<32x128xf32, #tpu.memory_space<hbm>>) dst(%dma_wait3A_843 : memref<32x128xf32, #tpu.memory_space<vmem>>)
      %dma_wait3A_846 = arith.constant 12 : i32
      %dma_wait3A_847 = arith.constant 0 : i32
      %dma_wait3A_848 = arith.constant 0 : i32
      %dma_wait3A_849 = tpu.memref_slice %arg9[%dma_wait3A_846, %dma_wait3A_847, %dma_wait3A_848] : memref<30x32x128xf32, #tpu.memory_space<vmem>> -> memref<1x32x128xf32, #tpu.memory_space<vmem>>
      %dma_wait3A_850 = tpu.memref_squeeze %dma_wait3A_849 : memref<1x32x128xf32, #tpu.memory_space<vmem>> -> memref<32x128xf32, #tpu.memory_space<vmem>>
      %dma_wait3A_851 = arith.constant 0 : i32
      %dma_wait3A_852 = tpu.memref_slice %arg4[%dma_wait3A_851, %multiple_of3A_551] : memref<32x1000000xf32, #tpu.memory_space<hbm>> -> memref<32x128xf32, #tpu.memory_space<hbm>>
      %dma_wait3A_853 = arith.constant 0 : i32
      %dma_wait3A_854 = arith.constant 0 : i32
      %dma_wait3A_855 = tpu.memref_slice %arg9[%dma_wait3A_846, %dma_wait3A_853, %dma_wait3A_854] : memref<30x32x128xf32, #tpu.memory_space<vmem>> -> memref<1x32x128xf32, #tpu.memory_space<vmem>>
      %dma_wait3A_856 = tpu.memref_squeeze %dma_wait3A_855 : memref<1x32x128xf32, #tpu.memory_space<vmem>> -> memref<32x128xf32, #tpu.memory_space<vmem>>
      %dma_wait3A_857 = arith.constant 0 : i32
      %dma_wait3A_858 = tpu.memref_slice %arg4[%dma_wait3A_857, %multiple_of3A_551] : memref<32x1000000xf32, #tpu.memory_space<hbm>> -> memref<32x128xf32, #tpu.memory_space<hbm>>
      tpu.wait_dma2 semaphore(%arg12 : memref<!tpu.dma_semaphore, #tpu.memory_space<semaphore_mem>>) src(%dma_wait3A_858 : memref<32x128xf32, #tpu.memory_space<hbm>>) dst(%dma_wait3A_856 : memref<32x128xf32, #tpu.memory_space<vmem>>)
      %dma_wait3A_859 = arith.constant 13 : i32
      %dma_wait3A_860 = arith.constant 0 : i32
      %dma_wait3A_861 = arith.constant 0 : i32
      %dma_wait3A_862 = tpu.memref_slice %arg9[%dma_wait3A_859, %dma_wait3A_860, %dma_wait3A_861] : memref<30x32x128xf32, #tpu.memory_space<vmem>> -> memref<1x32x128xf32, #tpu.memory_space<vmem>>
      %dma_wait3A_863 = tpu.memref_squeeze %dma_wait3A_862 : memref<1x32x128xf32, #tpu.memory_space<vmem>> -> memref<32x128xf32, #tpu.memory_space<vmem>>
      %dma_wait3A_864 = arith.constant 0 : i32
      %dma_wait3A_865 = tpu.memref_slice %arg4[%dma_wait3A_864, %multiple_of3A_593] : memref<32x1000000xf32, #tpu.memory_space<hbm>> -> memref<32x128xf32, #tpu.memory_space<hbm>>
      %dma_wait3A_866 = arith.constant 0 : i32
      %dma_wait3A_867 = arith.constant 0 : i32
      %dma_wait3A_868 = tpu.memref_slice %arg9[%dma_wait3A_859, %dma_wait3A_866, %dma_wait3A_867] : memref<30x32x128xf32, #tpu.memory_space<vmem>> -> memref<1x32x128xf32, #tpu.memory_space<vmem>>
      %dma_wait3A_869 = tpu.memref_squeeze %dma_wait3A_868 : memref<1x32x128xf32, #tpu.memory_space<vmem>> -> memref<32x128xf32, #tpu.memory_space<vmem>>
      %dma_wait3A_870 = arith.constant 0 : i32
      %dma_wait3A_871 = tpu.memref_slice %arg4[%dma_wait3A_870, %multiple_of3A_593] : memref<32x1000000xf32, #tpu.memory_space<hbm>> -> memref<32x128xf32, #tpu.memory_space<hbm>>
      tpu.wait_dma2 semaphore(%arg12 : memref<!tpu.dma_semaphore, #tpu.memory_space<semaphore_mem>>) src(%dma_wait3A_871 : memref<32x128xf32, #tpu.memory_space<hbm>>) dst(%dma_wait3A_869 : memref<32x128xf32, #tpu.memory_space<vmem>>)
      %dma_wait3A_872 = arith.constant 14 : i32
      %dma_wait3A_873 = arith.constant 0 : i32
      %dma_wait3A_874 = arith.constant 0 : i32
      %dma_wait3A_875 = tpu.memref_slice %arg9[%dma_wait3A_872, %dma_wait3A_873, %dma_wait3A_874] : memref<30x32x128xf32, #tpu.memory_space<vmem>> -> memref<1x32x128xf32, #tpu.memory_space<vmem>>
      %dma_wait3A_876 = tpu.memref_squeeze %dma_wait3A_875 : memref<1x32x128xf32, #tpu.memory_space<vmem>> -> memref<32x128xf32, #tpu.memory_space<vmem>>
      %dma_wait3A_877 = arith.constant 0 : i32
      %dma_wait3A_878 = tpu.memref_slice %arg4[%dma_wait3A_877, %multiple_of3A_635] : memref<32x1000000xf32, #tpu.memory_space<hbm>> -> memref<32x128xf32, #tpu.memory_space<hbm>>
      %dma_wait3A_879 = arith.constant 0 : i32
      %dma_wait3A_880 = arith.constant 0 : i32
      %dma_wait3A_881 = tpu.memref_slice %arg9[%dma_wait3A_872, %dma_wait3A_879, %dma_wait3A_880] : memref<30x32x128xf32, #tpu.memory_space<vmem>> -> memref<1x32x128xf32, #tpu.memory_space<vmem>>
      %dma_wait3A_882 = tpu.memref_squeeze %dma_wait3A_881 : memref<1x32x128xf32, #tpu.memory_space<vmem>> -> memref<32x128xf32, #tpu.memory_space<vmem>>
      %dma_wait3A_883 = arith.constant 0 : i32
      %dma_wait3A_884 = tpu.memref_slice %arg4[%dma_wait3A_883, %multiple_of3A_635] : memref<32x1000000xf32, #tpu.memory_space<hbm>> -> memref<32x128xf32, #tpu.memory_space<hbm>>
      tpu.wait_dma2 semaphore(%arg12 : memref<!tpu.dma_semaphore, #tpu.memory_space<semaphore_mem>>) src(%dma_wait3A_884 : memref<32x128xf32, #tpu.memory_space<hbm>>) dst(%dma_wait3A_882 : memref<32x128xf32, #tpu.memory_space<vmem>>)
      %dma_wait3A_885 = arith.constant 15 : i32
      %dma_wait3A_886 = arith.constant 0 : i32
      %dma_wait3A_887 = arith.constant 0 : i32
      %dma_wait3A_888 = tpu.memref_slice %arg9[%dma_wait3A_885, %dma_wait3A_886, %dma_wait3A_887] : memref<30x32x128xf32, #tpu.memory_space<vmem>> -> memref<1x32x128xf32, #tpu.memory_space<vmem>>
      %dma_wait3A_889 = tpu.memref_squeeze %dma_wait3A_888 : memref<1x32x128xf32, #tpu.memory_space<vmem>> -> memref<32x128xf32, #tpu.memory_space<vmem>>
      %dma_wait3A_890 = arith.constant 0 : i32
      %dma_wait3A_891 = tpu.memref_slice %arg4[%dma_wait3A_890, %multiple_of3A_677] : memref<32x1000000xf32, #tpu.memory_space<hbm>> -> memref<32x128xf32, #tpu.memory_space<hbm>>
      %dma_wait3A_892 = arith.constant 0 : i32
      %dma_wait3A_893 = arith.constant 0 : i32
      %dma_wait3A_894 = tpu.memref_slice %arg9[%dma_wait3A_885, %dma_wait3A_892, %dma_wait3A_893] : memref<30x32x128xf32, #tpu.memory_space<vmem>> -> memref<1x32x128xf32, #tpu.memory_space<vmem>>
      %dma_wait3A_895 = tpu.memref_squeeze %dma_wait3A_894 : memref<1x32x128xf32, #tpu.memory_space<vmem>> -> memref<32x128xf32, #tpu.memory_space<vmem>>
      %dma_wait3A_896 = arith.constant 0 : i32
      %dma_wait3A_897 = tpu.memref_slice %arg4[%dma_wait3A_896, %multiple_of3A_677] : memref<32x1000000xf32, #tpu.memory_space<hbm>> -> memref<32x128xf32, #tpu.memory_space<hbm>>
      tpu.wait_dma2 semaphore(%arg12 : memref<!tpu.dma_semaphore, #tpu.memory_space<semaphore_mem>>) src(%dma_wait3A_897 : memref<32x128xf32, #tpu.memory_space<hbm>>) dst(%dma_wait3A_895 : memref<32x128xf32, #tpu.memory_space<vmem>>)
      %slice3A_898 = vector.extract_strided_slice %get3A_22 {offsets = [0], sizes = [1], strides = [1]} : vector<16xi32> to vector<1xi32>
      %squeeze3A_899 = vector.extract %slice3A_898[0] : i32 from vector<1xi32>
      %jit3A_900 = arith.constant 128 : i32
      %div3A_901 = arith.divsi %squeeze3A_899, %jit3A_900 : i32
      %sign3A_902 = arith.constant 0 : i32
      %sign3A_903 = arith.cmpi sgt, %squeeze3A_899, %sign3A_902 : i32
      %sign3A_904 = arith.extui %sign3A_903 : i1 to i32
      %sign3A_905 = arith.constant 0 : i32
      %sign3A_906 = arith.cmpi slt, %squeeze3A_899, %sign3A_905 : i32
      %sign3A_907 = arith.extui %sign3A_906 : i1 to i32
      %sign3A_908 = arith.subi %sign3A_904, %sign3A_907 : i32
      %sign3A_909 = arith.constant 0 : i32
      %sign3A_910 = arith.cmpi sgt, %jit3A_900, %sign3A_909 : i32
      %sign3A_911 = arith.extui %sign3A_910 : i1 to i32
      %sign3A_912 = arith.constant 0 : i32
      %sign3A_913 = arith.cmpi slt, %jit3A_900, %sign3A_912 : i32
      %sign3A_914 = arith.extui %sign3A_913 : i1 to i32
      %sign3A_915 = arith.subi %sign3A_911, %sign3A_914 : i32
      %ne3A_916 = arith.cmpi ne, %sign3A_908, %sign3A_915 : i32
      %rem3A_917 = arith.remsi %squeeze3A_899, %jit3A_900 : i32
      %ne3A_918 = arith.constant 0 : i32
      %ne3A_919 = arith.cmpi ne, %rem3A_917, %ne3A_918 : i32
      %and3A_920 = arith.andi %ne3A_916, %ne3A_919 : i1
      %sub3A_921 = arith.constant 1 : i32
      %sub3A_922 = arith.subi %div3A_901, %sub3A_921 : i32
      %select_n3A_923 = arith.select %and3A_920, %sub3A_922, %div3A_901 : i32
      %mul3A_924 = arith.constant 128 : i32
      %mul3A_925 = arith.muli %select_n3A_923, %mul3A_924 : i32
      %multiple_of3A_926 = tpu.assume_multiple %mul3A_925, 128 : i32
      %dma_start3A_927 = arith.constant 16 : i32
      %dma_start3A_928 = arith.constant 0 : i32
      %dma_start3A_929 = arith.constant 0 : i32
      %dma_start3A_930 = tpu.memref_slice %arg9[%dma_start3A_927, %dma_start3A_928, %dma_start3A_929] : memref<30x32x128xf32, #tpu.memory_space<vmem>> -> memref<1x32x128xf32, #tpu.memory_space<vmem>>
      %dma_start3A_931 = tpu.memref_squeeze %dma_start3A_930 : memref<1x32x128xf32, #tpu.memory_space<vmem>> -> memref<32x128xf32, #tpu.memory_space<vmem>>
      %dma_start3A_932 = arith.constant 0 : i32
      %dma_start3A_933 = tpu.memref_slice %arg5[%dma_start3A_932, %multiple_of3A_926] : memref<32x1000000xf32, #tpu.memory_space<hbm>> -> memref<32x128xf32, #tpu.memory_space<hbm>>
      %dma_start3A_934 = arith.constant 0 : i32
      %dma_start3A_935 = arith.constant 0 : i32
      %dma_start3A_936 = tpu.memref_slice %arg9[%dma_start3A_927, %dma_start3A_934, %dma_start3A_935] : memref<30x32x128xf32, #tpu.memory_space<vmem>> -> memref<1x32x128xf32, #tpu.memory_space<vmem>>
      %dma_start3A_937 = tpu.memref_squeeze %dma_start3A_936 : memref<1x32x128xf32, #tpu.memory_space<vmem>> -> memref<32x128xf32, #tpu.memory_space<vmem>>
      %dma_start3A_938 = arith.constant 0 : i32
      %dma_start3A_939 = tpu.memref_slice %arg5[%dma_start3A_938, %multiple_of3A_926] : memref<32x1000000xf32, #tpu.memory_space<hbm>> -> memref<32x128xf32, #tpu.memory_space<hbm>>
      tpu.enqueue_dma source(%dma_start3A_939 : memref<32x128xf32, #tpu.memory_space<hbm>>) target(%dma_start3A_937 : memref<32x128xf32, #tpu.memory_space<vmem>>) target_semaphore(%arg13 : memref<!tpu.dma_semaphore, #tpu.memory_space<semaphore_mem>>)
      %slice3A_940 = vector.extract_strided_slice %get3A_22 {offsets = [1], sizes = [1], strides = [1]} : vector<16xi32> to vector<1xi32>
      %squeeze3A_941 = vector.extract %slice3A_940[0] : i32 from vector<1xi32>
      %jit3A_942 = arith.constant 128 : i32
      %div3A_943 = arith.divsi %squeeze3A_941, %jit3A_942 : i32
      %sign3A_944 = arith.constant 0 : i32
      %sign3A_945 = arith.cmpi sgt, %squeeze3A_941, %sign3A_944 : i32
      %sign3A_946 = arith.extui %sign3A_945 : i1 to i32
      %sign3A_947 = arith.constant 0 : i32
      %sign3A_948 = arith.cmpi slt, %squeeze3A_941, %sign3A_947 : i32
      %sign3A_949 = arith.extui %sign3A_948 : i1 to i32
      %sign3A_950 = arith.subi %sign3A_946, %sign3A_949 : i32
      %sign3A_951 = arith.constant 0 : i32
      %sign3A_952 = arith.cmpi sgt, %jit3A_942, %sign3A_951 : i32
      %sign3A_953 = arith.extui %sign3A_952 : i1 to i32
      %sign3A_954 = arith.constant 0 : i32
      %sign3A_955 = arith.cmpi slt, %jit3A_942, %sign3A_954 : i32
      %sign3A_956 = arith.extui %sign3A_955 : i1 to i32
      %sign3A_957 = arith.subi %sign3A_953, %sign3A_956 : i32
      %ne3A_958 = arith.cmpi ne, %sign3A_950, %sign3A_957 : i32
      %rem3A_959 = arith.remsi %squeeze3A_941, %jit3A_942 : i32
      %ne3A_960 = arith.constant 0 : i32
      %ne3A_961 = arith.cmpi ne, %rem3A_959, %ne3A_960 : i32
      %and3A_962 = arith.andi %ne3A_958, %ne3A_961 : i1
      %sub3A_963 = arith.constant 1 : i32
      %sub3A_964 = arith.subi %div3A_943, %sub3A_963 : i32
      %select_n3A_965 = arith.select %and3A_962, %sub3A_964, %div3A_943 : i32
      %mul3A_966 = arith.constant 128 : i32
      %mul3A_967 = arith.muli %select_n3A_965, %mul3A_966 : i32
      %multiple_of3A_968 = tpu.assume_multiple %mul3A_967, 128 : i32
      %dma_start3A_969 = arith.constant 17 : i32
      %dma_start3A_970 = arith.constant 0 : i32
      %dma_start3A_971 = arith.constant 0 : i32
      %dma_start3A_972 = tpu.memref_slice %arg9[%dma_start3A_969, %dma_start3A_970, %dma_start3A_971] : memref<30x32x128xf32, #tpu.memory_space<vmem>> -> memref<1x32x128xf32, #tpu.memory_space<vmem>>
      %dma_start3A_973 = tpu.memref_squeeze %dma_start3A_972 : memref<1x32x128xf32, #tpu.memory_space<vmem>> -> memref<32x128xf32, #tpu.memory_space<vmem>>
      %dma_start3A_974 = arith.constant 0 : i32
      %dma_start3A_975 = tpu.memref_slice %arg5[%dma_start3A_974, %multiple_of3A_968] : memref<32x1000000xf32, #tpu.memory_space<hbm>> -> memref<32x128xf32, #tpu.memory_space<hbm>>
      %dma_start3A_976 = arith.constant 0 : i32
      %dma_start3A_977 = arith.constant 0 : i32
      %dma_start3A_978 = tpu.memref_slice %arg9[%dma_start3A_969, %dma_start3A_976, %dma_start3A_977] : memref<30x32x128xf32, #tpu.memory_space<vmem>> -> memref<1x32x128xf32, #tpu.memory_space<vmem>>
      %dma_start3A_979 = tpu.memref_squeeze %dma_start3A_978 : memref<1x32x128xf32, #tpu.memory_space<vmem>> -> memref<32x128xf32, #tpu.memory_space<vmem>>
      %dma_start3A_980 = arith.constant 0 : i32
      %dma_start3A_981 = tpu.memref_slice %arg5[%dma_start3A_980, %multiple_of3A_968] : memref<32x1000000xf32, #tpu.memory_space<hbm>> -> memref<32x128xf32, #tpu.memory_space<hbm>>
      tpu.enqueue_dma source(%dma_start3A_981 : memref<32x128xf32, #tpu.memory_space<hbm>>) target(%dma_start3A_979 : memref<32x128xf32, #tpu.memory_space<vmem>>) target_semaphore(%arg13 : memref<!tpu.dma_semaphore, #tpu.memory_space<semaphore_mem>>)
      %slice3A_982 = vector.extract_strided_slice %get3A_22 {offsets = [2], sizes = [1], strides = [1]} : vector<16xi32> to vector<1xi32>
      %squeeze3A_983 = vector.extract %slice3A_982[0] : i32 from vector<1xi32>
      %jit3A_984 = arith.constant 128 : i32
      %div3A_985 = arith.divsi %squeeze3A_983, %jit3A_984 : i32
      %sign3A_986 = arith.constant 0 : i32
      %sign3A_987 = arith.cmpi sgt, %squeeze3A_983, %sign3A_986 : i32
      %sign3A_988 = arith.extui %sign3A_987 : i1 to i32
      %sign3A_989 = arith.constant 0 : i32
      %sign3A_990 = arith.cmpi slt, %squeeze3A_983, %sign3A_989 : i32
      %sign3A_991 = arith.extui %sign3A_990 : i1 to i32
      %sign3A_992 = arith.subi %sign3A_988, %sign3A_991 : i32
      %sign3A_993 = arith.constant 0 : i32
      %sign3A_994 = arith.cmpi sgt, %jit3A_984, %sign3A_993 : i32
      %sign3A_995 = arith.extui %sign3A_994 : i1 to i32
      %sign3A_996 = arith.constant 0 : i32
      %sign3A_997 = arith.cmpi slt, %jit3A_984, %sign3A_996 : i32
      %sign3A_998 = arith.extui %sign3A_997 : i1 to i32
      %sign3A_999 = arith.subi %sign3A_995, %sign3A_998 : i32
      %ne3A_1000 = arith.cmpi ne, %sign3A_992, %sign3A_999 : i32
      %rem3A_1001 = arith.remsi %squeeze3A_983, %jit3A_984 : i32
      %ne3A_1002 = arith.constant 0 : i32
      %ne3A_1003 = arith.cmpi ne, %rem3A_1001, %ne3A_1002 : i32
      %and3A_1004 = arith.andi %ne3A_1000, %ne3A_1003 : i1
      %sub3A_1005 = arith.constant 1 : i32
      %sub3A_1006 = arith.subi %div3A_985, %sub3A_1005 : i32
      %select_n3A_1007 = arith.select %and3A_1004, %sub3A_1006, %div3A_985 : i32
      %mul3A_1008 = arith.constant 128 : i32
      %mul3A_1009 = arith.muli %select_n3A_1007, %mul3A_1008 : i32
      %multiple_of3A_1010 = tpu.assume_multiple %mul3A_1009, 128 : i32
      %dma_start3A_1011 = arith.constant 18 : i32
      %dma_start3A_1012 = arith.constant 0 : i32
      %dma_start3A_1013 = arith.constant 0 : i32
      %dma_start3A_1014 = tpu.memref_slice %arg9[%dma_start3A_1011, %dma_start3A_1012, %dma_start3A_1013] : memref<30x32x128xf32, #tpu.memory_space<vmem>> -> memref<1x32x128xf32, #tpu.memory_space<vmem>>
      %dma_start3A_1015 = tpu.memref_squeeze %dma_start3A_1014 : memref<1x32x128xf32, #tpu.memory_space<vmem>> -> memref<32x128xf32, #tpu.memory_space<vmem>>
      %dma_start3A_1016 = arith.constant 0 : i32
      %dma_start3A_1017 = tpu.memref_slice %arg5[%dma_start3A_1016, %multiple_of3A_1010] : memref<32x1000000xf32, #tpu.memory_space<hbm>> -> memref<32x128xf32, #tpu.memory_space<hbm>>
      %dma_start3A_1018 = arith.constant 0 : i32
      %dma_start3A_1019 = arith.constant 0 : i32
      %dma_start3A_1020 = tpu.memref_slice %arg9[%dma_start3A_1011, %dma_start3A_1018, %dma_start3A_1019] : memref<30x32x128xf32, #tpu.memory_space<vmem>> -> memref<1x32x128xf32, #tpu.memory_space<vmem>>
      %dma_start3A_1021 = tpu.memref_squeeze %dma_start3A_1020 : memref<1x32x128xf32, #tpu.memory_space<vmem>> -> memref<32x128xf32, #tpu.memory_space<vmem>>
      %dma_start3A_1022 = arith.constant 0 : i32
      %dma_start3A_1023 = tpu.memref_slice %arg5[%dma_start3A_1022, %multiple_of3A_1010] : memref<32x1000000xf32, #tpu.memory_space<hbm>> -> memref<32x128xf32, #tpu.memory_space<hbm>>
      tpu.enqueue_dma source(%dma_start3A_1023 : memref<32x128xf32, #tpu.memory_space<hbm>>) target(%dma_start3A_1021 : memref<32x128xf32, #tpu.memory_space<vmem>>) target_semaphore(%arg13 : memref<!tpu.dma_semaphore, #tpu.memory_space<semaphore_mem>>)
      %slice3A_1024 = vector.extract_strided_slice %get3A_22 {offsets = [3], sizes = [1], strides = [1]} : vector<16xi32> to vector<1xi32>
      %squeeze3A_1025 = vector.extract %slice3A_1024[0] : i32 from vector<1xi32>
      %jit3A_1026 = arith.constant 128 : i32
      %div3A_1027 = arith.divsi %squeeze3A_1025, %jit3A_1026 : i32
      %sign3A_1028 = arith.constant 0 : i32
      %sign3A_1029 = arith.cmpi sgt, %squeeze3A_1025, %sign3A_1028 : i32
      %sign3A_1030 = arith.extui %sign3A_1029 : i1 to i32
      %sign3A_1031 = arith.constant 0 : i32
      %sign3A_1032 = arith.cmpi slt, %squeeze3A_1025, %sign3A_1031 : i32
      %sign3A_1033 = arith.extui %sign3A_1032 : i1 to i32
      %sign3A_1034 = arith.subi %sign3A_1030, %sign3A_1033 : i32
      %sign3A_1035 = arith.constant 0 : i32
      %sign3A_1036 = arith.cmpi sgt, %jit3A_1026, %sign3A_1035 : i32
      %sign3A_1037 = arith.extui %sign3A_1036 : i1 to i32
      %sign3A_1038 = arith.constant 0 : i32
      %sign3A_1039 = arith.cmpi slt, %jit3A_1026, %sign3A_1038 : i32
      %sign3A_1040 = arith.extui %sign3A_1039 : i1 to i32
      %sign3A_1041 = arith.subi %sign3A_1037, %sign3A_1040 : i32
      %ne3A_1042 = arith.cmpi ne, %sign3A_1034, %sign3A_1041 : i32
      %rem3A_1043 = arith.remsi %squeeze3A_1025, %jit3A_1026 : i32
      %ne3A_1044 = arith.constant 0 : i32
      %ne3A_1045 = arith.cmpi ne, %rem3A_1043, %ne3A_1044 : i32
      %and3A_1046 = arith.andi %ne3A_1042, %ne3A_1045 : i1
      %sub3A_1047 = arith.constant 1 : i32
      %sub3A_1048 = arith.subi %div3A_1027, %sub3A_1047 : i32
      %select_n3A_1049 = arith.select %and3A_1046, %sub3A_1048, %div3A_1027 : i32
      %mul3A_1050 = arith.constant 128 : i32
      %mul3A_1051 = arith.muli %select_n3A_1049, %mul3A_1050 : i32
      %multiple_of3A_1052 = tpu.assume_multiple %mul3A_1051, 128 : i32
      %dma_start3A_1053 = arith.constant 19 : i32
      %dma_start3A_1054 = arith.constant 0 : i32
      %dma_start3A_1055 = arith.constant 0 : i32
      %dma_start3A_1056 = tpu.memref_slice %arg9[%dma_start3A_1053, %dma_start3A_1054, %dma_start3A_1055] : memref<30x32x128xf32, #tpu.memory_space<vmem>> -> memref<1x32x128xf32, #tpu.memory_space<vmem>>
      %dma_start3A_1057 = tpu.memref_squeeze %dma_start3A_1056 : memref<1x32x128xf32, #tpu.memory_space<vmem>> -> memref<32x128xf32, #tpu.memory_space<vmem>>
      %dma_start3A_1058 = arith.constant 0 : i32
      %dma_start3A_1059 = tpu.memref_slice %arg5[%dma_start3A_1058, %multiple_of3A_1052] : memref<32x1000000xf32, #tpu.memory_space<hbm>> -> memref<32x128xf32, #tpu.memory_space<hbm>>
      %dma_start3A_1060 = arith.constant 0 : i32
      %dma_start3A_1061 = arith.constant 0 : i32
      %dma_start3A_1062 = tpu.memref_slice %arg9[%dma_start3A_1053, %dma_start3A_1060, %dma_start3A_1061] : memref<30x32x128xf32, #tpu.memory_space<vmem>> -> memref<1x32x128xf32, #tpu.memory_space<vmem>>
      %dma_start3A_1063 = tpu.memref_squeeze %dma_start3A_1062 : memref<1x32x128xf32, #tpu.memory_space<vmem>> -> memref<32x128xf32, #tpu.memory_space<vmem>>
      %dma_start3A_1064 = arith.constant 0 : i32
      %dma_start3A_1065 = tpu.memref_slice %arg5[%dma_start3A_1064, %multiple_of3A_1052] : memref<32x1000000xf32, #tpu.memory_space<hbm>> -> memref<32x128xf32, #tpu.memory_space<hbm>>
      tpu.enqueue_dma source(%dma_start3A_1065 : memref<32x128xf32, #tpu.memory_space<hbm>>) target(%dma_start3A_1063 : memref<32x128xf32, #tpu.memory_space<vmem>>) target_semaphore(%arg13 : memref<!tpu.dma_semaphore, #tpu.memory_space<semaphore_mem>>)
      %slice3A_1066 = vector.extract_strided_slice %get3A_22 {offsets = [4], sizes = [1], strides = [1]} : vector<16xi32> to vector<1xi32>
      %squeeze3A_1067 = vector.extract %slice3A_1066[0] : i32 from vector<1xi32>
      %jit3A_1068 = arith.constant 128 : i32
      %div3A_1069 = arith.divsi %squeeze3A_1067, %jit3A_1068 : i32
      %sign3A_1070 = arith.constant 0 : i32
      %sign3A_1071 = arith.cmpi sgt, %squeeze3A_1067, %sign3A_1070 : i32
      %sign3A_1072 = arith.extui %sign3A_1071 : i1 to i32
      %sign3A_1073 = arith.constant 0 : i32
      %sign3A_1074 = arith.cmpi slt, %squeeze3A_1067, %sign3A_1073 : i32
      %sign3A_1075 = arith.extui %sign3A_1074 : i1 to i32
      %sign3A_1076 = arith.subi %sign3A_1072, %sign3A_1075 : i32
      %sign3A_1077 = arith.constant 0 : i32
      %sign3A_1078 = arith.cmpi sgt, %jit3A_1068, %sign3A_1077 : i32
      %sign3A_1079 = arith.extui %sign3A_1078 : i1 to i32
      %sign3A_1080 = arith.constant 0 : i32
      %sign3A_1081 = arith.cmpi slt, %jit3A_1068, %sign3A_1080 : i32
      %sign3A_1082 = arith.extui %sign3A_1081 : i1 to i32
      %sign3A_1083 = arith.subi %sign3A_1079, %sign3A_1082 : i32
      %ne3A_1084 = arith.cmpi ne, %sign3A_1076, %sign3A_1083 : i32
      %rem3A_1085 = arith.remsi %squeeze3A_1067, %jit3A_1068 : i32
      %ne3A_1086 = arith.constant 0 : i32
      %ne3A_1087 = arith.cmpi ne, %rem3A_1085, %ne3A_1086 : i32
      %and3A_1088 = arith.andi %ne3A_1084, %ne3A_1087 : i1
      %sub3A_1089 = arith.constant 1 : i32
      %sub3A_1090 = arith.subi %div3A_1069, %sub3A_1089 : i32
      %select_n3A_1091 = arith.select %and3A_1088, %sub3A_1090, %div3A_1069 : i32
      %mul3A_1092 = arith.constant 128 : i32
      %mul3A_1093 = arith.muli %select_n3A_1091, %mul3A_1092 : i32
      %multiple_of3A_1094 = tpu.assume_multiple %mul3A_1093, 128 : i32
      %dma_start3A_1095 = arith.constant 20 : i32
      %dma_start3A_1096 = arith.constant 0 : i32
      %dma_start3A_1097 = arith.constant 0 : i32
      %dma_start3A_1098 = tpu.memref_slice %arg9[%dma_start3A_1095, %dma_start3A_1096, %dma_start3A_1097] : memref<30x32x128xf32, #tpu.memory_space<vmem>> -> memref<1x32x128xf32, #tpu.memory_space<vmem>>
      %dma_start3A_1099 = tpu.memref_squeeze %dma_start3A_1098 : memref<1x32x128xf32, #tpu.memory_space<vmem>> -> memref<32x128xf32, #tpu.memory_space<vmem>>
      %dma_start3A_1100 = arith.constant 0 : i32
      %dma_start3A_1101 = tpu.memref_slice %arg5[%dma_start3A_1100, %multiple_of3A_1094] : memref<32x1000000xf32, #tpu.memory_space<hbm>> -> memref<32x128xf32, #tpu.memory_space<hbm>>
      %dma_start3A_1102 = arith.constant 0 : i32
      %dma_start3A_1103 = arith.constant 0 : i32
      %dma_start3A_1104 = tpu.memref_slice %arg9[%dma_start3A_1095, %dma_start3A_1102, %dma_start3A_1103] : memref<30x32x128xf32, #tpu.memory_space<vmem>> -> memref<1x32x128xf32, #tpu.memory_space<vmem>>
      %dma_start3A_1105 = tpu.memref_squeeze %dma_start3A_1104 : memref<1x32x128xf32, #tpu.memory_space<vmem>> -> memref<32x128xf32, #tpu.memory_space<vmem>>
      %dma_start3A_1106 = arith.constant 0 : i32
      %dma_start3A_1107 = tpu.memref_slice %arg5[%dma_start3A_1106, %multiple_of3A_1094] : memref<32x1000000xf32, #tpu.memory_space<hbm>> -> memref<32x128xf32, #tpu.memory_space<hbm>>
      tpu.enqueue_dma source(%dma_start3A_1107 : memref<32x128xf32, #tpu.memory_space<hbm>>) target(%dma_start3A_1105 : memref<32x128xf32, #tpu.memory_space<vmem>>) target_semaphore(%arg13 : memref<!tpu.dma_semaphore, #tpu.memory_space<semaphore_mem>>)
      %slice3A_1108 = vector.extract_strided_slice %get3A_22 {offsets = [5], sizes = [1], strides = [1]} : vector<16xi32> to vector<1xi32>
      %squeeze3A_1109 = vector.extract %slice3A_1108[0] : i32 from vector<1xi32>
      %jit3A_1110 = arith.constant 128 : i32
      %div3A_1111 = arith.divsi %squeeze3A_1109, %jit3A_1110 : i32
      %sign3A_1112 = arith.constant 0 : i32
      %sign3A_1113 = arith.cmpi sgt, %squeeze3A_1109, %sign3A_1112 : i32
      %sign3A_1114 = arith.extui %sign3A_1113 : i1 to i32
      %sign3A_1115 = arith.constant 0 : i32
      %sign3A_1116 = arith.cmpi slt, %squeeze3A_1109, %sign3A_1115 : i32
      %sign3A_1117 = arith.extui %sign3A_1116 : i1 to i32
      %sign3A_1118 = arith.subi %sign3A_1114, %sign3A_1117 : i32
      %sign3A_1119 = arith.constant 0 : i32
      %sign3A_1120 = arith.cmpi sgt, %jit3A_1110, %sign3A_1119 : i32
      %sign3A_1121 = arith.extui %sign3A_1120 : i1 to i32
      %sign3A_1122 = arith.constant 0 : i32
      %sign3A_1123 = arith.cmpi slt, %jit3A_1110, %sign3A_1122 : i32
      %sign3A_1124 = arith.extui %sign3A_1123 : i1 to i32
      %sign3A_1125 = arith.subi %sign3A_1121, %sign3A_1124 : i32
      %ne3A_1126 = arith.cmpi ne, %sign3A_1118, %sign3A_1125 : i32
      %rem3A_1127 = arith.remsi %squeeze3A_1109, %jit3A_1110 : i32
      %ne3A_1128 = arith.constant 0 : i32
      %ne3A_1129 = arith.cmpi ne, %rem3A_1127, %ne3A_1128 : i32
      %and3A_1130 = arith.andi %ne3A_1126, %ne3A_1129 : i1
      %sub3A_1131 = arith.constant 1 : i32
      %sub3A_1132 = arith.subi %div3A_1111, %sub3A_1131 : i32
      %select_n3A_1133 = arith.select %and3A_1130, %sub3A_1132, %div3A_1111 : i32
      %mul3A_1134 = arith.constant 128 : i32
      %mul3A_1135 = arith.muli %select_n3A_1133, %mul3A_1134 : i32
      %multiple_of3A_1136 = tpu.assume_multiple %mul3A_1135, 128 : i32
      %dma_start3A_1137 = arith.constant 21 : i32
      %dma_start3A_1138 = arith.constant 0 : i32
      %dma_start3A_1139 = arith.constant 0 : i32
      %dma_start3A_1140 = tpu.memref_slice %arg9[%dma_start3A_1137, %dma_start3A_1138, %dma_start3A_1139] : memref<30x32x128xf32, #tpu.memory_space<vmem>> -> memref<1x32x128xf32, #tpu.memory_space<vmem>>
      %dma_start3A_1141 = tpu.memref_squeeze %dma_start3A_1140 : memref<1x32x128xf32, #tpu.memory_space<vmem>> -> memref<32x128xf32, #tpu.memory_space<vmem>>
      %dma_start3A_1142 = arith.constant 0 : i32
      %dma_start3A_1143 = tpu.memref_slice %arg5[%dma_start3A_1142, %multiple_of3A_1136] : memref<32x1000000xf32, #tpu.memory_space<hbm>> -> memref<32x128xf32, #tpu.memory_space<hbm>>
      %dma_start3A_1144 = arith.constant 0 : i32
      %dma_start3A_1145 = arith.constant 0 : i32
      %dma_start3A_1146 = tpu.memref_slice %arg9[%dma_start3A_1137, %dma_start3A_1144, %dma_start3A_1145] : memref<30x32x128xf32, #tpu.memory_space<vmem>> -> memref<1x32x128xf32, #tpu.memory_space<vmem>>
      %dma_start3A_1147 = tpu.memref_squeeze %dma_start3A_1146 : memref<1x32x128xf32, #tpu.memory_space<vmem>> -> memref<32x128xf32, #tpu.memory_space<vmem>>
      %dma_start3A_1148 = arith.constant 0 : i32
      %dma_start3A_1149 = tpu.memref_slice %arg5[%dma_start3A_1148, %multiple_of3A_1136] : memref<32x1000000xf32, #tpu.memory_space<hbm>> -> memref<32x128xf32, #tpu.memory_space<hbm>>
      tpu.enqueue_dma source(%dma_start3A_1149 : memref<32x128xf32, #tpu.memory_space<hbm>>) target(%dma_start3A_1147 : memref<32x128xf32, #tpu.memory_space<vmem>>) target_semaphore(%arg13 : memref<!tpu.dma_semaphore, #tpu.memory_space<semaphore_mem>>)
      %slice3A_1150 = vector.extract_strided_slice %get3A_22 {offsets = [6], sizes = [1], strides = [1]} : vector<16xi32> to vector<1xi32>
      %squeeze3A_1151 = vector.extract %slice3A_1150[0] : i32 from vector<1xi32>
      %jit3A_1152 = arith.constant 128 : i32
      %div3A_1153 = arith.divsi %squeeze3A_1151, %jit3A_1152 : i32
      %sign3A_1154 = arith.constant 0 : i32
      %sign3A_1155 = arith.cmpi sgt, %squeeze3A_1151, %sign3A_1154 : i32
      %sign3A_1156 = arith.extui %sign3A_1155 : i1 to i32
      %sign3A_1157 = arith.constant 0 : i32
      %sign3A_1158 = arith.cmpi slt, %squeeze3A_1151, %sign3A_1157 : i32
      %sign3A_1159 = arith.extui %sign3A_1158 : i1 to i32
      %sign3A_1160 = arith.subi %sign3A_1156, %sign3A_1159 : i32
      %sign3A_1161 = arith.constant 0 : i32
      %sign3A_1162 = arith.cmpi sgt, %jit3A_1152, %sign3A_1161 : i32
      %sign3A_1163 = arith.extui %sign3A_1162 : i1 to i32
      %sign3A_1164 = arith.constant 0 : i32
      %sign3A_1165 = arith.cmpi slt, %jit3A_1152, %sign3A_1164 : i32
      %sign3A_1166 = arith.extui %sign3A_1165 : i1 to i32
      %sign3A_1167 = arith.subi %sign3A_1163, %sign3A_1166 : i32
      %ne3A_1168 = arith.cmpi ne, %sign3A_1160, %sign3A_1167 : i32
      %rem3A_1169 = arith.remsi %squeeze3A_1151, %jit3A_1152 : i32
      %ne3A_1170 = arith.constant 0 : i32
      %ne3A_1171 = arith.cmpi ne, %rem3A_1169, %ne3A_1170 : i32
      %and3A_1172 = arith.andi %ne3A_1168, %ne3A_1171 : i1
      %sub3A_1173 = arith.constant 1 : i32
      %sub3A_1174 = arith.subi %div3A_1153, %sub3A_1173 : i32
      %select_n3A_1175 = arith.select %and3A_1172, %sub3A_1174, %div3A_1153 : i32
      %mul3A_1176 = arith.constant 128 : i32
      %mul3A_1177 = arith.muli %select_n3A_1175, %mul3A_1176 : i32
      %multiple_of3A_1178 = tpu.assume_multiple %mul3A_1177, 128 : i32
      %dma_start3A_1179 = arith.constant 22 : i32
      %dma_start3A_1180 = arith.constant 0 : i32
      %dma_start3A_1181 = arith.constant 0 : i32
      %dma_start3A_1182 = tpu.memref_slice %arg9[%dma_start3A_1179, %dma_start3A_1180, %dma_start3A_1181] : memref<30x32x128xf32, #tpu.memory_space<vmem>> -> memref<1x32x128xf32, #tpu.memory_space<vmem>>
      %dma_start3A_1183 = tpu.memref_squeeze %dma_start3A_1182 : memref<1x32x128xf32, #tpu.memory_space<vmem>> -> memref<32x128xf32, #tpu.memory_space<vmem>>
      %dma_start3A_1184 = arith.constant 0 : i32
      %dma_start3A_1185 = tpu.memref_slice %arg5[%dma_start3A_1184, %multiple_of3A_1178] : memref<32x1000000xf32, #tpu.memory_space<hbm>> -> memref<32x128xf32, #tpu.memory_space<hbm>>
      %dma_start3A_1186 = arith.constant 0 : i32
      %dma_start3A_1187 = arith.constant 0 : i32
      %dma_start3A_1188 = tpu.memref_slice %arg9[%dma_start3A_1179, %dma_start3A_1186, %dma_start3A_1187] : memref<30x32x128xf32, #tpu.memory_space<vmem>> -> memref<1x32x128xf32, #tpu.memory_space<vmem>>
      %dma_start3A_1189 = tpu.memref_squeeze %dma_start3A_1188 : memref<1x32x128xf32, #tpu.memory_space<vmem>> -> memref<32x128xf32, #tpu.memory_space<vmem>>
      %dma_start3A_1190 = arith.constant 0 : i32
      %dma_start3A_1191 = tpu.memref_slice %arg5[%dma_start3A_1190, %multiple_of3A_1178] : memref<32x1000000xf32, #tpu.memory_space<hbm>> -> memref<32x128xf32, #tpu.memory_space<hbm>>
      tpu.enqueue_dma source(%dma_start3A_1191 : memref<32x128xf32, #tpu.memory_space<hbm>>) target(%dma_start3A_1189 : memref<32x128xf32, #tpu.memory_space<vmem>>) target_semaphore(%arg13 : memref<!tpu.dma_semaphore, #tpu.memory_space<semaphore_mem>>)
      %slice3A_1192 = vector.extract_strided_slice %get3A_22 {offsets = [7], sizes = [1], strides = [1]} : vector<16xi32> to vector<1xi32>
      %squeeze3A_1193 = vector.extract %slice3A_1192[0] : i32 from vector<1xi32>
      %jit3A_1194 = arith.constant 128 : i32
      %div3A_1195 = arith.divsi %squeeze3A_1193, %jit3A_1194 : i32
      %sign3A_1196 = arith.constant 0 : i32
      %sign3A_1197 = arith.cmpi sgt, %squeeze3A_1193, %sign3A_1196 : i32
      %sign3A_1198 = arith.extui %sign3A_1197 : i1 to i32
      %sign3A_1199 = arith.constant 0 : i32
      %sign3A_1200 = arith.cmpi slt, %squeeze3A_1193, %sign3A_1199 : i32
      %sign3A_1201 = arith.extui %sign3A_1200 : i1 to i32
      %sign3A_1202 = arith.subi %sign3A_1198, %sign3A_1201 : i32
      %sign3A_1203 = arith.constant 0 : i32
      %sign3A_1204 = arith.cmpi sgt, %jit3A_1194, %sign3A_1203 : i32
      %sign3A_1205 = arith.extui %sign3A_1204 : i1 to i32
      %sign3A_1206 = arith.constant 0 : i32
      %sign3A_1207 = arith.cmpi slt, %jit3A_1194, %sign3A_1206 : i32
      %sign3A_1208 = arith.extui %sign3A_1207 : i1 to i32
      %sign3A_1209 = arith.subi %sign3A_1205, %sign3A_1208 : i32
      %ne3A_1210 = arith.cmpi ne, %sign3A_1202, %sign3A_1209 : i32
      %rem3A_1211 = arith.remsi %squeeze3A_1193, %jit3A_1194 : i32
      %ne3A_1212 = arith.constant 0 : i32
      %ne3A_1213 = arith.cmpi ne, %rem3A_1211, %ne3A_1212 : i32
      %and3A_1214 = arith.andi %ne3A_1210, %ne3A_1213 : i1
      %sub3A_1215 = arith.constant 1 : i32
      %sub3A_1216 = arith.subi %div3A_1195, %sub3A_1215 : i32
      %select_n3A_1217 = arith.select %and3A_1214, %sub3A_1216, %div3A_1195 : i32
      %mul3A_1218 = arith.constant 128 : i32
      %mul3A_1219 = arith.muli %select_n3A_1217, %mul3A_1218 : i32
      %multiple_of3A_1220 = tpu.assume_multiple %mul3A_1219, 128 : i32
      %dma_start3A_1221 = arith.constant 23 : i32
      %dma_start3A_1222 = arith.constant 0 : i32
      %dma_start3A_1223 = arith.constant 0 : i32
      %dma_start3A_1224 = tpu.memref_slice %arg9[%dma_start3A_1221, %dma_start3A_1222, %dma_start3A_1223] : memref<30x32x128xf32, #tpu.memory_space<vmem>> -> memref<1x32x128xf32, #tpu.memory_space<vmem>>
      %dma_start3A_1225 = tpu.memref_squeeze %dma_start3A_1224 : memref<1x32x128xf32, #tpu.memory_space<vmem>> -> memref<32x128xf32, #tpu.memory_space<vmem>>
      %dma_start3A_1226 = arith.constant 0 : i32
      %dma_start3A_1227 = tpu.memref_slice %arg5[%dma_start3A_1226, %multiple_of3A_1220] : memref<32x1000000xf32, #tpu.memory_space<hbm>> -> memref<32x128xf32, #tpu.memory_space<hbm>>
      %dma_start3A_1228 = arith.constant 0 : i32
      %dma_start3A_1229 = arith.constant 0 : i32
      %dma_start3A_1230 = tpu.memref_slice %arg9[%dma_start3A_1221, %dma_start3A_1228, %dma_start3A_1229] : memref<30x32x128xf32, #tpu.memory_space<vmem>> -> memref<1x32x128xf32, #tpu.memory_space<vmem>>
      %dma_start3A_1231 = tpu.memref_squeeze %dma_start3A_1230 : memref<1x32x128xf32, #tpu.memory_space<vmem>> -> memref<32x128xf32, #tpu.memory_space<vmem>>
      %dma_start3A_1232 = arith.constant 0 : i32
      %dma_start3A_1233 = tpu.memref_slice %arg5[%dma_start3A_1232, %multiple_of3A_1220] : memref<32x1000000xf32, #tpu.memory_space<hbm>> -> memref<32x128xf32, #tpu.memory_space<hbm>>
      tpu.enqueue_dma source(%dma_start3A_1233 : memref<32x128xf32, #tpu.memory_space<hbm>>) target(%dma_start3A_1231 : memref<32x128xf32, #tpu.memory_space<vmem>>) target_semaphore(%arg13 : memref<!tpu.dma_semaphore, #tpu.memory_space<semaphore_mem>>)
      %slice3A_1234 = vector.extract_strided_slice %get3A_22 {offsets = [8], sizes = [1], strides = [1]} : vector<16xi32> to vector<1xi32>
      %squeeze3A_1235 = vector.extract %slice3A_1234[0] : i32 from vector<1xi32>
      %jit3A_1236 = arith.constant 128 : i32
      %div3A_1237 = arith.divsi %squeeze3A_1235, %jit3A_1236 : i32
      %sign3A_1238 = arith.constant 0 : i32
      %sign3A_1239 = arith.cmpi sgt, %squeeze3A_1235, %sign3A_1238 : i32
      %sign3A_1240 = arith.extui %sign3A_1239 : i1 to i32
      %sign3A_1241 = arith.constant 0 : i32
      %sign3A_1242 = arith.cmpi slt, %squeeze3A_1235, %sign3A_1241 : i32
      %sign3A_1243 = arith.extui %sign3A_1242 : i1 to i32
      %sign3A_1244 = arith.subi %sign3A_1240, %sign3A_1243 : i32
      %sign3A_1245 = arith.constant 0 : i32
      %sign3A_1246 = arith.cmpi sgt, %jit3A_1236, %sign3A_1245 : i32
      %sign3A_1247 = arith.extui %sign3A_1246 : i1 to i32
      %sign3A_1248 = arith.constant 0 : i32
      %sign3A_1249 = arith.cmpi slt, %jit3A_1236, %sign3A_1248 : i32
      %sign3A_1250 = arith.extui %sign3A_1249 : i1 to i32
      %sign3A_1251 = arith.subi %sign3A_1247, %sign3A_1250 : i32
      %ne3A_1252 = arith.cmpi ne, %sign3A_1244, %sign3A_1251 : i32
      %rem3A_1253 = arith.remsi %squeeze3A_1235, %jit3A_1236 : i32
      %ne3A_1254 = arith.constant 0 : i32
      %ne3A_1255 = arith.cmpi ne, %rem3A_1253, %ne3A_1254 : i32
      %and3A_1256 = arith.andi %ne3A_1252, %ne3A_1255 : i1
      %sub3A_1257 = arith.constant 1 : i32
      %sub3A_1258 = arith.subi %div3A_1237, %sub3A_1257 : i32
      %select_n3A_1259 = arith.select %and3A_1256, %sub3A_1258, %div3A_1237 : i32
      %mul3A_1260 = arith.constant 128 : i32
      %mul3A_1261 = arith.muli %select_n3A_1259, %mul3A_1260 : i32
      %multiple_of3A_1262 = tpu.assume_multiple %mul3A_1261, 128 : i32
      %dma_start3A_1263 = arith.constant 24 : i32
      %dma_start3A_1264 = arith.constant 0 : i32
      %dma_start3A_1265 = arith.constant 0 : i32
      %dma_start3A_1266 = tpu.memref_slice %arg9[%dma_start3A_1263, %dma_start3A_1264, %dma_start3A_1265] : memref<30x32x128xf32, #tpu.memory_space<vmem>> -> memref<1x32x128xf32, #tpu.memory_space<vmem>>
      %dma_start3A_1267 = tpu.memref_squeeze %dma_start3A_1266 : memref<1x32x128xf32, #tpu.memory_space<vmem>> -> memref<32x128xf32, #tpu.memory_space<vmem>>
      %dma_start3A_1268 = arith.constant 0 : i32
      %dma_start3A_1269 = tpu.memref_slice %arg5[%dma_start3A_1268, %multiple_of3A_1262] : memref<32x1000000xf32, #tpu.memory_space<hbm>> -> memref<32x128xf32, #tpu.memory_space<hbm>>
      %dma_start3A_1270 = arith.constant 0 : i32
      %dma_start3A_1271 = arith.constant 0 : i32
      %dma_start3A_1272 = tpu.memref_slice %arg9[%dma_start3A_1263, %dma_start3A_1270, %dma_start3A_1271] : memref<30x32x128xf32, #tpu.memory_space<vmem>> -> memref<1x32x128xf32, #tpu.memory_space<vmem>>
      %dma_start3A_1273 = tpu.memref_squeeze %dma_start3A_1272 : memref<1x32x128xf32, #tpu.memory_space<vmem>> -> memref<32x128xf32, #tpu.memory_space<vmem>>
      %dma_start3A_1274 = arith.constant 0 : i32
      %dma_start3A_1275 = tpu.memref_slice %arg5[%dma_start3A_1274, %multiple_of3A_1262] : memref<32x1000000xf32, #tpu.memory_space<hbm>> -> memref<32x128xf32, #tpu.memory_space<hbm>>
      tpu.enqueue_dma source(%dma_start3A_1275 : memref<32x128xf32, #tpu.memory_space<hbm>>) target(%dma_start3A_1273 : memref<32x128xf32, #tpu.memory_space<vmem>>) target_semaphore(%arg13 : memref<!tpu.dma_semaphore, #tpu.memory_space<semaphore_mem>>)
      %slice3A_1276 = vector.extract_strided_slice %get3A_22 {offsets = [9], sizes = [1], strides = [1]} : vector<16xi32> to vector<1xi32>
      %squeeze3A_1277 = vector.extract %slice3A_1276[0] : i32 from vector<1xi32>
      %jit3A_1278 = arith.constant 128 : i32
      %div3A_1279 = arith.divsi %squeeze3A_1277, %jit3A_1278 : i32
      %sign3A_1280 = arith.constant 0 : i32
      %sign3A_1281 = arith.cmpi sgt, %squeeze3A_1277, %sign3A_1280 : i32
      %sign3A_1282 = arith.extui %sign3A_1281 : i1 to i32
      %sign3A_1283 = arith.constant 0 : i32
      %sign3A_1284 = arith.cmpi slt, %squeeze3A_1277, %sign3A_1283 : i32
      %sign3A_1285 = arith.extui %sign3A_1284 : i1 to i32
      %sign3A_1286 = arith.subi %sign3A_1282, %sign3A_1285 : i32
      %sign3A_1287 = arith.constant 0 : i32
      %sign3A_1288 = arith.cmpi sgt, %jit3A_1278, %sign3A_1287 : i32
      %sign3A_1289 = arith.extui %sign3A_1288 : i1 to i32
      %sign3A_1290 = arith.constant 0 : i32
      %sign3A_1291 = arith.cmpi slt, %jit3A_1278, %sign3A_1290 : i32
      %sign3A_1292 = arith.extui %sign3A_1291 : i1 to i32
      %sign3A_1293 = arith.subi %sign3A_1289, %sign3A_1292 : i32
      %ne3A_1294 = arith.cmpi ne, %sign3A_1286, %sign3A_1293 : i32
      %rem3A_1295 = arith.remsi %squeeze3A_1277, %jit3A_1278 : i32
      %ne3A_1296 = arith.constant 0 : i32
      %ne3A_1297 = arith.cmpi ne, %rem3A_1295, %ne3A_1296 : i32
      %and3A_1298 = arith.andi %ne3A_1294, %ne3A_1297 : i1
      %sub3A_1299 = arith.constant 1 : i32
      %sub3A_1300 = arith.subi %div3A_1279, %sub3A_1299 : i32
      %select_n3A_1301 = arith.select %and3A_1298, %sub3A_1300, %div3A_1279 : i32
      %mul3A_1302 = arith.constant 128 : i32
      %mul3A_1303 = arith.muli %select_n3A_1301, %mul3A_1302 : i32
      %multiple_of3A_1304 = tpu.assume_multiple %mul3A_1303, 128 : i32
      %dma_start3A_1305 = arith.constant 25 : i32
      %dma_start3A_1306 = arith.constant 0 : i32
      %dma_start3A_1307 = arith.constant 0 : i32
      %dma_start3A_1308 = tpu.memref_slice %arg9[%dma_start3A_1305, %dma_start3A_1306, %dma_start3A_1307] : memref<30x32x128xf32, #tpu.memory_space<vmem>> -> memref<1x32x128xf32, #tpu.memory_space<vmem>>
      %dma_start3A_1309 = tpu.memref_squeeze %dma_start3A_1308 : memref<1x32x128xf32, #tpu.memory_space<vmem>> -> memref<32x128xf32, #tpu.memory_space<vmem>>
      %dma_start3A_1310 = arith.constant 0 : i32
      %dma_start3A_1311 = tpu.memref_slice %arg5[%dma_start3A_1310, %multiple_of3A_1304] : memref<32x1000000xf32, #tpu.memory_space<hbm>> -> memref<32x128xf32, #tpu.memory_space<hbm>>
      %dma_start3A_1312 = arith.constant 0 : i32
      %dma_start3A_1313 = arith.constant 0 : i32
      %dma_start3A_1314 = tpu.memref_slice %arg9[%dma_start3A_1305, %dma_start3A_1312, %dma_start3A_1313] : memref<30x32x128xf32, #tpu.memory_space<vmem>> -> memref<1x32x128xf32, #tpu.memory_space<vmem>>
      %dma_start3A_1315 = tpu.memref_squeeze %dma_start3A_1314 : memref<1x32x128xf32, #tpu.memory_space<vmem>> -> memref<32x128xf32, #tpu.memory_space<vmem>>
      %dma_start3A_1316 = arith.constant 0 : i32
      %dma_start3A_1317 = tpu.memref_slice %arg5[%dma_start3A_1316, %multiple_of3A_1304] : memref<32x1000000xf32, #tpu.memory_space<hbm>> -> memref<32x128xf32, #tpu.memory_space<hbm>>
      tpu.enqueue_dma source(%dma_start3A_1317 : memref<32x128xf32, #tpu.memory_space<hbm>>) target(%dma_start3A_1315 : memref<32x128xf32, #tpu.memory_space<vmem>>) target_semaphore(%arg13 : memref<!tpu.dma_semaphore, #tpu.memory_space<semaphore_mem>>)
      %slice3A_1318 = vector.extract_strided_slice %get3A_22 {offsets = [10], sizes = [1], strides = [1]} : vector<16xi32> to vector<1xi32>
      %squeeze3A_1319 = vector.extract %slice3A_1318[0] : i32 from vector<1xi32>
      %jit3A_1320 = arith.constant 128 : i32
      %div3A_1321 = arith.divsi %squeeze3A_1319, %jit3A_1320 : i32
      %sign3A_1322 = arith.constant 0 : i32
      %sign3A_1323 = arith.cmpi sgt, %squeeze3A_1319, %sign3A_1322 : i32
      %sign3A_1324 = arith.extui %sign3A_1323 : i1 to i32
      %sign3A_1325 = arith.constant 0 : i32
      %sign3A_1326 = arith.cmpi slt, %squeeze3A_1319, %sign3A_1325 : i32
      %sign3A_1327 = arith.extui %sign3A_1326 : i1 to i32
      %sign3A_1328 = arith.subi %sign3A_1324, %sign3A_1327 : i32
      %sign3A_1329 = arith.constant 0 : i32
      %sign3A_1330 = arith.cmpi sgt, %jit3A_1320, %sign3A_1329 : i32
      %sign3A_1331 = arith.extui %sign3A_1330 : i1 to i32
      %sign3A_1332 = arith.constant 0 : i32
      %sign3A_1333 = arith.cmpi slt, %jit3A_1320, %sign3A_1332 : i32
      %sign3A_1334 = arith.extui %sign3A_1333 : i1 to i32
      %sign3A_1335 = arith.subi %sign3A_1331, %sign3A_1334 : i32
      %ne3A_1336 = arith.cmpi ne, %sign3A_1328, %sign3A_1335 : i32
      %rem3A_1337 = arith.remsi %squeeze3A_1319, %jit3A_1320 : i32
      %ne3A_1338 = arith.constant 0 : i32
      %ne3A_1339 = arith.cmpi ne, %rem3A_1337, %ne3A_1338 : i32
      %and3A_1340 = arith.andi %ne3A_1336, %ne3A_1339 : i1
      %sub3A_1341 = arith.constant 1 : i32
      %sub3A_1342 = arith.subi %div3A_1321, %sub3A_1341 : i32
      %select_n3A_1343 = arith.select %and3A_1340, %sub3A_1342, %div3A_1321 : i32
      %mul3A_1344 = arith.constant 128 : i32
      %mul3A_1345 = arith.muli %select_n3A_1343, %mul3A_1344 : i32
      %multiple_of3A_1346 = tpu.assume_multiple %mul3A_1345, 128 : i32
      %dma_start3A_1347 = arith.constant 26 : i32
      %dma_start3A_1348 = arith.constant 0 : i32
      %dma_start3A_1349 = arith.constant 0 : i32
      %dma_start3A_1350 = tpu.memref_slice %arg9[%dma_start3A_1347, %dma_start3A_1348, %dma_start3A_1349] : memref<30x32x128xf32, #tpu.memory_space<vmem>> -> memref<1x32x128xf32, #tpu.memory_space<vmem>>
      %dma_start3A_1351 = tpu.memref_squeeze %dma_start3A_1350 : memref<1x32x128xf32, #tpu.memory_space<vmem>> -> memref<32x128xf32, #tpu.memory_space<vmem>>
      %dma_start3A_1352 = arith.constant 0 : i32
      %dma_start3A_1353 = tpu.memref_slice %arg5[%dma_start3A_1352, %multiple_of3A_1346] : memref<32x1000000xf32, #tpu.memory_space<hbm>> -> memref<32x128xf32, #tpu.memory_space<hbm>>
      %dma_start3A_1354 = arith.constant 0 : i32
      %dma_start3A_1355 = arith.constant 0 : i32
      %dma_start3A_1356 = tpu.memref_slice %arg9[%dma_start3A_1347, %dma_start3A_1354, %dma_start3A_1355] : memref<30x32x128xf32, #tpu.memory_space<vmem>> -> memref<1x32x128xf32, #tpu.memory_space<vmem>>
      %dma_start3A_1357 = tpu.memref_squeeze %dma_start3A_1356 : memref<1x32x128xf32, #tpu.memory_space<vmem>> -> memref<32x128xf32, #tpu.memory_space<vmem>>
      %dma_start3A_1358 = arith.constant 0 : i32
      %dma_start3A_1359 = tpu.memref_slice %arg5[%dma_start3A_1358, %multiple_of3A_1346] : memref<32x1000000xf32, #tpu.memory_space<hbm>> -> memref<32x128xf32, #tpu.memory_space<hbm>>
      tpu.enqueue_dma source(%dma_start3A_1359 : memref<32x128xf32, #tpu.memory_space<hbm>>) target(%dma_start3A_1357 : memref<32x128xf32, #tpu.memory_space<vmem>>) target_semaphore(%arg13 : memref<!tpu.dma_semaphore, #tpu.memory_space<semaphore_mem>>)
      %slice3A_1360 = vector.extract_strided_slice %get3A_22 {offsets = [11], sizes = [1], strides = [1]} : vector<16xi32> to vector<1xi32>
      %squeeze3A_1361 = vector.extract %slice3A_1360[0] : i32 from vector<1xi32>
      %jit3A_1362 = arith.constant 128 : i32
      %div3A_1363 = arith.divsi %squeeze3A_1361, %jit3A_1362 : i32
      %sign3A_1364 = arith.constant 0 : i32
      %sign3A_1365 = arith.cmpi sgt, %squeeze3A_1361, %sign3A_1364 : i32
      %sign3A_1366 = arith.extui %sign3A_1365 : i1 to i32
      %sign3A_1367 = arith.constant 0 : i32
      %sign3A_1368 = arith.cmpi slt, %squeeze3A_1361, %sign3A_1367 : i32
      %sign3A_1369 = arith.extui %sign3A_1368 : i1 to i32
      %sign3A_1370 = arith.subi %sign3A_1366, %sign3A_1369 : i32
      %sign3A_1371 = arith.constant 0 : i32
      %sign3A_1372 = arith.cmpi sgt, %jit3A_1362, %sign3A_1371 : i32
      %sign3A_1373 = arith.extui %sign3A_1372 : i1 to i32
      %sign3A_1374 = arith.constant 0 : i32
      %sign3A_1375 = arith.cmpi slt, %jit3A_1362, %sign3A_1374 : i32
      %sign3A_1376 = arith.extui %sign3A_1375 : i1 to i32
      %sign3A_1377 = arith.subi %sign3A_1373, %sign3A_1376 : i32
      %ne3A_1378 = arith.cmpi ne, %sign3A_1370, %sign3A_1377 : i32
      %rem3A_1379 = arith.remsi %squeeze3A_1361, %jit3A_1362 : i32
      %ne3A_1380 = arith.constant 0 : i32
      %ne3A_1381 = arith.cmpi ne, %rem3A_1379, %ne3A_1380 : i32
      %and3A_1382 = arith.andi %ne3A_1378, %ne3A_1381 : i1
      %sub3A_1383 = arith.constant 1 : i32
      %sub3A_1384 = arith.subi %div3A_1363, %sub3A_1383 : i32
      %select_n3A_1385 = arith.select %and3A_1382, %sub3A_1384, %div3A_1363 : i32
      %mul3A_1386 = arith.constant 128 : i32
      %mul3A_1387 = arith.muli %select_n3A_1385, %mul3A_1386 : i32
      %multiple_of3A_1388 = tpu.assume_multiple %mul3A_1387, 128 : i32
      %dma_start3A_1389 = arith.constant 27 : i32
      %dma_start3A_1390 = arith.constant 0 : i32
      %dma_start3A_1391 = arith.constant 0 : i32
      %dma_start3A_1392 = tpu.memref_slice %arg9[%dma_start3A_1389, %dma_start3A_1390, %dma_start3A_1391] : memref<30x32x128xf32, #tpu.memory_space<vmem>> -> memref<1x32x128xf32, #tpu.memory_space<vmem>>
      %dma_start3A_1393 = tpu.memref_squeeze %dma_start3A_1392 : memref<1x32x128xf32, #tpu.memory_space<vmem>> -> memref<32x128xf32, #tpu.memory_space<vmem>>
      %dma_start3A_1394 = arith.constant 0 : i32
      %dma_start3A_1395 = tpu.memref_slice %arg5[%dma_start3A_1394, %multiple_of3A_1388] : memref<32x1000000xf32, #tpu.memory_space<hbm>> -> memref<32x128xf32, #tpu.memory_space<hbm>>
      %dma_start3A_1396 = arith.constant 0 : i32
      %dma_start3A_1397 = arith.constant 0 : i32
      %dma_start3A_1398 = tpu.memref_slice %arg9[%dma_start3A_1389, %dma_start3A_1396, %dma_start3A_1397] : memref<30x32x128xf32, #tpu.memory_space<vmem>> -> memref<1x32x128xf32, #tpu.memory_space<vmem>>
      %dma_start3A_1399 = tpu.memref_squeeze %dma_start3A_1398 : memref<1x32x128xf32, #tpu.memory_space<vmem>> -> memref<32x128xf32, #tpu.memory_space<vmem>>
      %dma_start3A_1400 = arith.constant 0 : i32
      %dma_start3A_1401 = tpu.memref_slice %arg5[%dma_start3A_1400, %multiple_of3A_1388] : memref<32x1000000xf32, #tpu.memory_space<hbm>> -> memref<32x128xf32, #tpu.memory_space<hbm>>
      tpu.enqueue_dma source(%dma_start3A_1401 : memref<32x128xf32, #tpu.memory_space<hbm>>) target(%dma_start3A_1399 : memref<32x128xf32, #tpu.memory_space<vmem>>) target_semaphore(%arg13 : memref<!tpu.dma_semaphore, #tpu.memory_space<semaphore_mem>>)
      %slice3A_1402 = vector.extract_strided_slice %get3A_22 {offsets = [12], sizes = [1], strides = [1]} : vector<16xi32> to vector<1xi32>
      %squeeze3A_1403 = vector.extract %slice3A_1402[0] : i32 from vector<1xi32>
      %jit3A_1404 = arith.constant 128 : i32
      %div3A_1405 = arith.divsi %squeeze3A_1403, %jit3A_1404 : i32
      %sign3A_1406 = arith.constant 0 : i32
      %sign3A_1407 = arith.cmpi sgt, %squeeze3A_1403, %sign3A_1406 : i32
      %sign3A_1408 = arith.extui %sign3A_1407 : i1 to i32
      %sign3A_1409 = arith.constant 0 : i32
      %sign3A_1410 = arith.cmpi slt, %squeeze3A_1403, %sign3A_1409 : i32
      %sign3A_1411 = arith.extui %sign3A_1410 : i1 to i32
      %sign3A_1412 = arith.subi %sign3A_1408, %sign3A_1411 : i32
      %sign3A_1413 = arith.constant 0 : i32
      %sign3A_1414 = arith.cmpi sgt, %jit3A_1404, %sign3A_1413 : i32
      %sign3A_1415 = arith.extui %sign3A_1414 : i1 to i32
      %sign3A_1416 = arith.constant 0 : i32
      %sign3A_1417 = arith.cmpi slt, %jit3A_1404, %sign3A_1416 : i32
      %sign3A_1418 = arith.extui %sign3A_1417 : i1 to i32
      %sign3A_1419 = arith.subi %sign3A_1415, %sign3A_1418 : i32
      %ne3A_1420 = arith.cmpi ne, %sign3A_1412, %sign3A_1419 : i32
      %rem3A_1421 = arith.remsi %squeeze3A_1403, %jit3A_1404 : i32
      %ne3A_1422 = arith.constant 0 : i32
      %ne3A_1423 = arith.cmpi ne, %rem3A_1421, %ne3A_1422 : i32
      %and3A_1424 = arith.andi %ne3A_1420, %ne3A_1423 : i1
      %sub3A_1425 = arith.constant 1 : i32
      %sub3A_1426 = arith.subi %div3A_1405, %sub3A_1425 : i32
      %select_n3A_1427 = arith.select %and3A_1424, %sub3A_1426, %div3A_1405 : i32
      %mul3A_1428 = arith.constant 128 : i32
      %mul3A_1429 = arith.muli %select_n3A_1427, %mul3A_1428 : i32
      %multiple_of3A_1430 = tpu.assume_multiple %mul3A_1429, 128 : i32
      %dma_start3A_1431 = arith.constant 28 : i32
      %dma_start3A_1432 = arith.constant 0 : i32
      %dma_start3A_1433 = arith.constant 0 : i32
      %dma_start3A_1434 = tpu.memref_slice %arg9[%dma_start3A_1431, %dma_start3A_1432, %dma_start3A_1433] : memref<30x32x128xf32, #tpu.memory_space<vmem>> -> memref<1x32x128xf32, #tpu.memory_space<vmem>>
      %dma_start3A_1435 = tpu.memref_squeeze %dma_start3A_1434 : memref<1x32x128xf32, #tpu.memory_space<vmem>> -> memref<32x128xf32, #tpu.memory_space<vmem>>
      %dma_start3A_1436 = arith.constant 0 : i32
      %dma_start3A_1437 = tpu.memref_slice %arg5[%dma_start3A_1436, %multiple_of3A_1430] : memref<32x1000000xf32, #tpu.memory_space<hbm>> -> memref<32x128xf32, #tpu.memory_space<hbm>>
      %dma_start3A_1438 = arith.constant 0 : i32
      %dma_start3A_1439 = arith.constant 0 : i32
      %dma_start3A_1440 = tpu.memref_slice %arg9[%dma_start3A_1431, %dma_start3A_1438, %dma_start3A_1439] : memref<30x32x128xf32, #tpu.memory_space<vmem>> -> memref<1x32x128xf32, #tpu.memory_space<vmem>>
      %dma_start3A_1441 = tpu.memref_squeeze %dma_start3A_1440 : memref<1x32x128xf32, #tpu.memory_space<vmem>> -> memref<32x128xf32, #tpu.memory_space<vmem>>
      %dma_start3A_1442 = arith.constant 0 : i32
      %dma_start3A_1443 = tpu.memref_slice %arg5[%dma_start3A_1442, %multiple_of3A_1430] : memref<32x1000000xf32, #tpu.memory_space<hbm>> -> memref<32x128xf32, #tpu.memory_space<hbm>>
      tpu.enqueue_dma source(%dma_start3A_1443 : memref<32x128xf32, #tpu.memory_space<hbm>>) target(%dma_start3A_1441 : memref<32x128xf32, #tpu.memory_space<vmem>>) target_semaphore(%arg13 : memref<!tpu.dma_semaphore, #tpu.memory_space<semaphore_mem>>)
      %slice3A_1444 = vector.extract_strided_slice %get3A_22 {offsets = [13], sizes = [1], strides = [1]} : vector<16xi32> to vector<1xi32>
      %squeeze3A_1445 = vector.extract %slice3A_1444[0] : i32 from vector<1xi32>
      %jit3A_1446 = arith.constant 128 : i32
      %div3A_1447 = arith.divsi %squeeze3A_1445, %jit3A_1446 : i32
      %sign3A_1448 = arith.constant 0 : i32
      %sign3A_1449 = arith.cmpi sgt, %squeeze3A_1445, %sign3A_1448 : i32
      %sign3A_1450 = arith.extui %sign3A_1449 : i1 to i32
      %sign3A_1451 = arith.constant 0 : i32
      %sign3A_1452 = arith.cmpi slt, %squeeze3A_1445, %sign3A_1451 : i32
      %sign3A_1453 = arith.extui %sign3A_1452 : i1 to i32
      %sign3A_1454 = arith.subi %sign3A_1450, %sign3A_1453 : i32
      %sign3A_1455 = arith.constant 0 : i32
      %sign3A_1456 = arith.cmpi sgt, %jit3A_1446, %sign3A_1455 : i32
      %sign3A_1457 = arith.extui %sign3A_1456 : i1 to i32
      %sign3A_1458 = arith.constant 0 : i32
      %sign3A_1459 = arith.cmpi slt, %jit3A_1446, %sign3A_1458 : i32
      %sign3A_1460 = arith.extui %sign3A_1459 : i1 to i32
      %sign3A_1461 = arith.subi %sign3A_1457, %sign3A_1460 : i32
      %ne3A_1462 = arith.cmpi ne, %sign3A_1454, %sign3A_1461 : i32
      %rem3A_1463 = arith.remsi %squeeze3A_1445, %jit3A_1446 : i32
      %ne3A_1464 = arith.constant 0 : i32
      %ne3A_1465 = arith.cmpi ne, %rem3A_1463, %ne3A_1464 : i32
      %and3A_1466 = arith.andi %ne3A_1462, %ne3A_1465 : i1
      %sub3A_1467 = arith.constant 1 : i32
      %sub3A_1468 = arith.subi %div3A_1447, %sub3A_1467 : i32
      %select_n3A_1469 = arith.select %and3A_1466, %sub3A_1468, %div3A_1447 : i32
      %mul3A_1470 = arith.constant 128 : i32
      %mul3A_1471 = arith.muli %select_n3A_1469, %mul3A_1470 : i32
      %multiple_of3A_1472 = tpu.assume_multiple %mul3A_1471, 128 : i32
      %dma_start3A_1473 = arith.constant 29 : i32
      %dma_start3A_1474 = arith.constant 0 : i32
      %dma_start3A_1475 = arith.constant 0 : i32
      %dma_start3A_1476 = tpu.memref_slice %arg9[%dma_start3A_1473, %dma_start3A_1474, %dma_start3A_1475] : memref<30x32x128xf32, #tpu.memory_space<vmem>> -> memref<1x32x128xf32, #tpu.memory_space<vmem>>
      %dma_start3A_1477 = tpu.memref_squeeze %dma_start3A_1476 : memref<1x32x128xf32, #tpu.memory_space<vmem>> -> memref<32x128xf32, #tpu.memory_space<vmem>>
      %dma_start3A_1478 = arith.constant 0 : i32
      %dma_start3A_1479 = tpu.memref_slice %arg5[%dma_start3A_1478, %multiple_of3A_1472] : memref<32x1000000xf32, #tpu.memory_space<hbm>> -> memref<32x128xf32, #tpu.memory_space<hbm>>
      %dma_start3A_1480 = arith.constant 0 : i32
      %dma_start3A_1481 = arith.constant 0 : i32
      %dma_start3A_1482 = tpu.memref_slice %arg9[%dma_start3A_1473, %dma_start3A_1480, %dma_start3A_1481] : memref<30x32x128xf32, #tpu.memory_space<vmem>> -> memref<1x32x128xf32, #tpu.memory_space<vmem>>
      %dma_start3A_1483 = tpu.memref_squeeze %dma_start3A_1482 : memref<1x32x128xf32, #tpu.memory_space<vmem>> -> memref<32x128xf32, #tpu.memory_space<vmem>>
      %dma_start3A_1484 = arith.constant 0 : i32
      %dma_start3A_1485 = tpu.memref_slice %arg5[%dma_start3A_1484, %multiple_of3A_1472] : memref<32x1000000xf32, #tpu.memory_space<hbm>> -> memref<32x128xf32, #tpu.memory_space<hbm>>
      tpu.enqueue_dma source(%dma_start3A_1485 : memref<32x128xf32, #tpu.memory_space<hbm>>) target(%dma_start3A_1483 : memref<32x128xf32, #tpu.memory_space<vmem>>) target_semaphore(%arg13 : memref<!tpu.dma_semaphore, #tpu.memory_space<semaphore_mem>>)
      %broadcast_in_dim3A = arith.constant 0 : i32
      %broadcast_in_dim3A_1486 = vector.broadcast %broadcast_in_dim3A : i32 to vector<16xi32>
      %gather3A = tpu.vector_load_idx %arg9[%iota3A, %broadcast_in_dim3A_1486, %and3A_24] : memref<30x32x128xf32, #tpu.memory_space<vmem>>[vector<16xi32>, vector<16xi32>, vector<16xi32>], vector<16xf32>,
      %swap3A = arith.constant 0 : i32
      %swap3A_1487 = arith.index_cast %swap3A : i32 to index
      %swap3A_1488 = arith.constant 0 : index
      %swap3A_1489 = tpu.vector_load %arg10[%swap3A_1487, %swap3A_1488] {strides = array<i32>} : memref<32x16xf32, #tpu.memory_space<vmem>>, vector<16xf32>,
      tpu.vector_store %arg10[%swap3A_1487, %swap3A_1488], %gather3A {strides = array<i32>} : memref<32x16xf32, #tpu.memory_space<vmem>>, vector<16xf32>,
      %broadcast_in_dim3A_1490 = arith.constant 1 : i32
      %broadcast_in_dim3A_1491 = vector.broadcast %broadcast_in_dim3A_1490 : i32 to vector<16xi32>
      %gather3A_1492 = tpu.vector_load_idx %arg9[%iota3A, %broadcast_in_dim3A_1491, %and3A_24] : memref<30x32x128xf32, #tpu.memory_space<vmem>>[vector<16xi32>, vector<16xi32>, vector<16xi32>], vector<16xf32>,
      %swap3A_1493 = arith.constant 1 : i32
      %swap3A_1494 = arith.index_cast %swap3A_1493 : i32 to index
      %swap3A_1495 = arith.constant 0 : index
      %swap3A_1496 = tpu.vector_load %arg10[%swap3A_1494, %swap3A_1495] {strides = array<i32>} : memref<32x16xf32, #tpu.memory_space<vmem>>, vector<16xf32>,
      tpu.vector_store %arg10[%swap3A_1494, %swap3A_1495], %gather3A_1492 {strides = array<i32>} : memref<32x16xf32, #tpu.memory_space<vmem>>, vector<16xf32>,
      %broadcast_in_dim3A_1497 = arith.constant 2 : i32
      %broadcast_in_dim3A_1498 = vector.broadcast %broadcast_in_dim3A_1497 : i32 to vector<16xi32>
      %gather3A_1499 = tpu.vector_load_idx %arg9[%iota3A, %broadcast_in_dim3A_1498, %and3A_24] : memref<30x32x128xf32, #tpu.memory_space<vmem>>[vector<16xi32>, vector<16xi32>, vector<16xi32>], vector<16xf32>,
      %swap3A_1500 = arith.constant 2 : i32
      %swap3A_1501 = arith.index_cast %swap3A_1500 : i32 to index
      %swap3A_1502 = arith.constant 0 : index
      %swap3A_1503 = tpu.vector_load %arg10[%swap3A_1501, %swap3A_1502] {strides = array<i32>} : memref<32x16xf32, #tpu.memory_space<vmem>>, vector<16xf32>,
      tpu.vector_store %arg10[%swap3A_1501, %swap3A_1502], %gather3A_1499 {strides = array<i32>} : memref<32x16xf32, #tpu.memory_space<vmem>>, vector<16xf32>,
      %broadcast_in_dim3A_1504 = arith.constant 3 : i32
      %broadcast_in_dim3A_1505 = vector.broadcast %broadcast_in_dim3A_1504 : i32 to vector<16xi32>
      %gather3A_1506 = tpu.vector_load_idx %arg9[%iota3A, %broadcast_in_dim3A_1505, %and3A_24] : memref<30x32x128xf32, #tpu.memory_space<vmem>>[vector<16xi32>, vector<16xi32>, vector<16xi32>], vector<16xf32>,
      %swap3A_1507 = arith.constant 3 : i32
      %swap3A_1508 = arith.index_cast %swap3A_1507 : i32 to index
      %swap3A_1509 = arith.constant 0 : index
      %swap3A_1510 = tpu.vector_load %arg10[%swap3A_1508, %swap3A_1509] {strides = array<i32>} : memref<32x16xf32, #tpu.memory_space<vmem>>, vector<16xf32>,
      tpu.vector_store %arg10[%swap3A_1508, %swap3A_1509], %gather3A_1506 {strides = array<i32>} : memref<32x16xf32, #tpu.memory_space<vmem>>, vector<16xf32>,
      %broadcast_in_dim3A_1511 = arith.constant 4 : i32
      %broadcast_in_dim3A_1512 = vector.broadcast %broadcast_in_dim3A_1511 : i32 to vector<16xi32>
      %gather3A_1513 = tpu.vector_load_idx %arg9[%iota3A, %broadcast_in_dim3A_1512, %and3A_24] : memref<30x32x128xf32, #tpu.memory_space<vmem>>[vector<16xi32>, vector<16xi32>, vector<16xi32>], vector<16xf32>,
      %swap3A_1514 = arith.constant 4 : i32
      %swap3A_1515 = arith.index_cast %swap3A_1514 : i32 to index
      %swap3A_1516 = arith.constant 0 : index
      %swap3A_1517 = tpu.vector_load %arg10[%swap3A_1515, %swap3A_1516] {strides = array<i32>} : memref<32x16xf32, #tpu.memory_space<vmem>>, vector<16xf32>,
      tpu.vector_store %arg10[%swap3A_1515, %swap3A_1516], %gather3A_1513 {strides = array<i32>} : memref<32x16xf32, #tpu.memory_space<vmem>>, vector<16xf32>,
      %broadcast_in_dim3A_1518 = arith.constant 5 : i32
      %broadcast_in_dim3A_1519 = vector.broadcast %broadcast_in_dim3A_1518 : i32 to vector<16xi32>
      %gather3A_1520 = tpu.vector_load_idx %arg9[%iota3A, %broadcast_in_dim3A_1519, %and3A_24] : memref<30x32x128xf32, #tpu.memory_space<vmem>>[vector<16xi32>, vector<16xi32>, vector<16xi32>], vector<16xf32>,
      %swap3A_1521 = arith.constant 5 : i32
      %swap3A_1522 = arith.index_cast %swap3A_1521 : i32 to index
      %swap3A_1523 = arith.constant 0 : index
      %swap3A_1524 = tpu.vector_load %arg10[%swap3A_1522, %swap3A_1523] {strides = array<i32>} : memref<32x16xf32, #tpu.memory_space<vmem>>, vector<16xf32>,
      tpu.vector_store %arg10[%swap3A_1522, %swap3A_1523], %gather3A_1520 {strides = array<i32>} : memref<32x16xf32, #tpu.memory_space<vmem>>, vector<16xf32>,
      %broadcast_in_dim3A_1525 = arith.constant 6 : i32
      %broadcast_in_dim3A_1526 = vector.broadcast %broadcast_in_dim3A_1525 : i32 to vector<16xi32>
      %gather3A_1527 = tpu.vector_load_idx %arg9[%iota3A, %broadcast_in_dim3A_1526, %and3A_24] : memref<30x32x128xf32, #tpu.memory_space<vmem>>[vector<16xi32>, vector<16xi32>, vector<16xi32>], vector<16xf32>,
      %swap3A_1528 = arith.constant 6 : i32
      %swap3A_1529 = arith.index_cast %swap3A_1528 : i32 to index
      %swap3A_1530 = arith.constant 0 : index
      %swap3A_1531 = tpu.vector_load %arg10[%swap3A_1529, %swap3A_1530] {strides = array<i32>} : memref<32x16xf32, #tpu.memory_space<vmem>>, vector<16xf32>,
      tpu.vector_store %arg10[%swap3A_1529, %swap3A_1530], %gather3A_1527 {strides = array<i32>} : memref<32x16xf32, #tpu.memory_space<vmem>>, vector<16xf32>,
      %broadcast_in_dim3A_1532 = arith.constant 7 : i32
      %broadcast_in_dim3A_1533 = vector.broadcast %broadcast_in_dim3A_1532 : i32 to vector<16xi32>
      %gather3A_1534 = tpu.vector_load_idx %arg9[%iota3A, %broadcast_in_dim3A_1533, %and3A_24] : memref<30x32x128xf32, #tpu.memory_space<vmem>>[vector<16xi32>, vector<16xi32>, vector<16xi32>], vector<16xf32>,
      %swap3A_1535 = arith.constant 7 : i32
      %swap3A_1536 = arith.index_cast %swap3A_1535 : i32 to index
      %swap3A_1537 = arith.constant 0 : index
      %swap3A_1538 = tpu.vector_load %arg10[%swap3A_1536, %swap3A_1537] {strides = array<i32>} : memref<32x16xf32, #tpu.memory_space<vmem>>, vector<16xf32>,
      tpu.vector_store %arg10[%swap3A_1536, %swap3A_1537], %gather3A_1534 {strides = array<i32>} : memref<32x16xf32, #tpu.memory_space<vmem>>, vector<16xf32>,
      %broadcast_in_dim3A_1539 = arith.constant 8 : i32
      %broadcast_in_dim3A_1540 = vector.broadcast %broadcast_in_dim3A_1539 : i32 to vector<16xi32>
      %gather3A_1541 = tpu.vector_load_idx %arg9[%iota3A, %broadcast_in_dim3A_1540, %and3A_24] : memref<30x32x128xf32, #tpu.memory_space<vmem>>[vector<16xi32>, vector<16xi32>, vector<16xi32>], vector<16xf32>,
      %swap3A_1542 = arith.constant 8 : i32
      %swap3A_1543 = arith.index_cast %swap3A_1542 : i32 to index
      %swap3A_1544 = arith.constant 0 : index
      %swap3A_1545 = tpu.vector_load %arg10[%swap3A_1543, %swap3A_1544] {strides = array<i32>} : memref<32x16xf32, #tpu.memory_space<vmem>>, vector<16xf32>,
      tpu.vector_store %arg10[%swap3A_1543, %swap3A_1544], %gather3A_1541 {strides = array<i32>} : memref<32x16xf32, #tpu.memory_space<vmem>>, vector<16xf32>,
      %broadcast_in_dim3A_1546 = arith.constant 9 : i32
      %broadcast_in_dim3A_1547 = vector.broadcast %broadcast_in_dim3A_1546 : i32 to vector<16xi32>
      %gather3A_1548 = tpu.vector_load_idx %arg9[%iota3A, %broadcast_in_dim3A_1547, %and3A_24] : memref<30x32x128xf32, #tpu.memory_space<vmem>>[vector<16xi32>, vector<16xi32>, vector<16xi32>], vector<16xf32>,
      %swap3A_1549 = arith.constant 9 : i32
      %swap3A_1550 = arith.index_cast %swap3A_1549 : i32 to index
      %swap3A_1551 = arith.constant 0 : index
      %swap3A_1552 = tpu.vector_load %arg10[%swap3A_1550, %swap3A_1551] {strides = array<i32>} : memref<32x16xf32, #tpu.memory_space<vmem>>, vector<16xf32>,
      tpu.vector_store %arg10[%swap3A_1550, %swap3A_1551], %gather3A_1548 {strides = array<i32>} : memref<32x16xf32, #tpu.memory_space<vmem>>, vector<16xf32>,
      %broadcast_in_dim3A_1553 = arith.constant 10 : i32
      %broadcast_in_dim3A_1554 = vector.broadcast %broadcast_in_dim3A_1553 : i32 to vector<16xi32>
      %gather3A_1555 = tpu.vector_load_idx %arg9[%iota3A, %broadcast_in_dim3A_1554, %and3A_24] : memref<30x32x128xf32, #tpu.memory_space<vmem>>[vector<16xi32>, vector<16xi32>, vector<16xi32>], vector<16xf32>,
      %swap3A_1556 = arith.constant 10 : i32
      %swap3A_1557 = arith.index_cast %swap3A_1556 : i32 to index
      %swap3A_1558 = arith.constant 0 : index
      %swap3A_1559 = tpu.vector_load %arg10[%swap3A_1557, %swap3A_1558] {strides = array<i32>} : memref<32x16xf32, #tpu.memory_space<vmem>>, vector<16xf32>,
      tpu.vector_store %arg10[%swap3A_1557, %swap3A_1558], %gather3A_1555 {strides = array<i32>} : memref<32x16xf32, #tpu.memory_space<vmem>>, vector<16xf32>,
      %broadcast_in_dim3A_1560 = arith.constant 11 : i32
      %broadcast_in_dim3A_1561 = vector.broadcast %broadcast_in_dim3A_1560 : i32 to vector<16xi32>
      %gather3A_1562 = tpu.vector_load_idx %arg9[%iota3A, %broadcast_in_dim3A_1561, %and3A_24] : memref<30x32x128xf32, #tpu.memory_space<vmem>>[vector<16xi32>, vector<16xi32>, vector<16xi32>], vector<16xf32>,
      %swap3A_1563 = arith.constant 11 : i32
      %swap3A_1564 = arith.index_cast %swap3A_1563 : i32 to index
      %swap3A_1565 = arith.constant 0 : index
      %swap3A_1566 = tpu.vector_load %arg10[%swap3A_1564, %swap3A_1565] {strides = array<i32>} : memref<32x16xf32, #tpu.memory_space<vmem>>, vector<16xf32>,
      tpu.vector_store %arg10[%swap3A_1564, %swap3A_1565], %gather3A_1562 {strides = array<i32>} : memref<32x16xf32, #tpu.memory_space<vmem>>, vector<16xf32>,
      %broadcast_in_dim3A_1567 = arith.constant 12 : i32
      %broadcast_in_dim3A_1568 = vector.broadcast %broadcast_in_dim3A_1567 : i32 to vector<16xi32>
      %gather3A_1569 = tpu.vector_load_idx %arg9[%iota3A, %broadcast_in_dim3A_1568, %and3A_24] : memref<30x32x128xf32, #tpu.memory_space<vmem>>[vector<16xi32>, vector<16xi32>, vector<16xi32>], vector<16xf32>,
      %swap3A_1570 = arith.constant 12 : i32
      %swap3A_1571 = arith.index_cast %swap3A_1570 : i32 to index
      %swap3A_1572 = arith.constant 0 : index
      %swap3A_1573 = tpu.vector_load %arg10[%swap3A_1571, %swap3A_1572] {strides = array<i32>} : memref<32x16xf32, #tpu.memory_space<vmem>>, vector<16xf32>,
      tpu.vector_store %arg10[%swap3A_1571, %swap3A_1572], %gather3A_1569 {strides = array<i32>} : memref<32x16xf32, #tpu.memory_space<vmem>>, vector<16xf32>,
      %broadcast_in_dim3A_1574 = arith.constant 13 : i32
      %broadcast_in_dim3A_1575 = vector.broadcast %broadcast_in_dim3A_1574 : i32 to vector<16xi32>
      %gather3A_1576 = tpu.vector_load_idx %arg9[%iota3A, %broadcast_in_dim3A_1575, %and3A_24] : memref<30x32x128xf32, #tpu.memory_space<vmem>>[vector<16xi32>, vector<16xi32>, vector<16xi32>], vector<16xf32>,
      %swap3A_1577 = arith.constant 13 : i32
      %swap3A_1578 = arith.index_cast %swap3A_1577 : i32 to index
      %swap3A_1579 = arith.constant 0 : index
      %swap3A_1580 = tpu.vector_load %arg10[%swap3A_1578, %swap3A_1579] {strides = array<i32>} : memref<32x16xf32, #tpu.memory_space<vmem>>, vector<16xf32>,
      tpu.vector_store %arg10[%swap3A_1578, %swap3A_1579], %gather3A_1576 {strides = array<i32>} : memref<32x16xf32, #tpu.memory_space<vmem>>, vector<16xf32>,
      %broadcast_in_dim3A_1581 = arith.constant 14 : i32
      %broadcast_in_dim3A_1582 = vector.broadcast %broadcast_in_dim3A_1581 : i32 to vector<16xi32>
      %gather3A_1583 = tpu.vector_load_idx %arg9[%iota3A, %broadcast_in_dim3A_1582, %and3A_24] : memref<30x32x128xf32, #tpu.memory_space<vmem>>[vector<16xi32>, vector<16xi32>, vector<16xi32>], vector<16xf32>,
      %swap3A_1584 = arith.constant 14 : i32
      %swap3A_1585 = arith.index_cast %swap3A_1584 : i32 to index
      %swap3A_1586 = arith.constant 0 : index
      %swap3A_1587 = tpu.vector_load %arg10[%swap3A_1585, %swap3A_1586] {strides = array<i32>} : memref<32x16xf32, #tpu.memory_space<vmem>>, vector<16xf32>,
      tpu.vector_store %arg10[%swap3A_1585, %swap3A_1586], %gather3A_1583 {strides = array<i32>} : memref<32x16xf32, #tpu.memory_space<vmem>>, vector<16xf32>,
      %broadcast_in_dim3A_1588 = arith.constant 15 : i32
      %broadcast_in_dim3A_1589 = vector.broadcast %broadcast_in_dim3A_1588 : i32 to vector<16xi32>
      %gather3A_1590 = tpu.vector_load_idx %arg9[%iota3A, %broadcast_in_dim3A_1589, %and3A_24] : memref<30x32x128xf32, #tpu.memory_space<vmem>>[vector<16xi32>, vector<16xi32>, vector<16xi32>], vector<16xf32>,
      %swap3A_1591 = arith.constant 15 : i32
      %swap3A_1592 = arith.index_cast %swap3A_1591 : i32 to index
      %swap3A_1593 = arith.constant 0 : index
      %swap3A_1594 = tpu.vector_load %arg10[%swap3A_1592, %swap3A_1593] {strides = array<i32>} : memref<32x16xf32, #tpu.memory_space<vmem>>, vector<16xf32>,
      tpu.vector_store %arg10[%swap3A_1592, %swap3A_1593], %gather3A_1590 {strides = array<i32>} : memref<32x16xf32, #tpu.memory_space<vmem>>, vector<16xf32>,
      %broadcast_in_dim3A_1595 = arith.constant 16 : i32
      %broadcast_in_dim3A_1596 = vector.broadcast %broadcast_in_dim3A_1595 : i32 to vector<16xi32>
      %gather3A_1597 = tpu.vector_load_idx %arg9[%iota3A, %broadcast_in_dim3A_1596, %and3A_24] : memref<30x32x128xf32, #tpu.memory_space<vmem>>[vector<16xi32>, vector<16xi32>, vector<16xi32>], vector<16xf32>,
      %swap3A_1598 = arith.constant 16 : i32
      %swap3A_1599 = arith.index_cast %swap3A_1598 : i32 to index
      %swap3A_1600 = arith.constant 0 : index
      %swap3A_1601 = tpu.vector_load %arg10[%swap3A_1599, %swap3A_1600] {strides = array<i32>} : memref<32x16xf32, #tpu.memory_space<vmem>>, vector<16xf32>,
      tpu.vector_store %arg10[%swap3A_1599, %swap3A_1600], %gather3A_1597 {strides = array<i32>} : memref<32x16xf32, #tpu.memory_space<vmem>>, vector<16xf32>,
      %broadcast_in_dim3A_1602 = arith.constant 17 : i32
      %broadcast_in_dim3A_1603 = vector.broadcast %broadcast_in_dim3A_1602 : i32 to vector<16xi32>
      %gather3A_1604 = tpu.vector_load_idx %arg9[%iota3A, %broadcast_in_dim3A_1603, %and3A_24] : memref<30x32x128xf32, #tpu.memory_space<vmem>>[vector<16xi32>, vector<16xi32>, vector<16xi32>], vector<16xf32>,
      %swap3A_1605 = arith.constant 17 : i32
      %swap3A_1606 = arith.index_cast %swap3A_1605 : i32 to index
      %swap3A_1607 = arith.constant 0 : index
      %swap3A_1608 = tpu.vector_load %arg10[%swap3A_1606, %swap3A_1607] {strides = array<i32>} : memref<32x16xf32, #tpu.memory_space<vmem>>, vector<16xf32>,
      tpu.vector_store %arg10[%swap3A_1606, %swap3A_1607], %gather3A_1604 {strides = array<i32>} : memref<32x16xf32, #tpu.memory_space<vmem>>, vector<16xf32>,
      %broadcast_in_dim3A_1609 = arith.constant 18 : i32
      %broadcast_in_dim3A_1610 = vector.broadcast %broadcast_in_dim3A_1609 : i32 to vector<16xi32>
      %gather3A_1611 = tpu.vector_load_idx %arg9[%iota3A, %broadcast_in_dim3A_1610, %and3A_24] : memref<30x32x128xf32, #tpu.memory_space<vmem>>[vector<16xi32>, vector<16xi32>, vector<16xi32>], vector<16xf32>,
      %swap3A_1612 = arith.constant 18 : i32
      %swap3A_1613 = arith.index_cast %swap3A_1612 : i32 to index
      %swap3A_1614 = arith.constant 0 : index
      %swap3A_1615 = tpu.vector_load %arg10[%swap3A_1613, %swap3A_1614] {strides = array<i32>} : memref<32x16xf32, #tpu.memory_space<vmem>>, vector<16xf32>,
      tpu.vector_store %arg10[%swap3A_1613, %swap3A_1614], %gather3A_1611 {strides = array<i32>} : memref<32x16xf32, #tpu.memory_space<vmem>>, vector<16xf32>,
      %broadcast_in_dim3A_1616 = arith.constant 19 : i32
      %broadcast_in_dim3A_1617 = vector.broadcast %broadcast_in_dim3A_1616 : i32 to vector<16xi32>
      %gather3A_1618 = tpu.vector_load_idx %arg9[%iota3A, %broadcast_in_dim3A_1617, %and3A_24] : memref<30x32x128xf32, #tpu.memory_space<vmem>>[vector<16xi32>, vector<16xi32>, vector<16xi32>], vector<16xf32>,
      %swap3A_1619 = arith.constant 19 : i32
      %swap3A_1620 = arith.index_cast %swap3A_1619 : i32 to index
      %swap3A_1621 = arith.constant 0 : index
      %swap3A_1622 = tpu.vector_load %arg10[%swap3A_1620, %swap3A_1621] {strides = array<i32>} : memref<32x16xf32, #tpu.memory_space<vmem>>, vector<16xf32>,
      tpu.vector_store %arg10[%swap3A_1620, %swap3A_1621], %gather3A_1618 {strides = array<i32>} : memref<32x16xf32, #tpu.memory_space<vmem>>, vector<16xf32>,
      %broadcast_in_dim3A_1623 = arith.constant 20 : i32
      %broadcast_in_dim3A_1624 = vector.broadcast %broadcast_in_dim3A_1623 : i32 to vector<16xi32>
      %gather3A_1625 = tpu.vector_load_idx %arg9[%iota3A, %broadcast_in_dim3A_1624, %and3A_24] : memref<30x32x128xf32, #tpu.memory_space<vmem>>[vector<16xi32>, vector<16xi32>, vector<16xi32>], vector<16xf32>,
      %swap3A_1626 = arith.constant 20 : i32
      %swap3A_1627 = arith.index_cast %swap3A_1626 : i32 to index
      %swap3A_1628 = arith.constant 0 : index
      %swap3A_1629 = tpu.vector_load %arg10[%swap3A_1627, %swap3A_1628] {strides = array<i32>} : memref<32x16xf32, #tpu.memory_space<vmem>>, vector<16xf32>,
      tpu.vector_store %arg10[%swap3A_1627, %swap3A_1628], %gather3A_1625 {strides = array<i32>} : memref<32x16xf32, #tpu.memory_space<vmem>>, vector<16xf32>,
      %broadcast_in_dim3A_1630 = arith.constant 21 : i32
      %broadcast_in_dim3A_1631 = vector.broadcast %broadcast_in_dim3A_1630 : i32 to vector<16xi32>
      %gather3A_1632 = tpu.vector_load_idx %arg9[%iota3A, %broadcast_in_dim3A_1631, %and3A_24] : memref<30x32x128xf32, #tpu.memory_space<vmem>>[vector<16xi32>, vector<16xi32>, vector<16xi32>], vector<16xf32>,
      %swap3A_1633 = arith.constant 21 : i32
      %swap3A_1634 = arith.index_cast %swap3A_1633 : i32 to index
      %swap3A_1635 = arith.constant 0 : index
      %swap3A_1636 = tpu.vector_load %arg10[%swap3A_1634, %swap3A_1635] {strides = array<i32>} : memref<32x16xf32, #tpu.memory_space<vmem>>, vector<16xf32>,
      tpu.vector_store %arg10[%swap3A_1634, %swap3A_1635], %gather3A_1632 {strides = array<i32>} : memref<32x16xf32, #tpu.memory_space<vmem>>, vector<16xf32>,
      %broadcast_in_dim3A_1637 = arith.constant 22 : i32
      %broadcast_in_dim3A_1638 = vector.broadcast %broadcast_in_dim3A_1637 : i32 to vector<16xi32>
      %gather3A_1639 = tpu.vector_load_idx %arg9[%iota3A, %broadcast_in_dim3A_1638, %and3A_24] : memref<30x32x128xf32, #tpu.memory_space<vmem>>[vector<16xi32>, vector<16xi32>, vector<16xi32>], vector<16xf32>,
      %swap3A_1640 = arith.constant 22 : i32
      %swap3A_1641 = arith.index_cast %swap3A_1640 : i32 to index
      %swap3A_1642 = arith.constant 0 : index
      %swap3A_1643 = tpu.vector_load %arg10[%swap3A_1641, %swap3A_1642] {strides = array<i32>} : memref<32x16xf32, #tpu.memory_space<vmem>>, vector<16xf32>,
      tpu.vector_store %arg10[%swap3A_1641, %swap3A_1642], %gather3A_1639 {strides = array<i32>} : memref<32x16xf32, #tpu.memory_space<vmem>>, vector<16xf32>,
      %broadcast_in_dim3A_1644 = arith.constant 23 : i32
      %broadcast_in_dim3A_1645 = vector.broadcast %broadcast_in_dim3A_1644 : i32 to vector<16xi32>
      %gather3A_1646 = tpu.vector_load_idx %arg9[%iota3A, %broadcast_in_dim3A_1645, %and3A_24] : memref<30x32x128xf32, #tpu.memory_space<vmem>>[vector<16xi32>, vector<16xi32>, vector<16xi32>], vector<16xf32>,
      %swap3A_1647 = arith.constant 23 : i32
      %swap3A_1648 = arith.index_cast %swap3A_1647 : i32 to index
      %swap3A_1649 = arith.constant 0 : index
      %swap3A_1650 = tpu.vector_load %arg10[%swap3A_1648, %swap3A_1649] {strides = array<i32>} : memref<32x16xf32, #tpu.memory_space<vmem>>, vector<16xf32>,
      tpu.vector_store %arg10[%swap3A_1648, %swap3A_1649], %gather3A_1646 {strides = array<i32>} : memref<32x16xf32, #tpu.memory_space<vmem>>, vector<16xf32>,
      %broadcast_in_dim3A_1651 = arith.constant 24 : i32
      %broadcast_in_dim3A_1652 = vector.broadcast %broadcast_in_dim3A_1651 : i32 to vector<16xi32>
      %gather3A_1653 = tpu.vector_load_idx %arg9[%iota3A, %broadcast_in_dim3A_1652, %and3A_24] : memref<30x32x128xf32, #tpu.memory_space<vmem>>[vector<16xi32>, vector<16xi32>, vector<16xi32>], vector<16xf32>,
      %swap3A_1654 = arith.constant 24 : i32
      %swap3A_1655 = arith.index_cast %swap3A_1654 : i32 to index
      %swap3A_1656 = arith.constant 0 : index
      %swap3A_1657 = tpu.vector_load %arg10[%swap3A_1655, %swap3A_1656] {strides = array<i32>} : memref<32x16xf32, #tpu.memory_space<vmem>>, vector<16xf32>,
      tpu.vector_store %arg10[%swap3A_1655, %swap3A_1656], %gather3A_1653 {strides = array<i32>} : memref<32x16xf32, #tpu.memory_space<vmem>>, vector<16xf32>,
      %broadcast_in_dim3A_1658 = arith.constant 25 : i32
      %broadcast_in_dim3A_1659 = vector.broadcast %broadcast_in_dim3A_1658 : i32 to vector<16xi32>
      %gather3A_1660 = tpu.vector_load_idx %arg9[%iota3A, %broadcast_in_dim3A_1659, %and3A_24] : memref<30x32x128xf32, #tpu.memory_space<vmem>>[vector<16xi32>, vector<16xi32>, vector<16xi32>], vector<16xf32>,
      %swap3A_1661 = arith.constant 25 : i32
      %swap3A_1662 = arith.index_cast %swap3A_1661 : i32 to index
      %swap3A_1663 = arith.constant 0 : index
      %swap3A_1664 = tpu.vector_load %arg10[%swap3A_1662, %swap3A_1663] {strides = array<i32>} : memref<32x16xf32, #tpu.memory_space<vmem>>, vector<16xf32>,
      tpu.vector_store %arg10[%swap3A_1662, %swap3A_1663], %gather3A_1660 {strides = array<i32>} : memref<32x16xf32, #tpu.memory_space<vmem>>, vector<16xf32>,
      %broadcast_in_dim3A_1665 = arith.constant 26 : i32
      %broadcast_in_dim3A_1666 = vector.broadcast %broadcast_in_dim3A_1665 : i32 to vector<16xi32>
      %gather3A_1667 = tpu.vector_load_idx %arg9[%iota3A, %broadcast_in_dim3A_1666, %and3A_24] : memref<30x32x128xf32, #tpu.memory_space<vmem>>[vector<16xi32>, vector<16xi32>, vector<16xi32>], vector<16xf32>,
      %swap3A_1668 = arith.constant 26 : i32
      %swap3A_1669 = arith.index_cast %swap3A_1668 : i32 to index
      %swap3A_1670 = arith.constant 0 : index
      %swap3A_1671 = tpu.vector_load %arg10[%swap3A_1669, %swap3A_1670] {strides = array<i32>} : memref<32x16xf32, #tpu.memory_space<vmem>>, vector<16xf32>,
      tpu.vector_store %arg10[%swap3A_1669, %swap3A_1670], %gather3A_1667 {strides = array<i32>} : memref<32x16xf32, #tpu.memory_space<vmem>>, vector<16xf32>,
      %broadcast_in_dim3A_1672 = arith.constant 27 : i32
      %broadcast_in_dim3A_1673 = vector.broadcast %broadcast_in_dim3A_1672 : i32 to vector<16xi32>
      %gather3A_1674 = tpu.vector_load_idx %arg9[%iota3A, %broadcast_in_dim3A_1673, %and3A_24] : memref<30x32x128xf32, #tpu.memory_space<vmem>>[vector<16xi32>, vector<16xi32>, vector<16xi32>], vector<16xf32>,
      %swap3A_1675 = arith.constant 27 : i32
      %swap3A_1676 = arith.index_cast %swap3A_1675 : i32 to index
      %swap3A_1677 = arith.constant 0 : index
      %swap3A_1678 = tpu.vector_load %arg10[%swap3A_1676, %swap3A_1677] {strides = array<i32>} : memref<32x16xf32, #tpu.memory_space<vmem>>, vector<16xf32>,
      tpu.vector_store %arg10[%swap3A_1676, %swap3A_1677], %gather3A_1674 {strides = array<i32>} : memref<32x16xf32, #tpu.memory_space<vmem>>, vector<16xf32>,
      %broadcast_in_dim3A_1679 = arith.constant 28 : i32
      %broadcast_in_dim3A_1680 = vector.broadcast %broadcast_in_dim3A_1679 : i32 to vector<16xi32>
      %gather3A_1681 = tpu.vector_load_idx %arg9[%iota3A, %broadcast_in_dim3A_1680, %and3A_24] : memref<30x32x128xf32, #tpu.memory_space<vmem>>[vector<16xi32>, vector<16xi32>, vector<16xi32>], vector<16xf32>,
      %swap3A_1682 = arith.constant 28 : i32
      %swap3A_1683 = arith.index_cast %swap3A_1682 : i32 to index
      %swap3A_1684 = arith.constant 0 : index
      %swap3A_1685 = tpu.vector_load %arg10[%swap3A_1683, %swap3A_1684] {strides = array<i32>} : memref<32x16xf32, #tpu.memory_space<vmem>>, vector<16xf32>,
      tpu.vector_store %arg10[%swap3A_1683, %swap3A_1684], %gather3A_1681 {strides = array<i32>} : memref<32x16xf32, #tpu.memory_space<vmem>>, vector<16xf32>,
      %broadcast_in_dim3A_1686 = arith.constant 29 : i32
      %broadcast_in_dim3A_1687 = vector.broadcast %broadcast_in_dim3A_1686 : i32 to vector<16xi32>
      %gather3A_1688 = tpu.vector_load_idx %arg9[%iota3A, %broadcast_in_dim3A_1687, %and3A_24] : memref<30x32x128xf32, #tpu.memory_space<vmem>>[vector<16xi32>, vector<16xi32>, vector<16xi32>], vector<16xf32>,
      %swap3A_1689 = arith.constant 29 : i32
      %swap3A_1690 = arith.index_cast %swap3A_1689 : i32 to index
      %swap3A_1691 = arith.constant 0 : index
      %swap3A_1692 = tpu.vector_load %arg10[%swap3A_1690, %swap3A_1691] {strides = array<i32>} : memref<32x16xf32, #tpu.memory_space<vmem>>, vector<16xf32>,
      tpu.vector_store %arg10[%swap3A_1690, %swap3A_1691], %gather3A_1688 {strides = array<i32>} : memref<32x16xf32, #tpu.memory_space<vmem>>, vector<16xf32>,
      %broadcast_in_dim3A_1693 = arith.constant 30 : i32
      %broadcast_in_dim3A_1694 = vector.broadcast %broadcast_in_dim3A_1693 : i32 to vector<16xi32>
      %gather3A_1695 = tpu.vector_load_idx %arg9[%iota3A, %broadcast_in_dim3A_1694, %and3A_24] : memref<30x32x128xf32, #tpu.memory_space<vmem>>[vector<16xi32>, vector<16xi32>, vector<16xi32>], vector<16xf32>,
      %swap3A_1696 = arith.constant 30 : i32
      %swap3A_1697 = arith.index_cast %swap3A_1696 : i32 to index
      %swap3A_1698 = arith.constant 0 : index
      %swap3A_1699 = tpu.vector_load %arg10[%swap3A_1697, %swap3A_1698] {strides = array<i32>} : memref<32x16xf32, #tpu.memory_space<vmem>>, vector<16xf32>,
      tpu.vector_store %arg10[%swap3A_1697, %swap3A_1698], %gather3A_1695 {strides = array<i32>} : memref<32x16xf32, #tpu.memory_space<vmem>>, vector<16xf32>,
      %broadcast_in_dim3A_1700 = arith.constant 31 : i32
      %broadcast_in_dim3A_1701 = vector.broadcast %broadcast_in_dim3A_1700 : i32 to vector<16xi32>
      %gather3A_1702 = tpu.vector_load_idx %arg9[%iota3A, %broadcast_in_dim3A_1701, %and3A_24] : memref<30x32x128xf32, #tpu.memory_space<vmem>>[vector<16xi32>, vector<16xi32>, vector<16xi32>], vector<16xf32>,
      %swap3A_1703 = arith.constant 31 : i32
      %swap3A_1704 = arith.index_cast %swap3A_1703 : i32 to index
      %swap3A_1705 = arith.constant 0 : index
      %swap3A_1706 = tpu.vector_load %arg10[%swap3A_1704, %swap3A_1705] {strides = array<i32>} : memref<32x16xf32, #tpu.memory_space<vmem>>, vector<16xf32>,
      tpu.vector_store %arg10[%swap3A_1704, %swap3A_1705], %gather3A_1702 {strides = array<i32>} : memref<32x16xf32, #tpu.memory_space<vmem>>, vector<16xf32>,
      %slice3A_1707 = vector.extract_strided_slice %get3A_22 {offsets = [14], sizes = [1], strides = [1]} : vector<16xi32> to vector<1xi32>
      %squeeze3A_1708 = vector.extract %slice3A_1707[0] : i32 from vector<1xi32>
      %jit3A_1709 = arith.constant 128 : i32
      %div3A_1710 = arith.divsi %squeeze3A_1708, %jit3A_1709 : i32
      %sign3A_1711 = arith.constant 0 : i32
      %sign3A_1712 = arith.cmpi sgt, %squeeze3A_1708, %sign3A_1711 : i32
      %sign3A_1713 = arith.extui %sign3A_1712 : i1 to i32
      %sign3A_1714 = arith.constant 0 : i32
      %sign3A_1715 = arith.cmpi slt, %squeeze3A_1708, %sign3A_1714 : i32
      %sign3A_1716 = arith.extui %sign3A_1715 : i1 to i32
      %sign3A_1717 = arith.subi %sign3A_1713, %sign3A_1716 : i32
      %sign3A_1718 = arith.constant 0 : i32
      %sign3A_1719 = arith.cmpi sgt, %jit3A_1709, %sign3A_1718 : i32
      %sign3A_1720 = arith.extui %sign3A_1719 : i1 to i32
      %sign3A_1721 = arith.constant 0 : i32
      %sign3A_1722 = arith.cmpi slt, %jit3A_1709, %sign3A_1721 : i32
      %sign3A_1723 = arith.extui %sign3A_1722 : i1 to i32
      %sign3A_1724 = arith.subi %sign3A_1720, %sign3A_1723 : i32
      %ne3A_1725 = arith.cmpi ne, %sign3A_1717, %sign3A_1724 : i32
      %rem3A_1726 = arith.remsi %squeeze3A_1708, %jit3A_1709 : i32
      %ne3A_1727 = arith.constant 0 : i32
      %ne3A_1728 = arith.cmpi ne, %rem3A_1726, %ne3A_1727 : i32
      %and3A_1729 = arith.andi %ne3A_1725, %ne3A_1728 : i1
      %sub3A_1730 = arith.constant 1 : i32
      %sub3A_1731 = arith.subi %div3A_1710, %sub3A_1730 : i32
      %select_n3A_1732 = arith.select %and3A_1729, %sub3A_1731, %div3A_1710 : i32
      %mul3A_1733 = arith.constant 128 : i32
      %mul3A_1734 = arith.muli %select_n3A_1732, %mul3A_1733 : i32
      %multiple_of3A_1735 = tpu.assume_multiple %mul3A_1734, 128 : i32
      %dma_start3A_1736 = arith.constant 0 : i32
      %dma_start3A_1737 = arith.constant 0 : i32
      %dma_start3A_1738 = arith.constant 0 : i32
      %dma_start3A_1739 = tpu.memref_slice %arg9[%dma_start3A_1736, %dma_start3A_1737, %dma_start3A_1738] : memref<30x32x128xf32, #tpu.memory_space<vmem>> -> memref<1x32x128xf32, #tpu.memory_space<vmem>>
      %dma_start3A_1740 = tpu.memref_squeeze %dma_start3A_1739 : memref<1x32x128xf32, #tpu.memory_space<vmem>> -> memref<32x128xf32, #tpu.memory_space<vmem>>
      %dma_start3A_1741 = arith.constant 0 : i32
      %dma_start3A_1742 = tpu.memref_slice %arg5[%dma_start3A_1741, %multiple_of3A_1735] : memref<32x1000000xf32, #tpu.memory_space<hbm>> -> memref<32x128xf32, #tpu.memory_space<hbm>>
      %dma_start3A_1743 = arith.constant 0 : i32
      %dma_start3A_1744 = arith.constant 0 : i32
      %dma_start3A_1745 = tpu.memref_slice %arg9[%dma_start3A_1736, %dma_start3A_1743, %dma_start3A_1744] : memref<30x32x128xf32, #tpu.memory_space<vmem>> -> memref<1x32x128xf32, #tpu.memory_space<vmem>>
      %dma_start3A_1746 = tpu.memref_squeeze %dma_start3A_1745 : memref<1x32x128xf32, #tpu.memory_space<vmem>> -> memref<32x128xf32, #tpu.memory_space<vmem>>
      %dma_start3A_1747 = arith.constant 0 : i32
      %dma_start3A_1748 = tpu.memref_slice %arg5[%dma_start3A_1747, %multiple_of3A_1735] : memref<32x1000000xf32, #tpu.memory_space<hbm>> -> memref<32x128xf32, #tpu.memory_space<hbm>>
      tpu.enqueue_dma source(%dma_start3A_1748 : memref<32x128xf32, #tpu.memory_space<hbm>>) target(%dma_start3A_1746 : memref<32x128xf32, #tpu.memory_space<vmem>>) target_semaphore(%arg13 : memref<!tpu.dma_semaphore, #tpu.memory_space<semaphore_mem>>)
      %slice3A_1749 = vector.extract_strided_slice %get3A_22 {offsets = [15], sizes = [1], strides = [1]} : vector<16xi32> to vector<1xi32>
      %squeeze3A_1750 = vector.extract %slice3A_1749[0] : i32 from vector<1xi32>
      %jit3A_1751 = arith.constant 128 : i32
      %div3A_1752 = arith.divsi %squeeze3A_1750, %jit3A_1751 : i32
      %sign3A_1753 = arith.constant 0 : i32
      %sign3A_1754 = arith.cmpi sgt, %squeeze3A_1750, %sign3A_1753 : i32
      %sign3A_1755 = arith.extui %sign3A_1754 : i1 to i32
      %sign3A_1756 = arith.constant 0 : i32
      %sign3A_1757 = arith.cmpi slt, %squeeze3A_1750, %sign3A_1756 : i32
      %sign3A_1758 = arith.extui %sign3A_1757 : i1 to i32
      %sign3A_1759 = arith.subi %sign3A_1755, %sign3A_1758 : i32
      %sign3A_1760 = arith.constant 0 : i32
      %sign3A_1761 = arith.cmpi sgt, %jit3A_1751, %sign3A_1760 : i32
      %sign3A_1762 = arith.extui %sign3A_1761 : i1 to i32
      %sign3A_1763 = arith.constant 0 : i32
      %sign3A_1764 = arith.cmpi slt, %jit3A_1751, %sign3A_1763 : i32
      %sign3A_1765 = arith.extui %sign3A_1764 : i1 to i32
      %sign3A_1766 = arith.subi %sign3A_1762, %sign3A_1765 : i32
      %ne3A_1767 = arith.cmpi ne, %sign3A_1759, %sign3A_1766 : i32
      %rem3A_1768 = arith.remsi %squeeze3A_1750, %jit3A_1751 : i32
      %ne3A_1769 = arith.constant 0 : i32
      %ne3A_1770 = arith.cmpi ne, %rem3A_1768, %ne3A_1769 : i32
      %and3A_1771 = arith.andi %ne3A_1767, %ne3A_1770 : i1
      %sub3A_1772 = arith.constant 1 : i32
      %sub3A_1773 = arith.subi %div3A_1752, %sub3A_1772 : i32
      %select_n3A_1774 = arith.select %and3A_1771, %sub3A_1773, %div3A_1752 : i32
      %mul3A_1775 = arith.constant 128 : i32
      %mul3A_1776 = arith.muli %select_n3A_1774, %mul3A_1775 : i32
      %multiple_of3A_1777 = tpu.assume_multiple %mul3A_1776, 128 : i32
      %dma_start3A_1778 = arith.constant 1 : i32
      %dma_start3A_1779 = arith.constant 0 : i32
      %dma_start3A_1780 = arith.constant 0 : i32
      %dma_start3A_1781 = tpu.memref_slice %arg9[%dma_start3A_1778, %dma_start3A_1779, %dma_start3A_1780] : memref<30x32x128xf32, #tpu.memory_space<vmem>> -> memref<1x32x128xf32, #tpu.memory_space<vmem>>
      %dma_start3A_1782 = tpu.memref_squeeze %dma_start3A_1781 : memref<1x32x128xf32, #tpu.memory_space<vmem>> -> memref<32x128xf32, #tpu.memory_space<vmem>>
      %dma_start3A_1783 = arith.constant 0 : i32
      %dma_start3A_1784 = tpu.memref_slice %arg5[%dma_start3A_1783, %multiple_of3A_1777] : memref<32x1000000xf32, #tpu.memory_space<hbm>> -> memref<32x128xf32, #tpu.memory_space<hbm>>
      %dma_start3A_1785 = arith.constant 0 : i32
      %dma_start3A_1786 = arith.constant 0 : i32
      %dma_start3A_1787 = tpu.memref_slice %arg9[%dma_start3A_1778, %dma_start3A_1785, %dma_start3A_1786] : memref<30x32x128xf32, #tpu.memory_space<vmem>> -> memref<1x32x128xf32, #tpu.memory_space<vmem>>
      %dma_start3A_1788 = tpu.memref_squeeze %dma_start3A_1787 : memref<1x32x128xf32, #tpu.memory_space<vmem>> -> memref<32x128xf32, #tpu.memory_space<vmem>>
      %dma_start3A_1789 = arith.constant 0 : i32
      %dma_start3A_1790 = tpu.memref_slice %arg5[%dma_start3A_1789, %multiple_of3A_1777] : memref<32x1000000xf32, #tpu.memory_space<hbm>> -> memref<32x128xf32, #tpu.memory_space<hbm>>
      tpu.enqueue_dma source(%dma_start3A_1790 : memref<32x128xf32, #tpu.memory_space<hbm>>) target(%dma_start3A_1788 : memref<32x128xf32, #tpu.memory_space<vmem>>) target_semaphore(%arg13 : memref<!tpu.dma_semaphore, #tpu.memory_space<semaphore_mem>>)
      %dma_wait3A_1791 = arith.constant 16 : i32
      %dma_wait3A_1792 = arith.constant 0 : i32
      %dma_wait3A_1793 = arith.constant 0 : i32
      %dma_wait3A_1794 = tpu.memref_slice %arg9[%dma_wait3A_1791, %dma_wait3A_1792, %dma_wait3A_1793] : memref<30x32x128xf32, #tpu.memory_space<vmem>> -> memref<1x32x128xf32, #tpu.memory_space<vmem>>
      %dma_wait3A_1795 = tpu.memref_squeeze %dma_wait3A_1794 : memref<1x32x128xf32, #tpu.memory_space<vmem>> -> memref<32x128xf32, #tpu.memory_space<vmem>>
      %dma_wait3A_1796 = arith.constant 0 : i32
      %dma_wait3A_1797 = tpu.memref_slice %arg5[%dma_wait3A_1796, %multiple_of3A_926] : memref<32x1000000xf32, #tpu.memory_space<hbm>> -> memref<32x128xf32, #tpu.memory_space<hbm>>
      %dma_wait3A_1798 = arith.constant 0 : i32
      %dma_wait3A_1799 = arith.constant 0 : i32
      %dma_wait3A_1800 = tpu.memref_slice %arg9[%dma_wait3A_1791, %dma_wait3A_1798, %dma_wait3A_1799] : memref<30x32x128xf32, #tpu.memory_space<vmem>> -> memref<1x32x128xf32, #tpu.memory_space<vmem>>
      %dma_wait3A_1801 = tpu.memref_squeeze %dma_wait3A_1800 : memref<1x32x128xf32, #tpu.memory_space<vmem>> -> memref<32x128xf32, #tpu.memory_space<vmem>>
      %dma_wait3A_1802 = arith.constant 0 : i32
      %dma_wait3A_1803 = tpu.memref_slice %arg5[%dma_wait3A_1802, %multiple_of3A_926] : memref<32x1000000xf32, #tpu.memory_space<hbm>> -> memref<32x128xf32, #tpu.memory_space<hbm>>
      tpu.wait_dma2 semaphore(%arg13 : memref<!tpu.dma_semaphore, #tpu.memory_space<semaphore_mem>>) src(%dma_wait3A_1803 : memref<32x128xf32, #tpu.memory_space<hbm>>) dst(%dma_wait3A_1801 : memref<32x128xf32, #tpu.memory_space<vmem>>)
      %dma_wait3A_1804 = arith.constant 17 : i32
      %dma_wait3A_1805 = arith.constant 0 : i32
      %dma_wait3A_1806 = arith.constant 0 : i32
      %dma_wait3A_1807 = tpu.memref_slice %arg9[%dma_wait3A_1804, %dma_wait3A_1805, %dma_wait3A_1806] : memref<30x32x128xf32, #tpu.memory_space<vmem>> -> memref<1x32x128xf32, #tpu.memory_space<vmem>>
      %dma_wait3A_1808 = tpu.memref_squeeze %dma_wait3A_1807 : memref<1x32x128xf32, #tpu.memory_space<vmem>> -> memref<32x128xf32, #tpu.memory_space<vmem>>
      %dma_wait3A_1809 = arith.constant 0 : i32
      %dma_wait3A_1810 = tpu.memref_slice %arg5[%dma_wait3A_1809, %multiple_of3A_968] : memref<32x1000000xf32, #tpu.memory_space<hbm>> -> memref<32x128xf32, #tpu.memory_space<hbm>>
      %dma_wait3A_1811 = arith.constant 0 : i32
      %dma_wait3A_1812 = arith.constant 0 : i32
      %dma_wait3A_1813 = tpu.memref_slice %arg9[%dma_wait3A_1804, %dma_wait3A_1811, %dma_wait3A_1812] : memref<30x32x128xf32, #tpu.memory_space<vmem>> -> memref<1x32x128xf32, #tpu.memory_space<vmem>>
      %dma_wait3A_1814 = tpu.memref_squeeze %dma_wait3A_1813 : memref<1x32x128xf32, #tpu.memory_space<vmem>> -> memref<32x128xf32, #tpu.memory_space<vmem>>
      %dma_wait3A_1815 = arith.constant 0 : i32
      %dma_wait3A_1816 = tpu.memref_slice %arg5[%dma_wait3A_1815, %multiple_of3A_968] : memref<32x1000000xf32, #tpu.memory_space<hbm>> -> memref<32x128xf32, #tpu.memory_space<hbm>>
      tpu.wait_dma2 semaphore(%arg13 : memref<!tpu.dma_semaphore, #tpu.memory_space<semaphore_mem>>) src(%dma_wait3A_1816 : memref<32x128xf32, #tpu.memory_space<hbm>>) dst(%dma_wait3A_1814 : memref<32x128xf32, #tpu.memory_space<vmem>>)
      %dma_wait3A_1817 = arith.constant 18 : i32
      %dma_wait3A_1818 = arith.constant 0 : i32
      %dma_wait3A_1819 = arith.constant 0 : i32
      %dma_wait3A_1820 = tpu.memref_slice %arg9[%dma_wait3A_1817, %dma_wait3A_1818, %dma_wait3A_1819] : memref<30x32x128xf32, #tpu.memory_space<vmem>> -> memref<1x32x128xf32, #tpu.memory_space<vmem>>
      %dma_wait3A_1821 = tpu.memref_squeeze %dma_wait3A_1820 : memref<1x32x128xf32, #tpu.memory_space<vmem>> -> memref<32x128xf32, #tpu.memory_space<vmem>>
      %dma_wait3A_1822 = arith.constant 0 : i32
      %dma_wait3A_1823 = tpu.memref_slice %arg5[%dma_wait3A_1822, %multiple_of3A_1010] : memref<32x1000000xf32, #tpu.memory_space<hbm>> -> memref<32x128xf32, #tpu.memory_space<hbm>>
      %dma_wait3A_1824 = arith.constant 0 : i32
      %dma_wait3A_1825 = arith.constant 0 : i32
      %dma_wait3A_1826 = tpu.memref_slice %arg9[%dma_wait3A_1817, %dma_wait3A_1824, %dma_wait3A_1825] : memref<30x32x128xf32, #tpu.memory_space<vmem>> -> memref<1x32x128xf32, #tpu.memory_space<vmem>>
      %dma_wait3A_1827 = tpu.memref_squeeze %dma_wait3A_1826 : memref<1x32x128xf32, #tpu.memory_space<vmem>> -> memref<32x128xf32, #tpu.memory_space<vmem>>
      %dma_wait3A_1828 = arith.constant 0 : i32
      %dma_wait3A_1829 = tpu.memref_slice %arg5[%dma_wait3A_1828, %multiple_of3A_1010] : memref<32x1000000xf32, #tpu.memory_space<hbm>> -> memref<32x128xf32, #tpu.memory_space<hbm>>
      tpu.wait_dma2 semaphore(%arg13 : memref<!tpu.dma_semaphore, #tpu.memory_space<semaphore_mem>>) src(%dma_wait3A_1829 : memref<32x128xf32, #tpu.memory_space<hbm>>) dst(%dma_wait3A_1827 : memref<32x128xf32, #tpu.memory_space<vmem>>)
      %dma_wait3A_1830 = arith.constant 19 : i32
      %dma_wait3A_1831 = arith.constant 0 : i32
      %dma_wait3A_1832 = arith.constant 0 : i32
      %dma_wait3A_1833 = tpu.memref_slice %arg9[%dma_wait3A_1830, %dma_wait3A_1831, %dma_wait3A_1832] : memref<30x32x128xf32, #tpu.memory_space<vmem>> -> memref<1x32x128xf32, #tpu.memory_space<vmem>>
      %dma_wait3A_1834 = tpu.memref_squeeze %dma_wait3A_1833 : memref<1x32x128xf32, #tpu.memory_space<vmem>> -> memref<32x128xf32, #tpu.memory_space<vmem>>
      %dma_wait3A_1835 = arith.constant 0 : i32
      %dma_wait3A_1836 = tpu.memref_slice %arg5[%dma_wait3A_1835, %multiple_of3A_1052] : memref<32x1000000xf32, #tpu.memory_space<hbm>> -> memref<32x128xf32, #tpu.memory_space<hbm>>
      %dma_wait3A_1837 = arith.constant 0 : i32
      %dma_wait3A_1838 = arith.constant 0 : i32
      %dma_wait3A_1839 = tpu.memref_slice %arg9[%dma_wait3A_1830, %dma_wait3A_1837, %dma_wait3A_1838] : memref<30x32x128xf32, #tpu.memory_space<vmem>> -> memref<1x32x128xf32, #tpu.memory_space<vmem>>
      %dma_wait3A_1840 = tpu.memref_squeeze %dma_wait3A_1839 : memref<1x32x128xf32, #tpu.memory_space<vmem>> -> memref<32x128xf32, #tpu.memory_space<vmem>>
      %dma_wait3A_1841 = arith.constant 0 : i32
      %dma_wait3A_1842 = tpu.memref_slice %arg5[%dma_wait3A_1841, %multiple_of3A_1052] : memref<32x1000000xf32, #tpu.memory_space<hbm>> -> memref<32x128xf32, #tpu.memory_space<hbm>>
      tpu.wait_dma2 semaphore(%arg13 : memref<!tpu.dma_semaphore, #tpu.memory_space<semaphore_mem>>) src(%dma_wait3A_1842 : memref<32x128xf32, #tpu.memory_space<hbm>>) dst(%dma_wait3A_1840 : memref<32x128xf32, #tpu.memory_space<vmem>>)
      %dma_wait3A_1843 = arith.constant 20 : i32
      %dma_wait3A_1844 = arith.constant 0 : i32
      %dma_wait3A_1845 = arith.constant 0 : i32
      %dma_wait3A_1846 = tpu.memref_slice %arg9[%dma_wait3A_1843, %dma_wait3A_1844, %dma_wait3A_1845] : memref<30x32x128xf32, #tpu.memory_space<vmem>> -> memref<1x32x128xf32, #tpu.memory_space<vmem>>
      %dma_wait3A_1847 = tpu.memref_squeeze %dma_wait3A_1846 : memref<1x32x128xf32, #tpu.memory_space<vmem>> -> memref<32x128xf32, #tpu.memory_space<vmem>>
      %dma_wait3A_1848 = arith.constant 0 : i32
      %dma_wait3A_1849 = tpu.memref_slice %arg5[%dma_wait3A_1848, %multiple_of3A_1094] : memref<32x1000000xf32, #tpu.memory_space<hbm>> -> memref<32x128xf32, #tpu.memory_space<hbm>>
      %dma_wait3A_1850 = arith.constant 0 : i32
      %dma_wait3A_1851 = arith.constant 0 : i32
      %dma_wait3A_1852 = tpu.memref_slice %arg9[%dma_wait3A_1843, %dma_wait3A_1850, %dma_wait3A_1851] : memref<30x32x128xf32, #tpu.memory_space<vmem>> -> memref<1x32x128xf32, #tpu.memory_space<vmem>>
      %dma_wait3A_1853 = tpu.memref_squeeze %dma_wait3A_1852 : memref<1x32x128xf32, #tpu.memory_space<vmem>> -> memref<32x128xf32, #tpu.memory_space<vmem>>
      %dma_wait3A_1854 = arith.constant 0 : i32
      %dma_wait3A_1855 = tpu.memref_slice %arg5[%dma_wait3A_1854, %multiple_of3A_1094] : memref<32x1000000xf32, #tpu.memory_space<hbm>> -> memref<32x128xf32, #tpu.memory_space<hbm>>
      tpu.wait_dma2 semaphore(%arg13 : memref<!tpu.dma_semaphore, #tpu.memory_space<semaphore_mem>>) src(%dma_wait3A_1855 : memref<32x128xf32, #tpu.memory_space<hbm>>) dst(%dma_wait3A_1853 : memref<32x128xf32, #tpu.memory_space<vmem>>)
      %dma_wait3A_1856 = arith.constant 21 : i32
      %dma_wait3A_1857 = arith.constant 0 : i32
      %dma_wait3A_1858 = arith.constant 0 : i32
      %dma_wait3A_1859 = tpu.memref_slice %arg9[%dma_wait3A_1856, %dma_wait3A_1857, %dma_wait3A_1858] : memref<30x32x128xf32, #tpu.memory_space<vmem>> -> memref<1x32x128xf32, #tpu.memory_space<vmem>>
      %dma_wait3A_1860 = tpu.memref_squeeze %dma_wait3A_1859 : memref<1x32x128xf32, #tpu.memory_space<vmem>> -> memref<32x128xf32, #tpu.memory_space<vmem>>
      %dma_wait3A_1861 = arith.constant 0 : i32
      %dma_wait3A_1862 = tpu.memref_slice %arg5[%dma_wait3A_1861, %multiple_of3A_1136] : memref<32x1000000xf32, #tpu.memory_space<hbm>> -> memref<32x128xf32, #tpu.memory_space<hbm>>
      %dma_wait3A_1863 = arith.constant 0 : i32
      %dma_wait3A_1864 = arith.constant 0 : i32
      %dma_wait3A_1865 = tpu.memref_slice %arg9[%dma_wait3A_1856, %dma_wait3A_1863, %dma_wait3A_1864] : memref<30x32x128xf32, #tpu.memory_space<vmem>> -> memref<1x32x128xf32, #tpu.memory_space<vmem>>
      %dma_wait3A_1866 = tpu.memref_squeeze %dma_wait3A_1865 : memref<1x32x128xf32, #tpu.memory_space<vmem>> -> memref<32x128xf32, #tpu.memory_space<vmem>>
      %dma_wait3A_1867 = arith.constant 0 : i32
      %dma_wait3A_1868 = tpu.memref_slice %arg5[%dma_wait3A_1867, %multiple_of3A_1136] : memref<32x1000000xf32, #tpu.memory_space<hbm>> -> memref<32x128xf32, #tpu.memory_space<hbm>>
      tpu.wait_dma2 semaphore(%arg13 : memref<!tpu.dma_semaphore, #tpu.memory_space<semaphore_mem>>) src(%dma_wait3A_1868 : memref<32x128xf32, #tpu.memory_space<hbm>>) dst(%dma_wait3A_1866 : memref<32x128xf32, #tpu.memory_space<vmem>>)
      %dma_wait3A_1869 = arith.constant 22 : i32
      %dma_wait3A_1870 = arith.constant 0 : i32
      %dma_wait3A_1871 = arith.constant 0 : i32
      %dma_wait3A_1872 = tpu.memref_slice %arg9[%dma_wait3A_1869, %dma_wait3A_1870, %dma_wait3A_1871] : memref<30x32x128xf32, #tpu.memory_space<vmem>> -> memref<1x32x128xf32, #tpu.memory_space<vmem>>
      %dma_wait3A_1873 = tpu.memref_squeeze %dma_wait3A_1872 : memref<1x32x128xf32, #tpu.memory_space<vmem>> -> memref<32x128xf32, #tpu.memory_space<vmem>>
      %dma_wait3A_1874 = arith.constant 0 : i32
      %dma_wait3A_1875 = tpu.memref_slice %arg5[%dma_wait3A_1874, %multiple_of3A_1178] : memref<32x1000000xf32, #tpu.memory_space<hbm>> -> memref<32x128xf32, #tpu.memory_space<hbm>>
      %dma_wait3A_1876 = arith.constant 0 : i32
      %dma_wait3A_1877 = arith.constant 0 : i32
      %dma_wait3A_1878 = tpu.memref_slice %arg9[%dma_wait3A_1869, %dma_wait3A_1876, %dma_wait3A_1877] : memref<30x32x128xf32, #tpu.memory_space<vmem>> -> memref<1x32x128xf32, #tpu.memory_space<vmem>>
      %dma_wait3A_1879 = tpu.memref_squeeze %dma_wait3A_1878 : memref<1x32x128xf32, #tpu.memory_space<vmem>> -> memref<32x128xf32, #tpu.memory_space<vmem>>
      %dma_wait3A_1880 = arith.constant 0 : i32
      %dma_wait3A_1881 = tpu.memref_slice %arg5[%dma_wait3A_1880, %multiple_of3A_1178] : memref<32x1000000xf32, #tpu.memory_space<hbm>> -> memref<32x128xf32, #tpu.memory_space<hbm>>
      tpu.wait_dma2 semaphore(%arg13 : memref<!tpu.dma_semaphore, #tpu.memory_space<semaphore_mem>>) src(%dma_wait3A_1881 : memref<32x128xf32, #tpu.memory_space<hbm>>) dst(%dma_wait3A_1879 : memref<32x128xf32, #tpu.memory_space<vmem>>)
      %dma_wait3A_1882 = arith.constant 23 : i32
      %dma_wait3A_1883 = arith.constant 0 : i32
      %dma_wait3A_1884 = arith.constant 0 : i32
      %dma_wait3A_1885 = tpu.memref_slice %arg9[%dma_wait3A_1882, %dma_wait3A_1883, %dma_wait3A_1884] : memref<30x32x128xf32, #tpu.memory_space<vmem>> -> memref<1x32x128xf32, #tpu.memory_space<vmem>>
      %dma_wait3A_1886 = tpu.memref_squeeze %dma_wait3A_1885 : memref<1x32x128xf32, #tpu.memory_space<vmem>> -> memref<32x128xf32, #tpu.memory_space<vmem>>
      %dma_wait3A_1887 = arith.constant 0 : i32
      %dma_wait3A_1888 = tpu.memref_slice %arg5[%dma_wait3A_1887, %multiple_of3A_1220] : memref<32x1000000xf32, #tpu.memory_space<hbm>> -> memref<32x128xf32, #tpu.memory_space<hbm>>
      %dma_wait3A_1889 = arith.constant 0 : i32
      %dma_wait3A_1890 = arith.constant 0 : i32
      %dma_wait3A_1891 = tpu.memref_slice %arg9[%dma_wait3A_1882, %dma_wait3A_1889, %dma_wait3A_1890] : memref<30x32x128xf32, #tpu.memory_space<vmem>> -> memref<1x32x128xf32, #tpu.memory_space<vmem>>
      %dma_wait3A_1892 = tpu.memref_squeeze %dma_wait3A_1891 : memref<1x32x128xf32, #tpu.memory_space<vmem>> -> memref<32x128xf32, #tpu.memory_space<vmem>>
      %dma_wait3A_1893 = arith.constant 0 : i32
      %dma_wait3A_1894 = tpu.memref_slice %arg5[%dma_wait3A_1893, %multiple_of3A_1220] : memref<32x1000000xf32, #tpu.memory_space<hbm>> -> memref<32x128xf32, #tpu.memory_space<hbm>>
      tpu.wait_dma2 semaphore(%arg13 : memref<!tpu.dma_semaphore, #tpu.memory_space<semaphore_mem>>) src(%dma_wait3A_1894 : memref<32x128xf32, #tpu.memory_space<hbm>>) dst(%dma_wait3A_1892 : memref<32x128xf32, #tpu.memory_space<vmem>>)
      %dma_wait3A_1895 = arith.constant 24 : i32
      %dma_wait3A_1896 = arith.constant 0 : i32
      %dma_wait3A_1897 = arith.constant 0 : i32
      %dma_wait3A_1898 = tpu.memref_slice %arg9[%dma_wait3A_1895, %dma_wait3A_1896, %dma_wait3A_1897] : memref<30x32x128xf32, #tpu.memory_space<vmem>> -> memref<1x32x128xf32, #tpu.memory_space<vmem>>
      %dma_wait3A_1899 = tpu.memref_squeeze %dma_wait3A_1898 : memref<1x32x128xf32, #tpu.memory_space<vmem>> -> memref<32x128xf32, #tpu.memory_space<vmem>>
      %dma_wait3A_1900 = arith.constant 0 : i32
      %dma_wait3A_1901 = tpu.memref_slice %arg5[%dma_wait3A_1900, %multiple_of3A_1262] : memref<32x1000000xf32, #tpu.memory_space<hbm>> -> memref<32x128xf32, #tpu.memory_space<hbm>>
      %dma_wait3A_1902 = arith.constant 0 : i32
      %dma_wait3A_1903 = arith.constant 0 : i32
      %dma_wait3A_1904 = tpu.memref_slice %arg9[%dma_wait3A_1895, %dma_wait3A_1902, %dma_wait3A_1903] : memref<30x32x128xf32, #tpu.memory_space<vmem>> -> memref<1x32x128xf32, #tpu.memory_space<vmem>>
      %dma_wait3A_1905 = tpu.memref_squeeze %dma_wait3A_1904 : memref<1x32x128xf32, #tpu.memory_space<vmem>> -> memref<32x128xf32, #tpu.memory_space<vmem>>
      %dma_wait3A_1906 = arith.constant 0 : i32
      %dma_wait3A_1907 = tpu.memref_slice %arg5[%dma_wait3A_1906, %multiple_of3A_1262] : memref<32x1000000xf32, #tpu.memory_space<hbm>> -> memref<32x128xf32, #tpu.memory_space<hbm>>
      tpu.wait_dma2 semaphore(%arg13 : memref<!tpu.dma_semaphore, #tpu.memory_space<semaphore_mem>>) src(%dma_wait3A_1907 : memref<32x128xf32, #tpu.memory_space<hbm>>) dst(%dma_wait3A_1905 : memref<32x128xf32, #tpu.memory_space<vmem>>)
      %dma_wait3A_1908 = arith.constant 25 : i32
      %dma_wait3A_1909 = arith.constant 0 : i32
      %dma_wait3A_1910 = arith.constant 0 : i32
      %dma_wait3A_1911 = tpu.memref_slice %arg9[%dma_wait3A_1908, %dma_wait3A_1909, %dma_wait3A_1910] : memref<30x32x128xf32, #tpu.memory_space<vmem>> -> memref<1x32x128xf32, #tpu.memory_space<vmem>>
      %dma_wait3A_1912 = tpu.memref_squeeze %dma_wait3A_1911 : memref<1x32x128xf32, #tpu.memory_space<vmem>> -> memref<32x128xf32, #tpu.memory_space<vmem>>
      %dma_wait3A_1913 = arith.constant 0 : i32
      %dma_wait3A_1914 = tpu.memref_slice %arg5[%dma_wait3A_1913, %multiple_of3A_1304] : memref<32x1000000xf32, #tpu.memory_space<hbm>> -> memref<32x128xf32, #tpu.memory_space<hbm>>
      %dma_wait3A_1915 = arith.constant 0 : i32
      %dma_wait3A_1916 = arith.constant 0 : i32
      %dma_wait3A_1917 = tpu.memref_slice %arg9[%dma_wait3A_1908, %dma_wait3A_1915, %dma_wait3A_1916] : memref<30x32x128xf32, #tpu.memory_space<vmem>> -> memref<1x32x128xf32, #tpu.memory_space<vmem>>
      %dma_wait3A_1918 = tpu.memref_squeeze %dma_wait3A_1917 : memref<1x32x128xf32, #tpu.memory_space<vmem>> -> memref<32x128xf32, #tpu.memory_space<vmem>>
      %dma_wait3A_1919 = arith.constant 0 : i32
      %dma_wait3A_1920 = tpu.memref_slice %arg5[%dma_wait3A_1919, %multiple_of3A_1304] : memref<32x1000000xf32, #tpu.memory_space<hbm>> -> memref<32x128xf32, #tpu.memory_space<hbm>>
      tpu.wait_dma2 semaphore(%arg13 : memref<!tpu.dma_semaphore, #tpu.memory_space<semaphore_mem>>) src(%dma_wait3A_1920 : memref<32x128xf32, #tpu.memory_space<hbm>>) dst(%dma_wait3A_1918 : memref<32x128xf32, #tpu.memory_space<vmem>>)
      %dma_wait3A_1921 = arith.constant 26 : i32
      %dma_wait3A_1922 = arith.constant 0 : i32
      %dma_wait3A_1923 = arith.constant 0 : i32
      %dma_wait3A_1924 = tpu.memref_slice %arg9[%dma_wait3A_1921, %dma_wait3A_1922, %dma_wait3A_1923] : memref<30x32x128xf32, #tpu.memory_space<vmem>> -> memref<1x32x128xf32, #tpu.memory_space<vmem>>
      %dma_wait3A_1925 = tpu.memref_squeeze %dma_wait3A_1924 : memref<1x32x128xf32, #tpu.memory_space<vmem>> -> memref<32x128xf32, #tpu.memory_space<vmem>>
      %dma_wait3A_1926 = arith.constant 0 : i32
      %dma_wait3A_1927 = tpu.memref_slice %arg5[%dma_wait3A_1926, %multiple_of3A_1346] : memref<32x1000000xf32, #tpu.memory_space<hbm>> -> memref<32x128xf32, #tpu.memory_space<hbm>>
      %dma_wait3A_1928 = arith.constant 0 : i32
      %dma_wait3A_1929 = arith.constant 0 : i32
      %dma_wait3A_1930 = tpu.memref_slice %arg9[%dma_wait3A_1921, %dma_wait3A_1928, %dma_wait3A_1929] : memref<30x32x128xf32, #tpu.memory_space<vmem>> -> memref<1x32x128xf32, #tpu.memory_space<vmem>>
      %dma_wait3A_1931 = tpu.memref_squeeze %dma_wait3A_1930 : memref<1x32x128xf32, #tpu.memory_space<vmem>> -> memref<32x128xf32, #tpu.memory_space<vmem>>
      %dma_wait3A_1932 = arith.constant 0 : i32
      %dma_wait3A_1933 = tpu.memref_slice %arg5[%dma_wait3A_1932, %multiple_of3A_1346] : memref<32x1000000xf32, #tpu.memory_space<hbm>> -> memref<32x128xf32, #tpu.memory_space<hbm>>
      tpu.wait_dma2 semaphore(%arg13 : memref<!tpu.dma_semaphore, #tpu.memory_space<semaphore_mem>>) src(%dma_wait3A_1933 : memref<32x128xf32, #tpu.memory_space<hbm>>) dst(%dma_wait3A_1931 : memref<32x128xf32, #tpu.memory_space<vmem>>)
      %dma_wait3A_1934 = arith.constant 27 : i32
      %dma_wait3A_1935 = arith.constant 0 : i32
      %dma_wait3A_1936 = arith.constant 0 : i32
      %dma_wait3A_1937 = tpu.memref_slice %arg9[%dma_wait3A_1934, %dma_wait3A_1935, %dma_wait3A_1936] : memref<30x32x128xf32, #tpu.memory_space<vmem>> -> memref<1x32x128xf32, #tpu.memory_space<vmem>>
      %dma_wait3A_1938 = tpu.memref_squeeze %dma_wait3A_1937 : memref<1x32x128xf32, #tpu.memory_space<vmem>> -> memref<32x128xf32, #tpu.memory_space<vmem>>
      %dma_wait3A_1939 = arith.constant 0 : i32
      %dma_wait3A_1940 = tpu.memref_slice %arg5[%dma_wait3A_1939, %multiple_of3A_1388] : memref<32x1000000xf32, #tpu.memory_space<hbm>> -> memref<32x128xf32, #tpu.memory_space<hbm>>
      %dma_wait3A_1941 = arith.constant 0 : i32
      %dma_wait3A_1942 = arith.constant 0 : i32
      %dma_wait3A_1943 = tpu.memref_slice %arg9[%dma_wait3A_1934, %dma_wait3A_1941, %dma_wait3A_1942] : memref<30x32x128xf32, #tpu.memory_space<vmem>> -> memref<1x32x128xf32, #tpu.memory_space<vmem>>
      %dma_wait3A_1944 = tpu.memref_squeeze %dma_wait3A_1943 : memref<1x32x128xf32, #tpu.memory_space<vmem>> -> memref<32x128xf32, #tpu.memory_space<vmem>>
      %dma_wait3A_1945 = arith.constant 0 : i32
      %dma_wait3A_1946 = tpu.memref_slice %arg5[%dma_wait3A_1945, %multiple_of3A_1388] : memref<32x1000000xf32, #tpu.memory_space<hbm>> -> memref<32x128xf32, #tpu.memory_space<hbm>>
      tpu.wait_dma2 semaphore(%arg13 : memref<!tpu.dma_semaphore, #tpu.memory_space<semaphore_mem>>) src(%dma_wait3A_1946 : memref<32x128xf32, #tpu.memory_space<hbm>>) dst(%dma_wait3A_1944 : memref<32x128xf32, #tpu.memory_space<vmem>>)
      %dma_wait3A_1947 = arith.constant 28 : i32
      %dma_wait3A_1948 = arith.constant 0 : i32
      %dma_wait3A_1949 = arith.constant 0 : i32
      %dma_wait3A_1950 = tpu.memref_slice %arg9[%dma_wait3A_1947, %dma_wait3A_1948, %dma_wait3A_1949] : memref<30x32x128xf32, #tpu.memory_space<vmem>> -> memref<1x32x128xf32, #tpu.memory_space<vmem>>
      %dma_wait3A_1951 = tpu.memref_squeeze %dma_wait3A_1950 : memref<1x32x128xf32, #tpu.memory_space<vmem>> -> memref<32x128xf32, #tpu.memory_space<vmem>>
      %dma_wait3A_1952 = arith.constant 0 : i32
      %dma_wait3A_1953 = tpu.memref_slice %arg5[%dma_wait3A_1952, %multiple_of3A_1430] : memref<32x1000000xf32, #tpu.memory_space<hbm>> -> memref<32x128xf32, #tpu.memory_space<hbm>>
      %dma_wait3A_1954 = arith.constant 0 : i32
      %dma_wait3A_1955 = arith.constant 0 : i32
      %dma_wait3A_1956 = tpu.memref_slice %arg9[%dma_wait3A_1947, %dma_wait3A_1954, %dma_wait3A_1955] : memref<30x32x128xf32, #tpu.memory_space<vmem>> -> memref<1x32x128xf32, #tpu.memory_space<vmem>>
      %dma_wait3A_1957 = tpu.memref_squeeze %dma_wait3A_1956 : memref<1x32x128xf32, #tpu.memory_space<vmem>> -> memref<32x128xf32, #tpu.memory_space<vmem>>
      %dma_wait3A_1958 = arith.constant 0 : i32
      %dma_wait3A_1959 = tpu.memref_slice %arg5[%dma_wait3A_1958, %multiple_of3A_1430] : memref<32x1000000xf32, #tpu.memory_space<hbm>> -> memref<32x128xf32, #tpu.memory_space<hbm>>
      tpu.wait_dma2 semaphore(%arg13 : memref<!tpu.dma_semaphore, #tpu.memory_space<semaphore_mem>>) src(%dma_wait3A_1959 : memref<32x128xf32, #tpu.memory_space<hbm>>) dst(%dma_wait3A_1957 : memref<32x128xf32, #tpu.memory_space<vmem>>)
      %dma_wait3A_1960 = arith.constant 29 : i32
      %dma_wait3A_1961 = arith.constant 0 : i32
      %dma_wait3A_1962 = arith.constant 0 : i32
      %dma_wait3A_1963 = tpu.memref_slice %arg9[%dma_wait3A_1960, %dma_wait3A_1961, %dma_wait3A_1962] : memref<30x32x128xf32, #tpu.memory_space<vmem>> -> memref<1x32x128xf32, #tpu.memory_space<vmem>>
      %dma_wait3A_1964 = tpu.memref_squeeze %dma_wait3A_1963 : memref<1x32x128xf32, #tpu.memory_space<vmem>> -> memref<32x128xf32, #tpu.memory_space<vmem>>
      %dma_wait3A_1965 = arith.constant 0 : i32
      %dma_wait3A_1966 = tpu.memref_slice %arg5[%dma_wait3A_1965, %multiple_of3A_1472] : memref<32x1000000xf32, #tpu.memory_space<hbm>> -> memref<32x128xf32, #tpu.memory_space<hbm>>
      %dma_wait3A_1967 = arith.constant 0 : i32
      %dma_wait3A_1968 = arith.constant 0 : i32
      %dma_wait3A_1969 = tpu.memref_slice %arg9[%dma_wait3A_1960, %dma_wait3A_1967, %dma_wait3A_1968] : memref<30x32x128xf32, #tpu.memory_space<vmem>> -> memref<1x32x128xf32, #tpu.memory_space<vmem>>
      %dma_wait3A_1970 = tpu.memref_squeeze %dma_wait3A_1969 : memref<1x32x128xf32, #tpu.memory_space<vmem>> -> memref<32x128xf32, #tpu.memory_space<vmem>>
      %dma_wait3A_1971 = arith.constant 0 : i32
      %dma_wait3A_1972 = tpu.memref_slice %arg5[%dma_wait3A_1971, %multiple_of3A_1472] : memref<32x1000000xf32, #tpu.memory_space<hbm>> -> memref<32x128xf32, #tpu.memory_space<hbm>>
      tpu.wait_dma2 semaphore(%arg13 : memref<!tpu.dma_semaphore, #tpu.memory_space<semaphore_mem>>) src(%dma_wait3A_1972 : memref<32x128xf32, #tpu.memory_space<hbm>>) dst(%dma_wait3A_1970 : memref<32x128xf32, #tpu.memory_space<vmem>>)
      %dma_wait3A_1973 = arith.constant 0 : i32
      %dma_wait3A_1974 = arith.constant 0 : i32
      %dma_wait3A_1975 = arith.constant 0 : i32
      %dma_wait3A_1976 = tpu.memref_slice %arg9[%dma_wait3A_1973, %dma_wait3A_1974, %dma_wait3A_1975] : memref<30x32x128xf32, #tpu.memory_space<vmem>> -> memref<1x32x128xf32, #tpu.memory_space<vmem>>
      %dma_wait3A_1977 = tpu.memref_squeeze %dma_wait3A_1976 : memref<1x32x128xf32, #tpu.memory_space<vmem>> -> memref<32x128xf32, #tpu.memory_space<vmem>>
      %dma_wait3A_1978 = arith.constant 0 : i32
      %dma_wait3A_1979 = tpu.memref_slice %arg5[%dma_wait3A_1978, %multiple_of3A_1735] : memref<32x1000000xf32, #tpu.memory_space<hbm>> -> memref<32x128xf32, #tpu.memory_space<hbm>>
      %dma_wait3A_1980 = arith.constant 0 : i32
      %dma_wait3A_1981 = arith.constant 0 : i32
      %dma_wait3A_1982 = tpu.memref_slice %arg9[%dma_wait3A_1973, %dma_wait3A_1980, %dma_wait3A_1981] : memref<30x32x128xf32, #tpu.memory_space<vmem>> -> memref<1x32x128xf32, #tpu.memory_space<vmem>>
      %dma_wait3A_1983 = tpu.memref_squeeze %dma_wait3A_1982 : memref<1x32x128xf32, #tpu.memory_space<vmem>> -> memref<32x128xf32, #tpu.memory_space<vmem>>
      %dma_wait3A_1984 = arith.constant 0 : i32
      %dma_wait3A_1985 = tpu.memref_slice %arg5[%dma_wait3A_1984, %multiple_of3A_1735] : memref<32x1000000xf32, #tpu.memory_space<hbm>> -> memref<32x128xf32, #tpu.memory_space<hbm>>
      tpu.wait_dma2 semaphore(%arg13 : memref<!tpu.dma_semaphore, #tpu.memory_space<semaphore_mem>>) src(%dma_wait3A_1985 : memref<32x128xf32, #tpu.memory_space<hbm>>) dst(%dma_wait3A_1983 : memref<32x128xf32, #tpu.memory_space<vmem>>)
      %dma_wait3A_1986 = arith.constant 1 : i32
      %dma_wait3A_1987 = arith.constant 0 : i32
      %dma_wait3A_1988 = arith.constant 0 : i32
      %dma_wait3A_1989 = tpu.memref_slice %arg9[%dma_wait3A_1986, %dma_wait3A_1987, %dma_wait3A_1988] : memref<30x32x128xf32, #tpu.memory_space<vmem>> -> memref<1x32x128xf32, #tpu.memory_space<vmem>>
      %dma_wait3A_1990 = tpu.memref_squeeze %dma_wait3A_1989 : memref<1x32x128xf32, #tpu.memory_space<vmem>> -> memref<32x128xf32, #tpu.memory_space<vmem>>
      %dma_wait3A_1991 = arith.constant 0 : i32
      %dma_wait3A_1992 = tpu.memref_slice %arg5[%dma_wait3A_1991, %multiple_of3A_1777] : memref<32x1000000xf32, #tpu.memory_space<hbm>> -> memref<32x128xf32, #tpu.memory_space<hbm>>
      %dma_wait3A_1993 = arith.constant 0 : i32
      %dma_wait3A_1994 = arith.constant 0 : i32
      %dma_wait3A_1995 = tpu.memref_slice %arg9[%dma_wait3A_1986, %dma_wait3A_1993, %dma_wait3A_1994] : memref<30x32x128xf32, #tpu.memory_space<vmem>> -> memref<1x32x128xf32, #tpu.memory_space<vmem>>
      %dma_wait3A_1996 = tpu.memref_squeeze %dma_wait3A_1995 : memref<1x32x128xf32, #tpu.memory_space<vmem>> -> memref<32x128xf32, #tpu.memory_space<vmem>>
      %dma_wait3A_1997 = arith.constant 0 : i32
      %dma_wait3A_1998 = tpu.memref_slice %arg5[%dma_wait3A_1997, %multiple_of3A_1777] : memref<32x1000000xf32, #tpu.memory_space<hbm>> -> memref<32x128xf32, #tpu.memory_space<hbm>>
      tpu.wait_dma2 semaphore(%arg13 : memref<!tpu.dma_semaphore, #tpu.memory_space<semaphore_mem>>) src(%dma_wait3A_1998 : memref<32x128xf32, #tpu.memory_space<hbm>>) dst(%dma_wait3A_1996 : memref<32x128xf32, #tpu.memory_space<vmem>>)
      %broadcast_in_dim3A_1999 = arith.constant 0.000000e+00 : f32
      %broadcast_in_dim3A_2000 = vector.broadcast %broadcast_in_dim3A_1999 : f32 to vector<16xf32>
      %broadcast_in_dim3A_2001 = arith.constant 0 : i32
      %broadcast_in_dim3A_2002 = vector.broadcast %broadcast_in_dim3A_2001 : i32 to vector<16xi32>
      %gather3A_2003 = tpu.vector_load_idx %arg9[%select_n3A, %broadcast_in_dim3A_2002, %and3A_27] : memref<30x32x128xf32, #tpu.memory_space<vmem>>[vector<16xi32>, vector<16xi32>, vector<16xi32>], vector<16xf32>,
      %get3A_2004 = arith.constant 0 : i32
      %get3A_2005 = arith.index_cast %get3A_2004 : i32 to index
      %get3A_2006 = arith.constant 0 : index
      %get3A_2007 = tpu.vector_load %arg10[%get3A_2005, %get3A_2006] {strides = array<i32>} : memref<32x16xf32, #tpu.memory_space<vmem>>, vector<16xf32>,
      %mul3A_2008 = arith.mulf %get3A_2007, %gather3A_2003 : vector<16xf32>
      %add3A_2009 = arith.addf %broadcast_in_dim3A_2000, %mul3A_2008 : vector<16xf32>
      %broadcast_in_dim3A_2010 = arith.constant 1 : i32
      %broadcast_in_dim3A_2011 = vector.broadcast %broadcast_in_dim3A_2010 : i32 to vector<16xi32>
      %gather3A_2012 = tpu.vector_load_idx %arg9[%select_n3A, %broadcast_in_dim3A_2011, %and3A_27] : memref<30x32x128xf32, #tpu.memory_space<vmem>>[vector<16xi32>, vector<16xi32>, vector<16xi32>], vector<16xf32>,
      %get3A_2013 = arith.constant 1 : i32
      %get3A_2014 = arith.index_cast %get3A_2013 : i32 to index
      %get3A_2015 = arith.constant 0 : index
      %get3A_2016 = tpu.vector_load %arg10[%get3A_2014, %get3A_2015] {strides = array<i32>} : memref<32x16xf32, #tpu.memory_space<vmem>>, vector<16xf32>,
      %mul3A_2017 = arith.mulf %get3A_2016, %gather3A_2012 : vector<16xf32>
      %add3A_2018 = arith.addf %add3A_2009, %mul3A_2017 : vector<16xf32>
      %broadcast_in_dim3A_2019 = arith.constant 2 : i32
      %broadcast_in_dim3A_2020 = vector.broadcast %broadcast_in_dim3A_2019 : i32 to vector<16xi32>
      %gather3A_2021 = tpu.vector_load_idx %arg9[%select_n3A, %broadcast_in_dim3A_2020, %and3A_27] : memref<30x32x128xf32, #tpu.memory_space<vmem>>[vector<16xi32>, vector<16xi32>, vector<16xi32>], vector<16xf32>,
      %get3A_2022 = arith.constant 2 : i32
      %get3A_2023 = arith.index_cast %get3A_2022 : i32 to index
      %get3A_2024 = arith.constant 0 : index
      %get3A_2025 = tpu.vector_load %arg10[%get3A_2023, %get3A_2024] {strides = array<i32>} : memref<32x16xf32, #tpu.memory_space<vmem>>, vector<16xf32>,
      %mul3A_2026 = arith.mulf %get3A_2025, %gather3A_2021 : vector<16xf32>
      %add3A_2027 = arith.addf %add3A_2018, %mul3A_2026 : vector<16xf32>
      %broadcast_in_dim3A_2028 = arith.constant 3 : i32
      %broadcast_in_dim3A_2029 = vector.broadcast %broadcast_in_dim3A_2028 : i32 to vector<16xi32>
      %gather3A_2030 = tpu.vector_load_idx %arg9[%select_n3A, %broadcast_in_dim3A_2029, %and3A_27] : memref<30x32x128xf32, #tpu.memory_space<vmem>>[vector<16xi32>, vector<16xi32>, vector<16xi32>], vector<16xf32>,
      %get3A_2031 = arith.constant 3 : i32
      %get3A_2032 = arith.index_cast %get3A_2031 : i32 to index
      %get3A_2033 = arith.constant 0 : index
      %get3A_2034 = tpu.vector_load %arg10[%get3A_2032, %get3A_2033] {strides = array<i32>} : memref<32x16xf32, #tpu.memory_space<vmem>>, vector<16xf32>,
      %mul3A_2035 = arith.mulf %get3A_2034, %gather3A_2030 : vector<16xf32>
      %add3A_2036 = arith.addf %add3A_2027, %mul3A_2035 : vector<16xf32>
      %broadcast_in_dim3A_2037 = arith.constant 4 : i32
      %broadcast_in_dim3A_2038 = vector.broadcast %broadcast_in_dim3A_2037 : i32 to vector<16xi32>
      %gather3A_2039 = tpu.vector_load_idx %arg9[%select_n3A, %broadcast_in_dim3A_2038, %and3A_27] : memref<30x32x128xf32, #tpu.memory_space<vmem>>[vector<16xi32>, vector<16xi32>, vector<16xi32>], vector<16xf32>,
      %get3A_2040 = arith.constant 4 : i32
      %get3A_2041 = arith.index_cast %get3A_2040 : i32 to index
      %get3A_2042 = arith.constant 0 : index
      %get3A_2043 = tpu.vector_load %arg10[%get3A_2041, %get3A_2042] {strides = array<i32>} : memref<32x16xf32, #tpu.memory_space<vmem>>, vector<16xf32>,
      %mul3A_2044 = arith.mulf %get3A_2043, %gather3A_2039 : vector<16xf32>
      %add3A_2045 = arith.addf %add3A_2036, %mul3A_2044 : vector<16xf32>
      %broadcast_in_dim3A_2046 = arith.constant 5 : i32
      %broadcast_in_dim3A_2047 = vector.broadcast %broadcast_in_dim3A_2046 : i32 to vector<16xi32>
      %gather3A_2048 = tpu.vector_load_idx %arg9[%select_n3A, %broadcast_in_dim3A_2047, %and3A_27] : memref<30x32x128xf32, #tpu.memory_space<vmem>>[vector<16xi32>, vector<16xi32>, vector<16xi32>], vector<16xf32>,
      %get3A_2049 = arith.constant 5 : i32
      %get3A_2050 = arith.index_cast %get3A_2049 : i32 to index
      %get3A_2051 = arith.constant 0 : index
      %get3A_2052 = tpu.vector_load %arg10[%get3A_2050, %get3A_2051] {strides = array<i32>} : memref<32x16xf32, #tpu.memory_space<vmem>>, vector<16xf32>,
      %mul3A_2053 = arith.mulf %get3A_2052, %gather3A_2048 : vector<16xf32>
      %add3A_2054 = arith.addf %add3A_2045, %mul3A_2053 : vector<16xf32>
      %broadcast_in_dim3A_2055 = arith.constant 6 : i32
      %broadcast_in_dim3A_2056 = vector.broadcast %broadcast_in_dim3A_2055 : i32 to vector<16xi32>
      %gather3A_2057 = tpu.vector_load_idx %arg9[%select_n3A, %broadcast_in_dim3A_2056, %and3A_27] : memref<30x32x128xf32, #tpu.memory_space<vmem>>[vector<16xi32>, vector<16xi32>, vector<16xi32>], vector<16xf32>,
      %get3A_2058 = arith.constant 6 : i32
      %get3A_2059 = arith.index_cast %get3A_2058 : i32 to index
      %get3A_2060 = arith.constant 0 : index
      %get3A_2061 = tpu.vector_load %arg10[%get3A_2059, %get3A_2060] {strides = array<i32>} : memref<32x16xf32, #tpu.memory_space<vmem>>, vector<16xf32>,
      %mul3A_2062 = arith.mulf %get3A_2061, %gather3A_2057 : vector<16xf32>
      %add3A_2063 = arith.addf %add3A_2054, %mul3A_2062 : vector<16xf32>
      %broadcast_in_dim3A_2064 = arith.constant 7 : i32
      %broadcast_in_dim3A_2065 = vector.broadcast %broadcast_in_dim3A_2064 : i32 to vector<16xi32>
      %gather3A_2066 = tpu.vector_load_idx %arg9[%select_n3A, %broadcast_in_dim3A_2065, %and3A_27] : memref<30x32x128xf32, #tpu.memory_space<vmem>>[vector<16xi32>, vector<16xi32>, vector<16xi32>], vector<16xf32>,
      %get3A_2067 = arith.constant 7 : i32
      %get3A_2068 = arith.index_cast %get3A_2067 : i32 to index
      %get3A_2069 = arith.constant 0 : index
      %get3A_2070 = tpu.vector_load %arg10[%get3A_2068, %get3A_2069] {strides = array<i32>} : memref<32x16xf32, #tpu.memory_space<vmem>>, vector<16xf32>,
      %mul3A_2071 = arith.mulf %get3A_2070, %gather3A_2066 : vector<16xf32>
      %add3A_2072 = arith.addf %add3A_2063, %mul3A_2071 : vector<16xf32>
      %broadcast_in_dim3A_2073 = arith.constant 8 : i32
      %broadcast_in_dim3A_2074 = vector.broadcast %broadcast_in_dim3A_2073 : i32 to vector<16xi32>
      %gather3A_2075 = tpu.vector_load_idx %arg9[%select_n3A, %broadcast_in_dim3A_2074, %and3A_27] : memref<30x32x128xf32, #tpu.memory_space<vmem>>[vector<16xi32>, vector<16xi32>, vector<16xi32>], vector<16xf32>,
      %get3A_2076 = arith.constant 8 : i32
      %get3A_2077 = arith.index_cast %get3A_2076 : i32 to index
      %get3A_2078 = arith.constant 0 : index
      %get3A_2079 = tpu.vector_load %arg10[%get3A_2077, %get3A_2078] {strides = array<i32>} : memref<32x16xf32, #tpu.memory_space<vmem>>, vector<16xf32>,
      %mul3A_2080 = arith.mulf %get3A_2079, %gather3A_2075 : vector<16xf32>
      %add3A_2081 = arith.addf %add3A_2072, %mul3A_2080 : vector<16xf32>
      %broadcast_in_dim3A_2082 = arith.constant 9 : i32
      %broadcast_in_dim3A_2083 = vector.broadcast %broadcast_in_dim3A_2082 : i32 to vector<16xi32>
      %gather3A_2084 = tpu.vector_load_idx %arg9[%select_n3A, %broadcast_in_dim3A_2083, %and3A_27] : memref<30x32x128xf32, #tpu.memory_space<vmem>>[vector<16xi32>, vector<16xi32>, vector<16xi32>], vector<16xf32>,
      %get3A_2085 = arith.constant 9 : i32
      %get3A_2086 = arith.index_cast %get3A_2085 : i32 to index
      %get3A_2087 = arith.constant 0 : index
      %get3A_2088 = tpu.vector_load %arg10[%get3A_2086, %get3A_2087] {strides = array<i32>} : memref<32x16xf32, #tpu.memory_space<vmem>>, vector<16xf32>,
      %mul3A_2089 = arith.mulf %get3A_2088, %gather3A_2084 : vector<16xf32>
      %add3A_2090 = arith.addf %add3A_2081, %mul3A_2089 : vector<16xf32>
      %broadcast_in_dim3A_2091 = arith.constant 10 : i32
      %broadcast_in_dim3A_2092 = vector.broadcast %broadcast_in_dim3A_2091 : i32 to vector<16xi32>
      %gather3A_2093 = tpu.vector_load_idx %arg9[%select_n3A, %broadcast_in_dim3A_2092, %and3A_27] : memref<30x32x128xf32, #tpu.memory_space<vmem>>[vector<16xi32>, vector<16xi32>, vector<16xi32>], vector<16xf32>,
      %get3A_2094 = arith.constant 10 : i32
      %get3A_2095 = arith.index_cast %get3A_2094 : i32 to index
      %get3A_2096 = arith.constant 0 : index
      %get3A_2097 = tpu.vector_load %arg10[%get3A_2095, %get3A_2096] {strides = array<i32>} : memref<32x16xf32, #tpu.memory_space<vmem>>, vector<16xf32>,
      %mul3A_2098 = arith.mulf %get3A_2097, %gather3A_2093 : vector<16xf32>
      %add3A_2099 = arith.addf %add3A_2090, %mul3A_2098 : vector<16xf32>
      %broadcast_in_dim3A_2100 = arith.constant 11 : i32
      %broadcast_in_dim3A_2101 = vector.broadcast %broadcast_in_dim3A_2100 : i32 to vector<16xi32>
      %gather3A_2102 = tpu.vector_load_idx %arg9[%select_n3A, %broadcast_in_dim3A_2101, %and3A_27] : memref<30x32x128xf32, #tpu.memory_space<vmem>>[vector<16xi32>, vector<16xi32>, vector<16xi32>], vector<16xf32>,
      %get3A_2103 = arith.constant 11 : i32
      %get3A_2104 = arith.index_cast %get3A_2103 : i32 to index
      %get3A_2105 = arith.constant 0 : index
      %get3A_2106 = tpu.vector_load %arg10[%get3A_2104, %get3A_2105] {strides = array<i32>} : memref<32x16xf32, #tpu.memory_space<vmem>>, vector<16xf32>,
      %mul3A_2107 = arith.mulf %get3A_2106, %gather3A_2102 : vector<16xf32>
      %add3A_2108 = arith.addf %add3A_2099, %mul3A_2107 : vector<16xf32>
      %broadcast_in_dim3A_2109 = arith.constant 12 : i32
      %broadcast_in_dim3A_2110 = vector.broadcast %broadcast_in_dim3A_2109 : i32 to vector<16xi32>
      %gather3A_2111 = tpu.vector_load_idx %arg9[%select_n3A, %broadcast_in_dim3A_2110, %and3A_27] : memref<30x32x128xf32, #tpu.memory_space<vmem>>[vector<16xi32>, vector<16xi32>, vector<16xi32>], vector<16xf32>,
      %get3A_2112 = arith.constant 12 : i32
      %get3A_2113 = arith.index_cast %get3A_2112 : i32 to index
      %get3A_2114 = arith.constant 0 : index
      %get3A_2115 = tpu.vector_load %arg10[%get3A_2113, %get3A_2114] {strides = array<i32>} : memref<32x16xf32, #tpu.memory_space<vmem>>, vector<16xf32>,
      %mul3A_2116 = arith.mulf %get3A_2115, %gather3A_2111 : vector<16xf32>
      %add3A_2117 = arith.addf %add3A_2108, %mul3A_2116 : vector<16xf32>
      %broadcast_in_dim3A_2118 = arith.constant 13 : i32
      %broadcast_in_dim3A_2119 = vector.broadcast %broadcast_in_dim3A_2118 : i32 to vector<16xi32>
      %gather3A_2120 = tpu.vector_load_idx %arg9[%select_n3A, %broadcast_in_dim3A_2119, %and3A_27] : memref<30x32x128xf32, #tpu.memory_space<vmem>>[vector<16xi32>, vector<16xi32>, vector<16xi32>], vector<16xf32>,
      %get3A_2121 = arith.constant 13 : i32
      %get3A_2122 = arith.index_cast %get3A_2121 : i32 to index
      %get3A_2123 = arith.constant 0 : index
      %get3A_2124 = tpu.vector_load %arg10[%get3A_2122, %get3A_2123] {strides = array<i32>} : memref<32x16xf32, #tpu.memory_space<vmem>>, vector<16xf32>,
      %mul3A_2125 = arith.mulf %get3A_2124, %gather3A_2120 : vector<16xf32>
      %add3A_2126 = arith.addf %add3A_2117, %mul3A_2125 : vector<16xf32>
      %broadcast_in_dim3A_2127 = arith.constant 14 : i32
      %broadcast_in_dim3A_2128 = vector.broadcast %broadcast_in_dim3A_2127 : i32 to vector<16xi32>
      %gather3A_2129 = tpu.vector_load_idx %arg9[%select_n3A, %broadcast_in_dim3A_2128, %and3A_27] : memref<30x32x128xf32, #tpu.memory_space<vmem>>[vector<16xi32>, vector<16xi32>, vector<16xi32>], vector<16xf32>,
      %get3A_2130 = arith.constant 14 : i32
      %get3A_2131 = arith.index_cast %get3A_2130 : i32 to index
      %get3A_2132 = arith.constant 0 : index
      %get3A_2133 = tpu.vector_load %arg10[%get3A_2131, %get3A_2132] {strides = array<i32>} : memref<32x16xf32, #tpu.memory_space<vmem>>, vector<16xf32>,
      %mul3A_2134 = arith.mulf %get3A_2133, %gather3A_2129 : vector<16xf32>
      %add3A_2135 = arith.addf %add3A_2126, %mul3A_2134 : vector<16xf32>
      %broadcast_in_dim3A_2136 = arith.constant 15 : i32
      %broadcast_in_dim3A_2137 = vector.broadcast %broadcast_in_dim3A_2136 : i32 to vector<16xi32>
      %gather3A_2138 = tpu.vector_load_idx %arg9[%select_n3A, %broadcast_in_dim3A_2137, %and3A_27] : memref<30x32x128xf32, #tpu.memory_space<vmem>>[vector<16xi32>, vector<16xi32>, vector<16xi32>], vector<16xf32>,
      %get3A_2139 = arith.constant 15 : i32
      %get3A_2140 = arith.index_cast %get3A_2139 : i32 to index
      %get3A_2141 = arith.constant 0 : index
      %get3A_2142 = tpu.vector_load %arg10[%get3A_2140, %get3A_2141] {strides = array<i32>} : memref<32x16xf32, #tpu.memory_space<vmem>>, vector<16xf32>,
      %mul3A_2143 = arith.mulf %get3A_2142, %gather3A_2138 : vector<16xf32>
      %add3A_2144 = arith.addf %add3A_2135, %mul3A_2143 : vector<16xf32>
      %broadcast_in_dim3A_2145 = arith.constant 16 : i32
      %broadcast_in_dim3A_2146 = vector.broadcast %broadcast_in_dim3A_2145 : i32 to vector<16xi32>
      %gather3A_2147 = tpu.vector_load_idx %arg9[%select_n3A, %broadcast_in_dim3A_2146, %and3A_27] : memref<30x32x128xf32, #tpu.memory_space<vmem>>[vector<16xi32>, vector<16xi32>, vector<16xi32>], vector<16xf32>,
      %get3A_2148 = arith.constant 16 : i32
      %get3A_2149 = arith.index_cast %get3A_2148 : i32 to index
      %get3A_2150 = arith.constant 0 : index
      %get3A_2151 = tpu.vector_load %arg10[%get3A_2149, %get3A_2150] {strides = array<i32>} : memref<32x16xf32, #tpu.memory_space<vmem>>, vector<16xf32>,
      %mul3A_2152 = arith.mulf %get3A_2151, %gather3A_2147 : vector<16xf32>
      %add3A_2153 = arith.addf %add3A_2144, %mul3A_2152 : vector<16xf32>
      %broadcast_in_dim3A_2154 = arith.constant 17 : i32
      %broadcast_in_dim3A_2155 = vector.broadcast %broadcast_in_dim3A_2154 : i32 to vector<16xi32>
      %gather3A_2156 = tpu.vector_load_idx %arg9[%select_n3A, %broadcast_in_dim3A_2155, %and3A_27] : memref<30x32x128xf32, #tpu.memory_space<vmem>>[vector<16xi32>, vector<16xi32>, vector<16xi32>], vector<16xf32>,
      %get3A_2157 = arith.constant 17 : i32
      %get3A_2158 = arith.index_cast %get3A_2157 : i32 to index
      %get3A_2159 = arith.constant 0 : index
      %get3A_2160 = tpu.vector_load %arg10[%get3A_2158, %get3A_2159] {strides = array<i32>} : memref<32x16xf32, #tpu.memory_space<vmem>>, vector<16xf32>,
      %mul3A_2161 = arith.mulf %get3A_2160, %gather3A_2156 : vector<16xf32>
      %add3A_2162 = arith.addf %add3A_2153, %mul3A_2161 : vector<16xf32>
      %broadcast_in_dim3A_2163 = arith.constant 18 : i32
      %broadcast_in_dim3A_2164 = vector.broadcast %broadcast_in_dim3A_2163 : i32 to vector<16xi32>
      %gather3A_2165 = tpu.vector_load_idx %arg9[%select_n3A, %broadcast_in_dim3A_2164, %and3A_27] : memref<30x32x128xf32, #tpu.memory_space<vmem>>[vector<16xi32>, vector<16xi32>, vector<16xi32>], vector<16xf32>,
      %get3A_2166 = arith.constant 18 : i32
      %get3A_2167 = arith.index_cast %get3A_2166 : i32 to index
      %get3A_2168 = arith.constant 0 : index
      %get3A_2169 = tpu.vector_load %arg10[%get3A_2167, %get3A_2168] {strides = array<i32>} : memref<32x16xf32, #tpu.memory_space<vmem>>, vector<16xf32>,
      %mul3A_2170 = arith.mulf %get3A_2169, %gather3A_2165 : vector<16xf32>
      %add3A_2171 = arith.addf %add3A_2162, %mul3A_2170 : vector<16xf32>
      %broadcast_in_dim3A_2172 = arith.constant 19 : i32
      %broadcast_in_dim3A_2173 = vector.broadcast %broadcast_in_dim3A_2172 : i32 to vector<16xi32>
      %gather3A_2174 = tpu.vector_load_idx %arg9[%select_n3A, %broadcast_in_dim3A_2173, %and3A_27] : memref<30x32x128xf32, #tpu.memory_space<vmem>>[vector<16xi32>, vector<16xi32>, vector<16xi32>], vector<16xf32>,
      %get3A_2175 = arith.constant 19 : i32
      %get3A_2176 = arith.index_cast %get3A_2175 : i32 to index
      %get3A_2177 = arith.constant 0 : index
      %get3A_2178 = tpu.vector_load %arg10[%get3A_2176, %get3A_2177] {strides = array<i32>} : memref<32x16xf32, #tpu.memory_space<vmem>>, vector<16xf32>,
      %mul3A_2179 = arith.mulf %get3A_2178, %gather3A_2174 : vector<16xf32>
      %add3A_2180 = arith.addf %add3A_2171, %mul3A_2179 : vector<16xf32>
      %broadcast_in_dim3A_2181 = arith.constant 20 : i32
      %broadcast_in_dim3A_2182 = vector.broadcast %broadcast_in_dim3A_2181 : i32 to vector<16xi32>
      %gather3A_2183 = tpu.vector_load_idx %arg9[%select_n3A, %broadcast_in_dim3A_2182, %and3A_27] : memref<30x32x128xf32, #tpu.memory_space<vmem>>[vector<16xi32>, vector<16xi32>, vector<16xi32>], vector<16xf32>,
      %get3A_2184 = arith.constant 20 : i32
      %get3A_2185 = arith.index_cast %get3A_2184 : i32 to index
      %get3A_2186 = arith.constant 0 : index
      %get3A_2187 = tpu.vector_load %arg10[%get3A_2185, %get3A_2186] {strides = array<i32>} : memref<32x16xf32, #tpu.memory_space<vmem>>, vector<16xf32>,
      %mul3A_2188 = arith.mulf %get3A_2187, %gather3A_2183 : vector<16xf32>
      %add3A_2189 = arith.addf %add3A_2180, %mul3A_2188 : vector<16xf32>
      %broadcast_in_dim3A_2190 = arith.constant 21 : i32
      %broadcast_in_dim3A_2191 = vector.broadcast %broadcast_in_dim3A_2190 : i32 to vector<16xi32>
      %gather3A_2192 = tpu.vector_load_idx %arg9[%select_n3A, %broadcast_in_dim3A_2191, %and3A_27] : memref<30x32x128xf32, #tpu.memory_space<vmem>>[vector<16xi32>, vector<16xi32>, vector<16xi32>], vector<16xf32>,
      %get3A_2193 = arith.constant 21 : i32
      %get3A_2194 = arith.index_cast %get3A_2193 : i32 to index
      %get3A_2195 = arith.constant 0 : index
      %get3A_2196 = tpu.vector_load %arg10[%get3A_2194, %get3A_2195] {strides = array<i32>} : memref<32x16xf32, #tpu.memory_space<vmem>>, vector<16xf32>,
      %mul3A_2197 = arith.mulf %get3A_2196, %gather3A_2192 : vector<16xf32>
      %add3A_2198 = arith.addf %add3A_2189, %mul3A_2197 : vector<16xf32>
      %broadcast_in_dim3A_2199 = arith.constant 22 : i32
      %broadcast_in_dim3A_2200 = vector.broadcast %broadcast_in_dim3A_2199 : i32 to vector<16xi32>
      %gather3A_2201 = tpu.vector_load_idx %arg9[%select_n3A, %broadcast_in_dim3A_2200, %and3A_27] : memref<30x32x128xf32, #tpu.memory_space<vmem>>[vector<16xi32>, vector<16xi32>, vector<16xi32>], vector<16xf32>,
      %get3A_2202 = arith.constant 22 : i32
      %get3A_2203 = arith.index_cast %get3A_2202 : i32 to index
      %get3A_2204 = arith.constant 0 : index
      %get3A_2205 = tpu.vector_load %arg10[%get3A_2203, %get3A_2204] {strides = array<i32>} : memref<32x16xf32, #tpu.memory_space<vmem>>, vector<16xf32>,
      %mul3A_2206 = arith.mulf %get3A_2205, %gather3A_2201 : vector<16xf32>
      %add3A_2207 = arith.addf %add3A_2198, %mul3A_2206 : vector<16xf32>
      %broadcast_in_dim3A_2208 = arith.constant 23 : i32
      %broadcast_in_dim3A_2209 = vector.broadcast %broadcast_in_dim3A_2208 : i32 to vector<16xi32>
      %gather3A_2210 = tpu.vector_load_idx %arg9[%select_n3A, %broadcast_in_dim3A_2209, %and3A_27] : memref<30x32x128xf32, #tpu.memory_space<vmem>>[vector<16xi32>, vector<16xi32>, vector<16xi32>], vector<16xf32>,
      %get3A_2211 = arith.constant 23 : i32
      %get3A_2212 = arith.index_cast %get3A_2211 : i32 to index
      %get3A_2213 = arith.constant 0 : index
      %get3A_2214 = tpu.vector_load %arg10[%get3A_2212, %get3A_2213] {strides = array<i32>} : memref<32x16xf32, #tpu.memory_space<vmem>>, vector<16xf32>,
      %mul3A_2215 = arith.mulf %get3A_2214, %gather3A_2210 : vector<16xf32>
      %add3A_2216 = arith.addf %add3A_2207, %mul3A_2215 : vector<16xf32>
      %broadcast_in_dim3A_2217 = arith.constant 24 : i32
      %broadcast_in_dim3A_2218 = vector.broadcast %broadcast_in_dim3A_2217 : i32 to vector<16xi32>
      %gather3A_2219 = tpu.vector_load_idx %arg9[%select_n3A, %broadcast_in_dim3A_2218, %and3A_27] : memref<30x32x128xf32, #tpu.memory_space<vmem>>[vector<16xi32>, vector<16xi32>, vector<16xi32>], vector<16xf32>,
      %get3A_2220 = arith.constant 24 : i32
      %get3A_2221 = arith.index_cast %get3A_2220 : i32 to index
      %get3A_2222 = arith.constant 0 : index
      %get3A_2223 = tpu.vector_load %arg10[%get3A_2221, %get3A_2222] {strides = array<i32>} : memref<32x16xf32, #tpu.memory_space<vmem>>, vector<16xf32>,
      %mul3A_2224 = arith.mulf %get3A_2223, %gather3A_2219 : vector<16xf32>
      %add3A_2225 = arith.addf %add3A_2216, %mul3A_2224 : vector<16xf32>
      %broadcast_in_dim3A_2226 = arith.constant 25 : i32
      %broadcast_in_dim3A_2227 = vector.broadcast %broadcast_in_dim3A_2226 : i32 to vector<16xi32>
      %gather3A_2228 = tpu.vector_load_idx %arg9[%select_n3A, %broadcast_in_dim3A_2227, %and3A_27] : memref<30x32x128xf32, #tpu.memory_space<vmem>>[vector<16xi32>, vector<16xi32>, vector<16xi32>], vector<16xf32>,
      %get3A_2229 = arith.constant 25 : i32
      %get3A_2230 = arith.index_cast %get3A_2229 : i32 to index
      %get3A_2231 = arith.constant 0 : index
      %get3A_2232 = tpu.vector_load %arg10[%get3A_2230, %get3A_2231] {strides = array<i32>} : memref<32x16xf32, #tpu.memory_space<vmem>>, vector<16xf32>,
      %mul3A_2233 = arith.mulf %get3A_2232, %gather3A_2228 : vector<16xf32>
      %add3A_2234 = arith.addf %add3A_2225, %mul3A_2233 : vector<16xf32>
      %broadcast_in_dim3A_2235 = arith.constant 26 : i32
      %broadcast_in_dim3A_2236 = vector.broadcast %broadcast_in_dim3A_2235 : i32 to vector<16xi32>
      %gather3A_2237 = tpu.vector_load_idx %arg9[%select_n3A, %broadcast_in_dim3A_2236, %and3A_27] : memref<30x32x128xf32, #tpu.memory_space<vmem>>[vector<16xi32>, vector<16xi32>, vector<16xi32>], vector<16xf32>,
      %get3A_2238 = arith.constant 26 : i32
      %get3A_2239 = arith.index_cast %get3A_2238 : i32 to index
      %get3A_2240 = arith.constant 0 : index
      %get3A_2241 = tpu.vector_load %arg10[%get3A_2239, %get3A_2240] {strides = array<i32>} : memref<32x16xf32, #tpu.memory_space<vmem>>, vector<16xf32>,
      %mul3A_2242 = arith.mulf %get3A_2241, %gather3A_2237 : vector<16xf32>
      %add3A_2243 = arith.addf %add3A_2234, %mul3A_2242 : vector<16xf32>
      %broadcast_in_dim3A_2244 = arith.constant 27 : i32
      %broadcast_in_dim3A_2245 = vector.broadcast %broadcast_in_dim3A_2244 : i32 to vector<16xi32>
      %gather3A_2246 = tpu.vector_load_idx %arg9[%select_n3A, %broadcast_in_dim3A_2245, %and3A_27] : memref<30x32x128xf32, #tpu.memory_space<vmem>>[vector<16xi32>, vector<16xi32>, vector<16xi32>], vector<16xf32>,
      %get3A_2247 = arith.constant 27 : i32
      %get3A_2248 = arith.index_cast %get3A_2247 : i32 to index
      %get3A_2249 = arith.constant 0 : index
      %get3A_2250 = tpu.vector_load %arg10[%get3A_2248, %get3A_2249] {strides = array<i32>} : memref<32x16xf32, #tpu.memory_space<vmem>>, vector<16xf32>,
      %mul3A_2251 = arith.mulf %get3A_2250, %gather3A_2246 : vector<16xf32>
      %add3A_2252 = arith.addf %add3A_2243, %mul3A_2251 : vector<16xf32>
      %broadcast_in_dim3A_2253 = arith.constant 28 : i32
      %broadcast_in_dim3A_2254 = vector.broadcast %broadcast_in_dim3A_2253 : i32 to vector<16xi32>
      %gather3A_2255 = tpu.vector_load_idx %arg9[%select_n3A, %broadcast_in_dim3A_2254, %and3A_27] : memref<30x32x128xf32, #tpu.memory_space<vmem>>[vector<16xi32>, vector<16xi32>, vector<16xi32>], vector<16xf32>,
      %get3A_2256 = arith.constant 28 : i32
      %get3A_2257 = arith.index_cast %get3A_2256 : i32 to index
      %get3A_2258 = arith.constant 0 : index
      %get3A_2259 = tpu.vector_load %arg10[%get3A_2257, %get3A_2258] {strides = array<i32>} : memref<32x16xf32, #tpu.memory_space<vmem>>, vector<16xf32>,
      %mul3A_2260 = arith.mulf %get3A_2259, %gather3A_2255 : vector<16xf32>
      %add3A_2261 = arith.addf %add3A_2252, %mul3A_2260 : vector<16xf32>
      %broadcast_in_dim3A_2262 = arith.constant 29 : i32
      %broadcast_in_dim3A_2263 = vector.broadcast %broadcast_in_dim3A_2262 : i32 to vector<16xi32>
      %gather3A_2264 = tpu.vector_load_idx %arg9[%select_n3A, %broadcast_in_dim3A_2263, %and3A_27] : memref<30x32x128xf32, #tpu.memory_space<vmem>>[vector<16xi32>, vector<16xi32>, vector<16xi32>], vector<16xf32>,
      %get3A_2265 = arith.constant 29 : i32
      %get3A_2266 = arith.index_cast %get3A_2265 : i32 to index
      %get3A_2267 = arith.constant 0 : index
      %get3A_2268 = tpu.vector_load %arg10[%get3A_2266, %get3A_2267] {strides = array<i32>} : memref<32x16xf32, #tpu.memory_space<vmem>>, vector<16xf32>,
      %mul3A_2269 = arith.mulf %get3A_2268, %gather3A_2264 : vector<16xf32>
      %add3A_2270 = arith.addf %add3A_2261, %mul3A_2269 : vector<16xf32>
      %broadcast_in_dim3A_2271 = arith.constant 30 : i32
      %broadcast_in_dim3A_2272 = vector.broadcast %broadcast_in_dim3A_2271 : i32 to vector<16xi32>
      %gather3A_2273 = tpu.vector_load_idx %arg9[%select_n3A, %broadcast_in_dim3A_2272, %and3A_27] : memref<30x32x128xf32, #tpu.memory_space<vmem>>[vector<16xi32>, vector<16xi32>, vector<16xi32>], vector<16xf32>,
      %get3A_2274 = arith.constant 30 : i32
      %get3A_2275 = arith.index_cast %get3A_2274 : i32 to index
      %get3A_2276 = arith.constant 0 : index
      %get3A_2277 = tpu.vector_load %arg10[%get3A_2275, %get3A_2276] {strides = array<i32>} : memref<32x16xf32, #tpu.memory_space<vmem>>, vector<16xf32>,
      %mul3A_2278 = arith.mulf %get3A_2277, %gather3A_2273 : vector<16xf32>
      %add3A_2279 = arith.addf %add3A_2270, %mul3A_2278 : vector<16xf32>
      %broadcast_in_dim3A_2280 = arith.constant 31 : i32
      %broadcast_in_dim3A_2281 = vector.broadcast %broadcast_in_dim3A_2280 : i32 to vector<16xi32>
      %gather3A_2282 = tpu.vector_load_idx %arg9[%select_n3A, %broadcast_in_dim3A_2281, %and3A_27] : memref<30x32x128xf32, #tpu.memory_space<vmem>>[vector<16xi32>, vector<16xi32>, vector<16xi32>], vector<16xf32>,
      %get3A_2283 = arith.constant 31 : i32
      %get3A_2284 = arith.index_cast %get3A_2283 : i32 to index
      %get3A_2285 = arith.constant 0 : index
      %get3A_2286 = tpu.vector_load %arg10[%get3A_2284, %get3A_2285] {strides = array<i32>} : memref<32x16xf32, #tpu.memory_space<vmem>>, vector<16xf32>,
      %mul3A_2287 = arith.mulf %get3A_2286, %gather3A_2282 : vector<16xf32>
      %add3A_2288 = arith.addf %add3A_2279, %mul3A_2287 : vector<16xf32>
      %mul3A_2289 = arith.constant 16 : i32
      %mul3A_2290 = arith.muli %scan3A_15, %mul3A_2289 : i32
      %swap3A_2291 = arith.index_cast %mul3A_2290 : i32 to index
      %swap3A_2292 = tpu.vector_load %arg11[%swap3A_2291] {strides = array<i32>} : memref<512xf32, #tpu.memory_space<vmem>>, vector<16xf32>,
      tpu.vector_store %arg11[%swap3A_2291], %add3A_2288 {strides = array<i32>} : memref<512xf32, #tpu.memory_space<vmem>>, vector<16xf32>,
    }
    %scan3A_14 = arith.constant 32 : i32
    "tpu.region"() ({
      %run_scoped3A = tpu.sem_alloc : memref<!tpu.dma_semaphore, #tpu.memory_space<semaphore_mem>>
      %dma_start3A = tpu.memref_slice %arg6[%mul3A_2] : memref<16384xf32, #tpu.memory_space<hbm>> -> memref<512xf32, #tpu.memory_space<hbm>>
      %dma_start3A_15 = tpu.memref_slice %arg6[%mul3A_2] : memref<16384xf32, #tpu.memory_space<hbm>> -> memref<512xf32, #tpu.memory_space<hbm>>
      tpu.enqueue_dma source(%arg11 : memref<512xf32, #tpu.memory_space<vmem>>) target(%dma_start3A_15 : memref<512xf32, #tpu.memory_space<hbm>>) target_semaphore(%run_scoped3A : memref<!tpu.dma_semaphore, #tpu.memory_space<semaphore_mem>>)
      %dma_wait3A = tpu.memref_slice %arg6[%mul3A_2] : memref<16384xf32, #tpu.memory_space<hbm>> -> memref<512xf32, #tpu.memory_space<hbm>>
      %dma_wait3A_16 = tpu.memref_slice %arg6[%mul3A_2] : memref<16384xf32, #tpu.memory_space<hbm>> -> memref<512xf32, #tpu.memory_space<hbm>>
      tpu.wait_dma2 semaphore(%run_scoped3A : memref<!tpu.dma_semaphore, #tpu.memory_space<semaphore_mem>>) src(%arg11 : memref<512xf32, #tpu.memory_space<vmem>>) dst(%dma_wait3A_16 : memref<512xf32, #tpu.memory_space<hbm>>)
      tpu.yield
    }) : () -> ()
    return
  }
}

</mosaic_0001>

<sc_bundles>
// kernel: kernel.3.cloned.1.call-start
scs
__scs_entry_jumppad:
0x0: {  	(pc) =	sbr.rel $0x88, $3  }
0x1: {  	(tag) =	ssettag $0x0;
	lr =	simm.s32 $0x1  }
0x2: {  	[smem:$0x3F9E] =	sst lr;
	_ =	strace $0xD0000000  }
0x3: {  	_ = 	snop  }
0x4: {  	_ = 	snop  }
0x5: {  	_ = 	snop  }
0x6: {  	_ = 	snop  }
0x7: {  	_ = 	snop  }
__scs_overlays_trampoline_lowered:
0x8: {  	[smem:$0x3FAD] =	sst s0  }
0x9: {  	[smem:$0x3FAE] =	sst s1  }
0xa: {  	[smem:$0x3FAF] =	sst s2  }
0xb: {  	[smem:$0x3FB0] =	sst s3  }
0xc: {  	[smem:$0x3FB1] =	sst s4  }
0xd: {  	[smem:$0x3FB2] =	sst s5  }
0xe: {  	[smem:$0x3FB3] =	sst s6  }
0xf: {  	[smem:$0x3FB4] =	sst s7  }
0x10: {  	[smem:$0x3FB5] =	sst s8  }
0x11: {  	[smem:$0x3FB6] =	sst s9;
	s0 =	simm.s32 @!p0 $0x0  }
0x12: {  	s1 =	sld [smem:$0x3F9C];
	s0 =	simm.s32 @p0 $0x1  }
0x13: {  	[smem:$0x3FB7] =	sst s0;
	s0 =	simm.s32 @!p1 $0x0  }
0x14: {  	s2 =	sld [smem:$0x3F9B];
	s0 =	simm.s32 @p1 $0x1  }
0x15: {  	[smem:$0x3FB8] =	sst s0;
	s0 =	simm.s32 @!p2 $0x0  }
0x16: {  	s3 =	sld [smem:$0x3FDB];
	s0 =	simm.s32 @p2 $0x1  }
0x17: {  	s4 =	simm.s32 $0x1BF5;
	[smem:$0x3FBA] =	sst s0  }
0x18: {  	s0 =	sld [smem:$0x3F9D];
	_ =	swait.ge [sflag:s4], $0x0  }
0x19: {  	s7 =	sld [smem:$0x3F9E]  }
0x1a: {  	s8 =	sadd.s32 $0xFFFFE003, lr  }
0x1b: {  	s9 =	sadd.s32 $0xFFFFFEF7, lr;
	s5 =	simm.s32 $0xFFFFFFFF;
	p2 =	slt.u32 s8, $0xFFFFF086  }
0x1c: {  	p1 =	slt.u32 s9, $0xF7A;
	s5 =	simm.s32 @!p2 $0x0  }
0x1d: {  	s5 =	simm.s32 @p1 $0x1;
	p0 =	seq.s32 s7, s2  }
0x1e: {  	s7 =	smul.u32 @!p0 $0xF7A, s2;
	p2 =	seq.s32 @!p0 s5, $0x0  }
0x1f: {  	s9 =	smul.u32 $0xF7A, s1;
	s8 =	simm.s32 @!p0 $0x1BF5;
	p2 =	por !p2, p0  }
0x20: {  	[sflag:s8] =	ssyncset.s32 @!p0 $0xFFFFF086;
	s6 =	sadd.s32 @!p0 s3, s7;
	s7 =	simm.s32 @!p0 $0x108  }
0x21: {  	s3 =	sadd.s32 s3, s9;
	s6 =	sadd.s32 @!p0 $0x88, s6;
	s7 =	simm.s32 @p2 $0x1082  }
0x22: {  	[simem:s7], [sflag:s8] =	dma.local @!p0 [hbm:s6], $0xF7A  }
0x23: {  	s9 =	sor.u32 $0xD0000000, s2;
	s6 =	simm.s32 $0x108;
	_ =	swait.ge @!p0 [sflag:s8], $0x0  }
0x24: {  	s3 =	sadd.s32 $0x88, s3;
	s6 =	simm.s32 @!p1 $0x1082;
	[sflag:s4] =	ssyncset.s32 $0xFFFFF086  }
0x25: {  	[simem:s6], [sflag:s4] =	dma.local [hbm:s3], $0xF7A  }
0x26: {  	[smem:$0x3F9E] =	sst s1;
	(tag) =	ssettag s2;
	_ =	strace s9  }
0x27: {  	s1 =	sld [smem:$0x3FAE]  }
0x28: {  	s2 =	sld [smem:$0x3FAF]  }
0x29: {  	s4 =	sld [smem:$0x3FB1]  }
0x2a: {  	p0 =	seq.s32 s5, $0x0;
	s5 =	sld [smem:$0x3FB2]  }
0x2b: {  	s6 =	sld [smem:$0x3FB3]  }
0x2c: {  	s7 =	sld [smem:$0x3FB4]  }
0x2d: {  	s3 =	simm.s32 $0x108;
	s8 =	sld [smem:$0x3FB5]  }
0x2e: {  	s3 =	simm.s32 @!p0 $0x1082;
	s9 =	sld [smem:$0x3FB6]  }
0x2f: {  	lr =	sadd.s32 s0, s3;
	s0 =	sld [smem:$0x3FAD]  }
0x30: {  	s3 =	sld [smem:$0x3FB0]  }
0x31: {  	[smem:$0x3FB9] =	sst s10  }
0x32: {  	s10 =	sld [smem:$0x3FB7];
	_ =	sdelay $0x3  }
0x33: {  	p0 =	seq.s32 s10, $0x1;
	s10 =	sld [smem:$0x3FB9];
	_ =	sdelay $0x3  }
0x34: {  	[smem:$0x3FB9] =	sst s10  }
0x35: {  	s10 =	sld [smem:$0x3FB8];
	_ =	sdelay $0x3  }
0x36: {  	p1 =	seq.s32 s10, $0x1;
	s10 =	sld [smem:$0x3FB9];
	_ =	sdelay $0x3  }
0x37: {  	[smem:$0x3FB9] =	sst s10  }
0x38: {  	s10 =	sld [smem:$0x3FBA]  }
0x39: {  	_ = 	snop;
	(pc) =	sbr.ind lr, $3  }
0x3a: {  	_ = 	snop  }
0x3b: {  	_ = 	snop  }
0x3c: {  	p2 =	seq.s32 s10, $0x1;
	s10 =	sld [smem:$0x3FB9]  }
0x3d: {  	_ =	shalt  }
0x3e: {  	_ =	shalt  }
0x3f: {  	_ =	shalt  }
0x40: {  	_ =	shalt  }
0x41: {  	_ =	shalt  }
0x42: {  	_ =	shalt  }
0x43: {  	_ =	shalt  }
0x44: {  	_ =	shalt  }
0x45: {  	_ =	shalt  }
0x46: {  	_ =	shalt  }
0x47: {  	_ =	shalt  }
0x48: {  	_ =	shalt  }
0x49: {  	_ =	shalt  }
0x4a: {  	_ =	shalt  }
0x4b: {  	_ =	shalt  }
0x4c: {  	_ =	shalt  }
0x4d: {  	_ =	shalt  }
0x4e: {  	_ =	shalt  }
0x4f: {  	_ =	shalt  }
0x50: {  	_ =	shalt  }
0x51: {  	_ =	shalt  }
0x52: {  	_ =	shalt  }
0x53: {  	_ =	shalt  }
0x54: {  	_ =	shalt  }
0x55: {  	_ =	shalt  }
0x56: {  	_ =	shalt  }
0x57: {  	_ =	shalt  }
0x58: {  	_ =	shalt  }
0x59: {  	_ =	shalt  }
0x5a: {  	_ =	shalt  }
0x5b: {  	_ =	shalt  }
0x5c: {  	_ =	shalt  }
0x5d: {  	_ =	shalt  }
0x5e: {  	_ =	shalt  }
0x5f: {  	_ =	shalt  }
0x60: {  	_ =	shalt  }
0x61: {  	_ =	shalt  }
0x62: {  	_ =	shalt  }
0x63: {  	_ =	shalt  }
0x64: {  	_ =	shalt  }
0x65: {  	_ =	shalt  }
0x66: {  	_ =	shalt  }
0x67: {  	_ =	shalt  }
0x68: {  	_ =	shalt  }
0x69: {  	_ =	shalt  }
0x6a: {  	_ =	shalt  }
0x6b: {  	_ =	shalt  }
0x6c: {  	_ =	shalt  }
0x6d: {  	_ =	shalt  }
0x6e: {  	_ =	shalt  }
0x6f: {  	_ =	shalt  }
0x70: {  	_ =	shalt  }
0x71: {  	_ =	shalt  }
0x72: {  	_ =	shalt  }
0x73: {  	_ =	shalt  }
0x74: {  	_ =	shalt  }
0x75: {  	_ =	shalt  }
0x76: {  	_ =	shalt  }
0x77: {  	_ =	shalt  }
0x78: {  	_ =	shalt  }
0x79: {  	_ =	shalt  }
0x7a: {  	_ =	shalt  }
0x7b: {  	_ =	shalt  }
0x7c: {  	_ =	shalt  }
0x7d: {  	_ =	shalt  }
0x7e: {  	_ =	shalt  }
0x7f: {  	_ =	shalt  }
0x80: {  	_ =	shalt  }
0x81: {  	_ =	shalt  }
0x82: {  	_ =	shalt  }
0x83: {  	_ =	shalt  }
0x84: {  	_ =	shalt  }
0x85: {  	_ =	shalt  }
0x86: {  	_ =	shalt  }
0x87: {  	_ =	shalt  }
.Lfunc_end0:
.L_simem_size_0:
called_computation_lowered:
.L_overlay_start_0:
0x88: {  	s2 =	sld [smem:$0x3FD9]  }
0x89: {  	s3 =	sld [smem:$0x3FFE];
	_ =	sdelay $0x1  }
0x8a: {  	s1 =	srdreg.scid  }
0x8b: {  	s0 =	sand.u32 $0x1, s1  }
0x8c: {  	s17 =	sshll.u32 s0, $0xA;
	s2 =	sadd.s32 s3, s2  }
0x8d: {  	s2 =	sadd.s32 s2, s17  }
0x8e: {  	[smem:$0x3FC5] =	sst s2  }
0x8f: {  	_ = 	snop  }
0x90: {  	s2 =	sld [smem:$0x3FC8]  }
0x91: {  	s18 =	sld [smem:$0x3FC7]  }
0x92: {  	s4 =	sld [smem:$0x3FD0];
	(tm) =	ssettm $0x1  }
0x93: {  	s5 =	sld [smem:$0x3FFB];
	_ =	sdelay $0x3  }
0x94: {  	_ =	strace s5  }
0x95: {  	s5 =	sld [smem:$0x3FFC];
	_ =	sdelay $0x3  }
0x96: {  	_ =	strace s5  }
0x97: {  	s5 =	sld [smem:$0x3FFD];
	_ =	sdelay $0x3  }
0x98: {  	_ =	strace s5  }
0x99: {  	_ =	strace $0x8FFFFFFF  }
0x9a: {  	s19 =	sld [smem:$0x3FDB];
	_ =	sdelay $0x1  }
0x9b: {  	s6 =	simm.s32 $_scs_section_size  }
0x9c: {  	s7 =	simm.s32 $_size__tile_overlayer_lowered;
	s8 =	simm.s32 $_tile_overlayer_lowered  }
0x9d: {  	s22 =	simm.s32 $0x1BFF;
	s21 =	sshll.u32 s8, $0x1;
	s5 =	sadd.s32 s6, s19  }
0x9e: {  	s9 =	simm.s32 $0x0;
	s20 =	sshll.u32 s7, $0x1;
	s7 =	sadd.s32 s21, s5  }
0x9f: {  	[timem:s9], [sflag:s22] =	dma.local [hbm:s7], s20  }
0xa0: {  	_ =	swait.ge [sflag:s22], s20  }
0xa1: {  	s6 =	ssub.s32 $0x0, s20;
	[sflag:s22] =	ssyncset.done $0x0  }
0xa2: {  	[sflag:s22] =	ssyncadd.s32 s6;
	_ =	sdelay $0x1  }
0xa3: {  	s23 =	simm.s32 $0x1B8B  }
0xa4: {  	_ =	swait.ge [sflag:s23], $0x1  }
0xa5: {  	[sflag:s23] =	ssyncset.done $0x0  }
0xa6: {  	s25 =	simm.s32 $0x1B8E;
	s24 =	sld [smem:$0x3FFE];
	[sflag:s23] =	ssyncadd.s32 $0xFFFFFFFF  }
0xa7: {  	s26 =	simm.s32 $execute0_lowered;
	[smem:$0x3FD2] =	sst s25  }
0xa8: {  	s7 =	sshll.u32 s26, $0x1;
	_ =	strace $0x80000046;
	[dreg:$0x1] =	wrdreg $0xFFFFFFFF  }
0xa9: {  	s28 =	simm.s32 $_size_execute0_lowered;
	s5 =	sadd.s32 s5, s7;
	[dreg:$0x0] =	wrdreg $0x0  }
0xaa: {  	s7 =	sshll.u32 s28, $0x1;
	[dreg:$0x2] =	wrdreg s5  }
0xab: {  	[dreg:$0x3] =	wrdreg s7  }
0xac: {  	[dreg:$0x4] =	wrdreg $0xC0  }
0xad: {  	_ =	task [dreg:s9], $0x5FFFF  }
0xae: {  	[dreg:$0x1] =	wrdreg $0xFFFFFFFF  }
0xaf: {  	[dreg:$0x0] =	wrdreg $0x60  }
0xb0: {  	[dreg:$0x2] =	wrdreg s24  }
0xb1: {  	[dreg:$0x3] =	wrdreg s2  }
0xb2: {  	[dreg:$0x4] =	wrdreg s18  }
0xb3: {  	[dreg:$0x5] =	wrdreg s4  }
0xb4: {  	[dreg:$0x6] =	wrdreg $0x9  }
0xb5: {  	_ =	task.clear_ibuf [dreg:s9], $0x7FFFF;
	_ =	strace $0x90000046  }
0xb6: {  	s29 =	simm.s32 $0x9;
	_ =	strace $0x80000048  }
0xb7: {  	_ =	swait.ge [sflag:s29], $0x1  }
0xb8: {  	[sflag:s29] =	ssyncadd.s32 $0xFFFFFFFF  }
0xb9: {  	_ =	strace $0x90000048  }
0xba: {  	_ =	sfence  }
0xbb: {  	s30 =	sld [smem:$0x0];
	_ =	sdelay $0x2  }
0xbc: {  	s31 =	sshll.u32 s1, $0xD;
	s1 =	sshrl.u32 s1, $0x2  }
0xbd: {  	s3 =	sand.u32 $0x4000, s31;
	s1 =	sadd.s32 s1, s30  }
0xbe: {  	s0 =	sor.u32 s3, s0;
	s1 =	sshll.u32 s1, $0x11  }
0xbf: {  	s0 =	sor.u32 s1, s0  }
0xc0: {  	s0 =	sadd.s32 $0x8F2B, s0  }
0xc1: {  	[sflag:s0] =	ssyncadd.remote.s32 $0x1  }
0xc2: {  	_ =	sfence.sel $0xFFFF  }
0xc3: {  	[dreg:$0x0] =	wrdreg $0xFFFFFFFF;
	(pc) =	sbr.abs _section_cstart, $3  }
0xc4: {  	[dreg:$0x1] =	wrdreg $0xFFFFFFFF  }
0xc5: {  	_ =	task.clear_ibuf [dreg:s9], $0x2FFFF;
	_ =	strace $0x9FFFFFFF  }
0xc6: {  	(tm) =	ssettm $0x7FFFFFFF  }
0xc7: {  	_ =	shalt  }
tec
execute0_lowered:
.L_overlay_start_1:
0x0: {  	(tag) =	ssettag $0x1  }
0x1: {  	v1 =	vimm.s32 $0x1000;
	vm14 =	vcmask $0x300  }
0x2: {  	v2 =	vimm.s32 $0x1080;
	vm13 =	vcmask $0x704;
	v1 =	vsel vm14, $0x10000, v1  }
0x3: {  	vm12 =	vcmask $0xB08;
	v2 =	vsel vm14, $0x10080, v2;
	v1 =	vsel vm13, $0x11000, v1  }
0x4: {  	vm11 =	vcmask $0xF0C;
	v2 =	vsel vm13, $0x11080, v2;
	v1 =	vsel vm12, $0x12000, v1  }
0x5: {  	vm10 =	vcmask $0x1310;
	v2 =	vsel vm12, $0x12080, v2;
	v1 =	vsel vm11, $0x13000, v1  }
0x6: {  	vm9 =	vcmask $0x1714;
	v2 =	vsel vm11, $0x13080, v2;
	v1 =	vsel vm10, $0x14000, v1  }
0x7: {  	vm8 =	vcmask $0x1B18;
	v2 =	vsel vm10, $0x14080, v2;
	v1 =	vsel vm9, $0x15000, v1  }
0x8: {  	vm7 =	vcmask $0x1F1C;
	v2 =	vsel vm9, $0x15080, v2;
	v1 =	vsel vm8, $0x16000, v1  }
0x9: {  	vm6 =	vcmask $0x2320;
	v2 =	vsel vm8, $0x16080, v2;
	v1 =	vsel vm7, $0x17000, v1  }
0xa: {  	vm5 =	vcmask $0x2724;
	v2 =	vsel vm7, $0x17080, v2;
	v1 =	vsel vm6, $0x18000, v1  }
0xb: {  	vm4 =	vcmask $0x2B28;
	v2 =	vsel vm6, $0x18080, v2;
	v1 =	vsel vm5, $0x19000, v1  }
0xc: {  	vm3 =	vcmask $0x2F2C;
	v2 =	vsel vm5, $0x19080, v2;
	v1 =	vsel vm4, $0x1A000, v1  }
0xd: {  	vm2 =	vcmask $0x3330;
	v2 =	vsel vm4, $0x1A080, v2;
	v1 =	vsel vm3, $0x1B000, v1  }
0xe: {  	vm1 =	vcmask $0x3734;
	v2 =	vsel vm3, $0x1B080, v2;
	v1 =	vsel vm2, $0x1C000, v1  }
0xf: {  	vm0 =	vcmask $0x3B38;
	v2 =	vsel vm2, $0x1C080, v2;
	v1 =	vsel vm1, $0x1D000, v1  }
0x10: {  	v2 =	vsel vm1, $0x1D080, v2;
	v41 =	vsel vm0, $0x0, v1  }
0x11: {  	v44 =	vsel vm0, $0x80, v2;
	v1 =	vimm.s32 $0x1100;
	v2 =	vimm.s32 $0x1180  }
0x12: {  	v34 =	vimm.s32 $0x1200;
	v1 =	vsel vm14, $0x10100, v1;
	v2 =	vsel vm14, $0x10180, v2  }
0x13: {  	v34 =	vsel vm14, $0x10200, v34;
	v1 =	vsel vm13, $0x11100, v1;
	v2 =	vsel vm13, $0x11180, v2  }
0x14: {  	v34 =	vsel vm13, $0x11200, v34;
	v1 =	vsel vm12, $0x12100, v1;
	v2 =	vsel vm12, $0x12180, v2  }
0x15: {  	v34 =	vsel vm12, $0x12200, v34;
	v1 =	vsel vm11, $0x13100, v1;
	v2 =	vsel vm11, $0x13180, v2  }
0x16: {  	v34 =	vsel vm11, $0x13200, v34;
	v1 =	vsel vm10, $0x14100, v1;
	v2 =	vsel vm10, $0x14180, v2  }
0x17: {  	v34 =	vsel vm10, $0x14200, v34;
	v1 =	vsel vm9, $0x15100, v1;
	v2 =	vsel vm9, $0x15180, v2  }
0x18: {  	v34 =	vsel vm9, $0x15200, v34;
	v1 =	vsel vm8, $0x16100, v1;
	v2 =	vsel vm8, $0x16180, v2  }
0x19: {  	v34 =	vsel vm8, $0x16200, v34;
	v1 =	vsel vm7, $0x17100, v1;
	v2 =	vsel vm7, $0x17180, v2  }
0x1a: {  	v34 =	vsel vm7, $0x17200, v34;
	v1 =	vsel vm6, $0x18100, v1;
	v2 =	vsel vm6, $0x18180, v2  }
0x1b: {  	v34 =	vsel vm6, $0x18200, v34;
	v1 =	vsel vm5, $0x19100, v1;
	v2 =	vsel vm5, $0x19180, v2  }
0x1c: {  	v34 =	vsel vm5, $0x19200, v34;
	v1 =	vsel vm4, $0x1A100, v1;
	v2 =	vsel vm4, $0x1A180, v2  }
0x1d: {  	v34 =	vsel vm4, $0x1A200, v34;
	v1 =	vsel vm3, $0x1B100, v1;
	v2 =	vsel vm3, $0x1B180, v2  }
0x1e: {  	v34 =	vsel vm3, $0x1B200, v34;
	v1 =	vsel vm2, $0x1C100, v1;
	v2 =	vsel vm2, $0x1C180, v2  }
0x1f: {  	v34 =	vsel vm2, $0x1C200, v34;
	v1 =	vsel vm1, $0x1D100, v1;
	v2 =	vsel vm1, $0x1D180, v2  }
0x20: {  	v36 =	vsel vm1, $0x1D200, v34;
	v34 =	vsel vm0, $0x100, v1;
	v1 =	vsel vm0, $0x180, v2  }
0x21: {  	v2 =	vimm.s32 $0x1300;
	[tilespmem:$0x1FE60] =	vst v1;
	v1 =	vimm.s32 $0x1280  }
0x22: {  	v37 =	vimm.s32 $0x1380;
	v2 =	vsel vm14, $0x10300, v2;
	v1 =	vsel vm14, $0x10280, v1  }
0x23: {  	v37 =	vsel vm14, $0x10380, v37;
	v2 =	vsel vm13, $0x11300, v2;
	v1 =	vsel vm13, $0x11280, v1  }
0x24: {  	v37 =	vsel vm13, $0x11380, v37;
	v2 =	vsel vm12, $0x12300, v2;
	v1 =	vsel vm12, $0x12280, v1  }
0x25: {  	v37 =	vsel vm12, $0x12380, v37;
	v2 =	vsel vm11, $0x13300, v2;
	v1 =	vsel vm11, $0x13280, v1  }
0x26: {  	v37 =	vsel vm11, $0x13380, v37;
	v2 =	vsel vm10, $0x14300, v2;
	v1 =	vsel vm10, $0x14280, v1  }
0x27: {  	v37 =	vsel vm10, $0x14380, v37;
	v2 =	vsel vm9, $0x15300, v2;
	v1 =	vsel vm9, $0x15280, v1  }
0x28: {  	v37 =	vsel vm9, $0x15380, v37;
	v2 =	vsel vm8, $0x16300, v2;
	v1 =	vsel vm8, $0x16280, v1  }
0x29: {  	v37 =	vsel vm8, $0x16380, v37;
	v2 =	vsel vm7, $0x17300, v2;
	v1 =	vsel vm7, $0x17280, v1  }
0x2a: {  	v37 =	vsel vm7, $0x17380, v37;
	v2 =	vsel vm6, $0x18300, v2;
	v1 =	vsel vm6, $0x18280, v1  }
0x2b: {  	v37 =	vsel vm6, $0x18380, v37;
	v2 =	vsel vm5, $0x19300, v2;
	v1 =	vsel vm5, $0x19280, v1  }
0x2c: {  	v37 =	vsel vm5, $0x19380, v37;
	v2 =	vsel vm4, $0x1A300, v2;
	v1 =	vsel vm4, $0x1A280, v1  }
0x2d: {  	v37 =	vsel vm4, $0x1A380, v37;
	v2 =	vsel vm3, $0x1B300, v2;
	v1 =	vsel vm3, $0x1B280, v1  }
0x2e: {  	v37 =	vsel vm3, $0x1B380, v37;
	v2 =	vsel vm2, $0x1C300, v2;
	v1 =	vsel vm2, $0x1C280, v1  }
0x2f: {  	v37 =	vsel vm2, $0x1C380, v37;
	v2 =	vsel vm1, $0x1D300, v2;
	v1 =	vsel vm1, $0x1D280, v1  }
0x30: {  	v39 =	vsel vm1, $0x1D380, v37;
	v37 =	vsel vm0, $0x280, v1;
	v1 =	vsel vm0, $0x300, v2  }
0x31: {  	[tilespmem:$0x1FE70] =	vst v1;
	v1 =	vsel vm0, $0x380, v39  }
0x32: {  	[tilespmem:$0x1FE80] =	vst v1;
	v1 =	vimm.s32 $0x1400  }
0x33: {  	v2 =	vimm.s32 $0x1480;
	v1 =	vsel vm14, $0x10400, v1  }
0x34: {  	v40 =	vimm.s32 $0x1500;
	v2 =	vsel vm14, $0x10480, v2;
	v1 =	vsel vm13, $0x11400, v1  }
0x35: {  	v40 =	vsel vm14, $0x10500, v40;
	v2 =	vsel vm13, $0x11480, v2;
	v1 =	vsel vm12, $0x12400, v1  }
0x36: {  	v40 =	vsel vm13, $0x11500, v40;
	v2 =	vsel vm12, $0x12480, v2;
	v1 =	vsel vm11, $0x13400, v1  }
0x37: {  	v40 =	vsel vm12, $0x12500, v40;
	v2 =	vsel vm11, $0x13480, v2;
	v1 =	vsel vm10, $0x14400, v1  }
0x38: {  	v40 =	vsel vm11, $0x13500, v40;
	v2 =	vsel vm10, $0x14480, v2;
	v1 =	vsel vm9, $0x15400, v1  }
0x39: {  	v40 =	vsel vm10, $0x14500, v40;
	v2 =	vsel vm9, $0x15480, v2;
	v1 =	vsel vm8, $0x16400, v1  }
0x3a: {  	v40 =	vsel vm9, $0x15500, v40;
	v2 =	vsel vm8, $0x16480, v2;
	v1 =	vsel vm7, $0x17400, v1  }
0x3b: {  	v40 =	vsel vm8, $0x16500, v40;
	v2 =	vsel vm7, $0x17480, v2;
	v1 =	vsel vm6, $0x18400, v1  }
0x3c: {  	v40 =	vsel vm7, $0x17500, v40;
	v2 =	vsel vm6, $0x18480, v2;
	v1 =	vsel vm5, $0x19400, v1  }
0x3d: {  	v40 =	vsel vm6, $0x18500, v40;
	v2 =	vsel vm5, $0x19480, v2;
	v1 =	vsel vm4, $0x1A400, v1  }
0x3e: {  	v40 =	vsel vm5, $0x19500, v40;
	v2 =	vsel vm4, $0x1A480, v2;
	v1 =	vsel vm3, $0x1B400, v1  }
0x3f: {  	v40 =	vsel vm4, $0x1A500, v40;
	v2 =	vsel vm3, $0x1B480, v2;
	v1 =	vsel vm2, $0x1C400, v1  }
0x40: {  	v40 =	vsel vm3, $0x1B500, v40;
	v2 =	vsel vm2, $0x1C480, v2;
	v1 =	vsel vm1, $0x1D400, v1  }
0x41: {  	v40 =	vsel vm2, $0x1C500, v40;
	v2 =	vsel vm1, $0x1D480, v2;
	v1 =	vsel vm0, $0x400, v1  }
0x42: {  	v42 =	vsel vm1, $0x1D500, v40;
	[tilespmem:$0x1FE90] =	vst v1;
	v1 =	vsel vm0, $0x480, v2  }
0x43: {  	[tilespmem:$0x1FEA0] =	vst v1;
	v1 =	vsel vm0, $0x500, v42  }
0x44: {  	[tilespmem:$0x1FEB0] =	vst v1;
	v1 =	vimm.s32 $0x1580  }
0x45: {  	v2 =	vimm.s32 $0x1600;
	v1 =	vsel vm14, $0x10580, v1  }
0x46: {  	v43 =	vimm.s32 $0x1680;
	v2 =	vsel vm14, $0x10600, v2;
	v1 =	vsel vm13, $0x11580, v1  }
0x47: {  	v43 =	vsel vm14, $0x10680, v43;
	v2 =	vsel vm13, $0x11600, v2;
	v1 =	vsel vm12, $0x12580, v1  }
0x48: {  	v43 =	vsel vm13, $0x11680, v43;
	v2 =	vsel vm12, $0x12600, v2;
	v1 =	vsel vm11, $0x13580, v1  }
0x49: {  	v43 =	vsel vm12, $0x12680, v43;
	v2 =	vsel vm11, $0x13600, v2;
	v1 =	vsel vm10, $0x14580, v1  }
0x4a: {  	v43 =	vsel vm11, $0x13680, v43;
	v2 =	vsel vm10, $0x14600, v2;
	v1 =	vsel vm9, $0x15580, v1  }
0x4b: {  	v43 =	vsel vm10, $0x14680, v43;
	v2 =	vsel vm9, $0x15600, v2;
	v1 =	vsel vm8, $0x16580, v1  }
0x4c: {  	v43 =	vsel vm9, $0x15680, v43;
	v2 =	vsel vm8, $0x16600, v2;
	v1 =	vsel vm7, $0x17580, v1  }
0x4d: {  	v43 =	vsel vm8, $0x16680, v43;
	v2 =	vsel vm7, $0x17600, v2;
	v1 =	vsel vm6, $0x18580, v1  }
0x4e: {  	v43 =	vsel vm7, $0x17680, v43;
	v2 =	vsel vm6, $0x18600, v2;
	v1 =	vsel vm5, $0x19580, v1  }
0x4f: {  	v43 =	vsel vm6, $0x18680, v43;
	v2 =	vsel vm5, $0x19600, v2;
	v1 =	vsel vm4, $0x1A580, v1  }
0x50: {  	v43 =	vsel vm5, $0x19680, v43;
	v2 =	vsel vm4, $0x1A600, v2;
	v1 =	vsel vm3, $0x1B580, v1  }
0x51: {  	v43 =	vsel vm4, $0x1A680, v43;
	v2 =	vsel vm3, $0x1B600, v2;
	v1 =	vsel vm2, $0x1C580, v1  }
0x52: {  	v43 =	vsel vm3, $0x1B680, v43;
	v2 =	vsel vm2, $0x1C600, v2;
	v1 =	vsel vm1, $0x1D580, v1  }
0x53: {  	v43 =	vsel vm2, $0x1C680, v43;
	v2 =	vsel vm1, $0x1D600, v2;
	v1 =	vsel vm0, $0x580, v1  }
0x54: {  	v45 =	vsel vm1, $0x1D680, v43;
	[tilespmem:$0x1FEC0] =	vst v1;
	v1 =	vsel vm0, $0x600, v2  }
0x55: {  	[tilespmem:$0x1FED0] =	vst v1;
	v1 =	vsel vm0, $0x680, v45  }
0x56: {  	[tilespmem:$0x1FEE0] =	vst v1;
	v1 =	vimm.s32 $0x1700  }
0x57: {  	v0 =	vlaneseq.u32;
	v2 =	vimm.s32 $0x1780;
	v1 =	vsel vm14, $0x10700, v1  }
0x58: {  	v46 =	vimm.s32 $0x1800;
	v2 =	vsel vm14, $0x10780, v2;
	v1 =	vsel vm13, $0x11700, v1  }
0x59: {  	v46 =	vsel vm14, $0x10800, v46;
	v2 =	vsel vm13, $0x11780, v2;
	v1 =	vsel vm12, $0x12700, v1  }
0x5a: {  	v46 =	vsel vm13, $0x11800, v46;
	v2 =	vsel vm12, $0x12780, v2;
	v1 =	vsel vm11, $0x13700, v1  }
0x5b: {  	v46 =	vsel vm12, $0x12800, v46;
	v2 =	vsel vm11, $0x13780, v2;
	v1 =	vsel vm10, $0x14700, v1  }
0x5c: {  	v46 =	vsel vm11, $0x13800, v46;
	v2 =	vsel vm10, $0x14780, v2;
	v1 =	vsel vm9, $0x15700, v1  }
0x5d: {  	v46 =	vsel vm10, $0x14800, v46;
	v2 =	vsel vm9, $0x15780, v2;
	v1 =	vsel vm8, $0x16700, v1  }
0x5e: {  	v46 =	vsel vm9, $0x15800, v46;
	v2 =	vsel vm8, $0x16780, v2;
	v1 =	vsel vm7, $0x17700, v1  }
0x5f: {  	v46 =	vsel vm8, $0x16800, v46;
	v2 =	vsel vm7, $0x17780, v2;
	v1 =	vsel vm6, $0x18700, v1  }
0x60: {  	v46 =	vsel vm7, $0x17800, v46;
	v2 =	vsel vm6, $0x18780, v2;
	v1 =	vsel vm5, $0x19700, v1  }
0x61: {  	v46 =	vsel vm6, $0x18800, v46;
	v2 =	vsel vm5, $0x19780, v2;
	v1 =	vsel vm4, $0x1A700, v1  }
0x62: {  	v46 =	vsel vm5, $0x19800, v46;
	v2 =	vsel vm4, $0x1A780, v2;
	v1 =	vsel vm3, $0x1B700, v1  }
0x63: {  	v46 =	vsel vm4, $0x1A800, v46;
	v2 =	vsel vm3, $0x1B780, v2;
	v1 =	vsel vm2, $0x1C700, v1  }
0x64: {  	v46 =	vsel vm3, $0x1B800, v46;
	v2 =	vsel vm2, $0x1C780, v2;
	v1 =	vsel vm1, $0x1D700, v1  }
0x65: {  	v46 =	vsel vm2, $0x1C800, v46;
	v2 =	vsel vm1, $0x1D780, v2;
	v1 =	vsel vm0, $0x700, v1  }
0x66: {  	v49 =	vimm.s32 $0x1980;
	v48 =	vsel vm1, $0x1D800, v46;
	[tilespmem:$0x1FEF0] =	vst v1;
	v1 =	vsel vm0, $0x780, v2  }
0x67: {  	v52 =	vimm.s32 $0x1B00;
	v55 =	vimm.s32 $0x1C80;
	[tilespmem:$0x1FF00] =	vst v1;
	v1 =	vsel vm0, $0x800, v48  }
0x68: {  	v58 =	vimm.s32 $0x1E00;
	v61 =	vimm.s32 $0x1F80;
	[tilespmem:$0x1FF10] =	vst v1;
	v1 =	vimm.s32 $0x1880  }
0x69: {  	v0 =	vmul.u32 $0x1000, v0;
	v2 =	vimm.s32 $0x1900;
	v1 =	vsel vm14, $0x10880, v1  }
0x6a: {  	v49 =	vsel vm14, $0x10980, v49;
	v2 =	vsel vm14, $0x10900, v2;
	v1 =	vsel vm13, $0x11880, v1  }
0x6b: {  	v52 =	vsel vm14, $0x10B00, v52;
	v2 =	vsel vm13, $0x11900, v2;
	v1 =	vsel vm12, $0x12880, v1  }
0x6c: {  	v49 =	vsel vm13, $0x11980, v49;
	v2 =	vsel vm12, $0x12900, v2;
	v1 =	vsel vm11, $0x13880, v1  }
0x6d: {  	v49 =	vsel vm12, $0x12980, v49;
	v2 =	vsel vm11, $0x13900, v2;
	v1 =	vsel vm10, $0x14880, v1  }
0x6e: {  	v49 =	vsel vm11, $0x13980, v49;
	v2 =	vsel vm10, $0x14900, v2;
	v1 =	vsel vm9, $0x15880, v1  }
0x6f: {  	v49 =	vsel vm10, $0x14980, v49;
	v2 =	vsel vm9, $0x15900, v2;
	v1 =	vsel vm8, $0x16880, v1  }
0x70: {  	v49 =	vsel vm9, $0x15980, v49;
	v2 =	vsel vm8, $0x16900, v2;
	v1 =	vsel vm7, $0x17880, v1  }
0x71: {  	v49 =	vsel vm8, $0x16980, v49;
	v2 =	vsel vm7, $0x17900, v2;
	v1 =	vsel vm6, $0x18880, v1  }
0x72: {  	v49 =	vsel vm7, $0x17980, v49;
	v2 =	vsel vm6, $0x18900, v2;
	v1 =	vsel vm5, $0x19880, v1  }
0x73: {  	v49 =	vsel vm6, $0x18980, v49;
	v2 =	vsel vm5, $0x19900, v2;
	v1 =	vsel vm4, $0x1A880, v1  }
0x74: {  	v49 =	vsel vm5, $0x19980, v49;
	v2 =	vsel vm4, $0x1A900, v2;
	v1 =	vsel vm3, $0x1B880, v1  }
0x75: {  	v49 =	vsel vm4, $0x1A980, v49;
	v2 =	vsel vm3, $0x1B900, v2;
	v1 =	vsel vm2, $0x1C880, v1  }
0x76: {  	v49 =	vsel vm3, $0x1B980, v49;
	v2 =	vsel vm2, $0x1C900, v2;
	v1 =	vsel vm1, $0x1D880, v1  }
0x77: {  	v49 =	vsel vm2, $0x1C980, v49;
	v2 =	vsel vm1, $0x1D900, v2;
	v1 =	vsel vm0, $0x880, v1  }
0x78: {  	v55 =	vsel vm14, $0x10C80, v55;
	v51 =	vsel vm1, $0x1D980, v49;
	[tilespmem:$0x1FF20] =	vst v1;
	v1 =	vsel vm0, $0x900, v2  }
0x79: {  	v58 =	vsel vm14, $0x10E00, v58;
	v61 =	vsel vm14, $0x10F80, v61;
	[tilespmem:$0x1FF30] =	vst v1;
	v1 =	vsel vm0, $0x980, v51  }
0x7a: {  	v52 =	vsel vm13, $0x11B00, v52;
	v55 =	vsel vm13, $0x11C80, v55;
	[tilespmem:$0x1FF40] =	vst v1;
	v1 =	vimm.s32 $0x1A00  }
0x7b: {  	v58 =	vsel vm13, $0x11E00, v58;
	v2 =	vimm.s32 $0x1A80;
	v1 =	vsel vm14, $0x10A00, v1  }
0x7c: {  	v61 =	vsel vm13, $0x11F80, v61;
	v2 =	vsel vm14, $0x10A80, v2;
	v1 =	vsel vm13, $0x11A00, v1  }
0x7d: {  	v13 =	vor.u32 $0x80, v0;
	v2 =	vsel vm13, $0x11A80, v2;
	v1 =	vsel vm12, $0x12A00, v1  }
0x7e: {  	v5 =	vor.u32 $0x100, v0;
	v2 =	vsel vm12, $0x12A80, v2;
	v1 =	vsel vm11, $0x13A00, v1  }
0x7f: {  	v52 =	vsel vm12, $0x12B00, v52;
	v2 =	vsel vm11, $0x13A80, v2;
	v1 =	vsel vm10, $0x14A00, v1  }
0x80: {  	v52 =	vsel vm11, $0x13B00, v52;
	v2 =	vsel vm10, $0x14A80, v2;
	v1 =	vsel vm9, $0x15A00, v1  }
0x81: {  	v52 =	vsel vm10, $0x14B00, v52;
	v2 =	vsel vm9, $0x15A80, v2;
	v1 =	vsel vm8, $0x16A00, v1  }
0x82: {  	v52 =	vsel vm9, $0x15B00, v52;
	v2 =	vsel vm8, $0x16A80, v2;
	v1 =	vsel vm7, $0x17A00, v1  }
0x83: {  	v52 =	vsel vm8, $0x16B00, v52;
	v2 =	vsel vm7, $0x17A80, v2;
	v1 =	vsel vm6, $0x18A00, v1  }
0x84: {  	v52 =	vsel vm7, $0x17B00, v52;
	v2 =	vsel vm6, $0x18A80, v2;
	v1 =	vsel vm5, $0x19A00, v1  }
0x85: {  	v52 =	vsel vm6, $0x18B00, v52;
	v2 =	vsel vm5, $0x19A80, v2;
	v1 =	vsel vm4, $0x1AA00, v1  }
0x86: {  	v52 =	vsel vm5, $0x19B00, v52;
	v2 =	vsel vm4, $0x1AA80, v2;
	v1 =	vsel vm3, $0x1BA00, v1  }
0x87: {  	v52 =	vsel vm4, $0x1AB00, v52;
	v2 =	vsel vm3, $0x1BA80, v2;
	v1 =	vsel vm2, $0x1CA00, v1  }
0x88: {  	v52 =	vsel vm3, $0x1BB00, v52;
	v2 =	vsel vm2, $0x1CA80, v2;
	v1 =	vsel vm1, $0x1DA00, v1  }
0x89: {  	v52 =	vsel vm2, $0x1CB00, v52;
	v2 =	vsel vm1, $0x1DA80, v2;
	v1 =	vsel vm0, $0xA00, v1  }
0x8a: {  	v6 =	vor.u32 $0x180, v0;
	v54 =	vsel vm1, $0x1DB00, v52;
	[tilespmem:$0x1FF50] =	vst v1;
	v1 =	vsel vm0, $0xA80, v2  }
0x8b: {  	v7 =	vor.u32 $0x200, v0;
	v8 =	vor.u32 $0x280, v0;
	[tilespmem:$0x1FF60] =	vst v1;
	v1 =	vsel vm0, $0xB00, v54  }
0x8c: {  	v9 =	vor.u32 $0x300, v0;
	v10 =	vor.u32 $0x380, v0;
	[tilespmem:$0x1FF70] =	vst v1;
	v1 =	vimm.s32 $0x1B80  }
0x8d: {  	v11 =	vor.u32 $0x400, v0;
	v2 =	vimm.s32 $0x1C00;
	v1 =	vsel vm14, $0x10B80, v1  }
0x8e: {  	v12 =	vor.u32 $0x480, v0;
	v2 =	vsel vm14, $0x10C00, v2;
	v1 =	vsel vm13, $0x11B80, v1  }
0x8f: {  	v14 =	vor.u32 $0x500, v0;
	v2 =	vsel vm13, $0x11C00, v2;
	v1 =	vsel vm12, $0x12B80, v1  }
0x90: {  	v15 =	vor.u32 $0x580, v0;
	v2 =	vsel vm12, $0x12C00, v2;
	v1 =	vsel vm11, $0x13B80, v1  }
0x91: {  	v55 =	vsel vm12, $0x12C80, v55;
	v2 =	vsel vm11, $0x13C00, v2;
	v1 =	vsel vm10, $0x14B80, v1  }
0x92: {  	v55 =	vsel vm11, $0x13C80, v55;
	v2 =	vsel vm10, $0x14C00, v2;
	v1 =	vsel vm9, $0x15B80, v1  }
0x93: {  	v55 =	vsel vm10, $0x14C80, v55;
	v2 =	vsel vm9, $0x15C00, v2;
	v1 =	vsel vm8, $0x16B80, v1  }
0x94: {  	v55 =	vsel vm9, $0x15C80, v55;
	v2 =	vsel vm8, $0x16C00, v2;
	v1 =	vsel vm7, $0x17B80, v1  }
0x95: {  	v55 =	vsel vm8, $0x16C80, v55;
	v2 =	vsel vm7, $0x17C00, v2;
	v1 =	vsel vm6, $0x18B80, v1  }
0x96: {  	v55 =	vsel vm7, $0x17C80, v55;
	v2 =	vsel vm6, $0x18C00, v2;
	v1 =	vsel vm5, $0x19B80, v1  }
0x97: {  	v55 =	vsel vm6, $0x18C80, v55;
	v2 =	vsel vm5, $0x19C00, v2;
	v1 =	vsel vm4, $0x1AB80, v1  }
0x98: {  	v55 =	vsel vm5, $0x19C80, v55;
	v2 =	vsel vm4, $0x1AC00, v2;
	v1 =	vsel vm3, $0x1BB80, v1  }
0x99: {  	v55 =	vsel vm4, $0x1AC80, v55;
	v2 =	vsel vm3, $0x1BC00, v2;
	v1 =	vsel vm2, $0x1CB80, v1  }
0x9a: {  	v55 =	vsel vm3, $0x1BC80, v55;
	v2 =	vsel vm2, $0x1CC00, v2;
	v1 =	vsel vm1, $0x1DB80, v1  }
0x9b: {  	v55 =	vsel vm2, $0x1CC80, v55;
	v2 =	vsel vm1, $0x1DC00, v2;
	v1 =	vsel vm0, $0xB80, v1  }
0x9c: {  	v16 =	vor.u32 $0x600, v0;
	v57 =	vsel vm1, $0x1DC80, v55;
	[tilespmem:$0x1FF80] =	vst v1;
	v1 =	vsel vm0, $0xC00, v2  }
0x9d: {  	s5 =	rddreg [dreg:$0x0];
	v17 =	vor.u32 $0x680, v0;
	v18 =	vor.u32 $0x700, v0;
	[tilespmem:$0x1FF90] =	vst v1;
	v1 =	vsel vm0, $0xC80, v57  }
0x9e: {  	s0 =	rddreg [dreg:$0x1];
	v19 =	vor.u32 $0x780, v0;
	v20 =	vor.u32 $0x800, v0;
	[tilespmem:$0x1FFA0] =	vst v1;
	v1 =	vimm.s32 $0x1D00  }
0x9f: {  	s1 =	rddreg [dreg:$0x2];
	v21 =	vor.u32 $0x880, v0;
	v2 =	vimm.s32 $0x1D80;
	v1 =	vsel vm14, $0x10D00, v1  }
0xa0: {  	s7 =	rddreg [dreg:$0x3];
	v22 =	vor.u32 $0x900, v0;
	v2 =	vsel vm14, $0x10D80, v2;
	v1 =	vsel vm13, $0x11D00, v1  }
0xa1: {  	s2 =	rddreg [dreg:$0x4];
	s3 =	simm.s32 $0x0;
	v23 =	vor.u32 $0x980, v0;
	v2 =	vsel vm13, $0x11D80, v2;
	v1 =	vsel vm12, $0x12D00, v1  }
0xa2: {  	s4 =	simm.s32 $0x2400;
	[smem:$0x7FF] =	sst s3;
	v24 =	vor.u32 $0xA00, v0;
	v2 =	vsel vm12, $0x12D80, v2;
	v1 =	vsel vm11, $0x13D00, v1  }
0xa3: {  	s8 =	simm.s32 $0x3400;
	v58 =	vsel vm12, $0x12E00, v58;
	_ =	strace $0x80000047;
	[dreg:$0x5] =	wrdreg s4;
	v2 =	vsel vm11, $0x13D80, v2;
	v1 =	vsel vm10, $0x14D00, v1  }
0xa4: {  	s9 =	simm.s32 $0x4400;
	v58 =	vsel vm11, $0x13E00, v58;
	[dreg:$0x6] =	wrdreg s8;
	v2 =	vsel vm10, $0x14D80, v2;
	v1 =	vsel vm9, $0x15D00, v1  }
0xa5: {  	s10 =	simm.s32 $0x5400;
	v58 =	vsel vm10, $0x14E00, v58;
	[dreg:$0x7] =	wrdreg s9;
	v2 =	vsel vm9, $0x15D80, v2;
	v1 =	vsel vm8, $0x16D00, v1  }
0xa6: {  	s11 =	simm.s32 $0x6400;
	v58 =	vsel vm9, $0x15E00, v58;
	[dreg:$0x8] =	wrdreg s10;
	v2 =	vsel vm8, $0x16D80, v2;
	v1 =	vsel vm7, $0x17D00, v1  }
0xa7: {  	s12 =	simm.s32 $0x7400;
	v58 =	vsel vm8, $0x16E00, v58;
	[dreg:$0x9] =	wrdreg s11;
	v2 =	vsel vm7, $0x17D80, v2;
	v1 =	vsel vm6, $0x18D00, v1  }
0xa8: {  	s13 =	simm.s32 $0x8400;
	v58 =	vsel vm7, $0x17E00, v58;
	[dreg:$0xa] =	wrdreg s12;
	v2 =	vsel vm6, $0x18D80, v2;
	v1 =	vsel vm5, $0x19D00, v1  }
0xa9: {  	s14 =	simm.s32 $0x9400;
	v58 =	vsel vm6, $0x18E00, v58;
	[dreg:$0xb] =	wrdreg s13;
	v2 =	vsel vm5, $0x19D80, v2;
	v1 =	vsel vm4, $0x1AD00, v1  }
0xaa: {  	s15 =	simm.s32 $0xA400;
	v58 =	vsel vm5, $0x19E00, v58;
	[dreg:$0xc] =	wrdreg s14;
	v2 =	vsel vm4, $0x1AD80, v2;
	v1 =	vsel vm3, $0x1BD00, v1  }
0xab: {  	s16 =	simm.s32 $0xB400;
	v58 =	vsel vm4, $0x1AE00, v58;
	[dreg:$0xd] =	wrdreg s15;
	v2 =	vsel vm3, $0x1BD80, v2;
	v1 =	vsel vm2, $0x1CD00, v1  }
0xac: {  	s17 =	simm.s32 $0xD400;
	v58 =	vsel vm3, $0x1BE00, v58;
	[dreg:$0xe] =	wrdreg s16;
	v2 =	vsel vm2, $0x1CD80, v2;
	v1 =	vsel vm1, $0x1DD00, v1  }
0xad: {  	s18 =	simm.s32 $0xE400;
	v58 =	vsel vm2, $0x1CE00, v58;
	[dreg:$0x10] =	wrdreg s17;
	v2 =	vsel vm1, $0x1DD80, v2;
	v1 =	vsel vm0, $0xD00, v1  }
0xae: {  	s19 =	simm.s32 $0xF400;
	v25 =	vor.u32 $0xA80, v0;
	v60 =	vsel vm1, $0x1DE00, v58;
	[dreg:$0x11] =	wrdreg s18;
	[tilespmem:$0x1FFB0] =	vst v1;
	v1 =	vsel vm0, $0xD80, v2  }
0xaf: {  	s20 =	simm.s32 $0x10400;
	v26 =	vor.u32 $0xB00, v0;
	v27 =	vor.u32 $0xB80, v0;
	[dreg:$0x12] =	wrdreg s19;
	[tilespmem:$0x1FFC0] =	vst v1;
	v1 =	vsel vm0, $0xE00, v60  }
0xb0: {  	s21 =	simm.s32 $0x11400;
	v28 =	vor.u32 $0xC00, v0;
	v29 =	vor.u32 $0xC80, v0;
	[dreg:$0x13] =	wrdreg s20;
	[tilespmem:$0x1FFD0] =	vst v1;
	v1 =	vimm.s32 $0x1E80  }
0xb1: {  	s22 =	simm.s32 $0x12400;
	v30 =	vor.u32 $0xD00, v0;
	[dreg:$0x14] =	wrdreg s21;
	v2 =	vimm.s32 $0x1F00;
	v1 =	vsel vm14, $0x10E80, v1  }
0xb2: {  	s6 =	srdreg.scid;
	s23 =	simm.s32 $0x13400;
	v31 =	vor.u32 $0xD80, v0;
	[dreg:$0x15] =	wrdreg s22;
	v2 =	vsel vm14, $0x10F00, v2;
	v1 =	vsel vm13, $0x11E80, v1  }
0xb3: {  	s25 =	simm.s32 $0x14400;
	s26 =	simm.s32 $0x15400;
	v32 =	vor.u32 $0xE00, v0;
	[dreg:$0x16] =	wrdreg s23;
	v2 =	vsel vm13, $0x11F00, v2;
	v1 =	vsel vm12, $0x12E80, v1  }
0xb4: {  	s28 =	simm.s32 $0x17400;
	s29 =	simm.s32 $0x18400;
	v33 =	vor.u32 $0xE80, v0;
	[dreg:$0x17] =	wrdreg s25;
	v2 =	vsel vm12, $0x12F00, v2;
	v1 =	vsel vm11, $0x13E80, v1  }
0xb5: {  	s30 =	simm.s32 $0x19400;
	s31 =	simm.s32 $0x1A400;
	v61 =	vsel vm12, $0x12F80, v61;
	[dreg:$0x18] =	wrdreg s26;
	v2 =	vsel vm11, $0x13F00, v2;
	v1 =	vsel vm10, $0x14E80, v1  }
0xb6: {  	s6 =	sand.u32 $0x1, s6;
	v61 =	vsel vm11, $0x13F80, v61;
	s8 =	simm.s32 $0xC400;
	[dreg:$0x1a] =	wrdreg s28;
	v2 =	vsel vm10, $0x14F00, v2;
	v1 =	vsel vm9, $0x15E80, v1  }
0xb7: {  	v61 =	vsel vm10, $0x14F80, v61;
	s4 =	stileid.u32;
	s10 =	sshll.u32 s6, $0x6;
	[dreg:$0x1b] =	wrdreg s29;
	v2 =	vsel vm9, $0x15F00, v2;
	v1 =	vsel vm8, $0x16E80, v1  }
0xb8: {  	v61 =	vsel vm9, $0x15F80, v61;
	s6 =	ssub.s32 $0x2, s6;
	s11 =	simm.s32 $0x16400;
	[dreg:$0x1c] =	wrdreg s30;
	v2 =	vsel vm8, $0x16F00, v2;
	v1 =	vsel vm7, $0x17E80, v1  }
0xb9: {  	v61 =	vsel vm8, $0x16F80, v61;
	[dreg:$0x1d] =	wrdreg s31;
	s12 =	simm.s32 $0x1B400;
	s13 =	simm.s32 $0x1C400;
	v2 =	vsel vm7, $0x17F00, v2;
	v1 =	vsel vm6, $0x18E80, v1  }
0xba: {  	v61 =	vsel vm7, $0x17F80, v61;
	s15 =	simm.s32 $0x1D400;
	s14 =	simm.s32 $0x1400;
	[dreg:$0xf] =	wrdreg s8;
	v2 =	vsel vm6, $0x18F00, v2;
	v1 =	vsel vm5, $0x19E80, v1  }
0xbb: {  	v61 =	vsel vm6, $0x18F80, v61;
	s16 =	simm.s32 $0x1F400;
	s17 =	simm.s32 $0x0;
	[dreg:$0x19] =	wrdreg s11;
	v2 =	vsel vm5, $0x19F00, v2;
	v1 =	vsel vm4, $0x1AE80, v1  }
0xbc: {  	v61 =	vsel vm5, $0x19F80, v61;
	s9 =	sshll.u32 s4, $0x7;
	s24 =	sshrl.u32 s6, $0x1;
	[dreg:$0x1e] =	wrdreg s12;
	v2 =	vsel vm4, $0x1AF00, v2;
	v1 =	vsel vm3, $0x1BE80, v1  }
0xbd: {  	v61 =	vsel vm4, $0x1AF80, v61;
	s11 =	simm.s32 $0x1;
	s12 =	simm.s32 $0x7A1400;
	[dreg:$0x1f] =	wrdreg s13;
	v2 =	vsel vm3, $0x1BF00, v2;
	v1 =	vsel vm2, $0x1CE80, v1  }
0xbe: {  	v61 =	vsel vm3, $0x1BF80, v61;
	s13 =	simm.s32 $0x400;
	[smem:$0x7FD] =	sst s15;
	s9 =	sor.u32 s10, s9;
	v2 =	vsel vm2, $0x1CF00, v2;
	v1 =	vsel vm1, $0x1DE80, v1  }
0xbf: {  	v61 =	vsel vm2, $0x1CF80, v61;
	s15 =	simm.s32 $0x2;
	s8 =	ssub.s32 s6, s24;
	s10 =	sadd.s32 s9, s5;
	v2 =	vsel vm1, $0x1DF00, v2;
	v1 =	vsel vm0, $0xE80, v1  }
0xc0: {  	v35 =	vor.u32 $0xF00, v0;
	v63 =	vsel vm1, $0x1DF80, v61;
	s7 =	sadd.s32 s7, s9;
	s8 =	smax.u32 s8, $0x1;
	s9 =	simm.s32 $0x3;
	[tilespmem:$0x1FFE0] =	vst v1;
	v1 =	vsel vm0, $0xF00, v2  }
0xc1: {  	v38 =	vor.u32 $0xF80, v0;
	v36 =	vsel vm0, $0x200, v36;
	v49 =	vsel vm0, $0xF80, v63;
	s5 =	sadd.s32 $0xE00, s10;
	s6 =	sadd.s32 $0x600, s10;
	s10 =	simm.s32 $0x200;
	[tilespmem:$0x1FFF0] =	vst v1  }
.LBB2_1:
0xc2: {  	[tilespmem:s3], [sflag:$0x3] =	stream.linear.gather [hbm4b:s5+s3], $0x200, $0x38;
	[tilespmem:$0x1F600] =	vst v63  }
0xc3: {  	_ =	swait.ge [sflag:s9], $0x200  }
0xc4: {  	[sflag:s9] =	ssyncset.done $0x0  }
0xc5: {  	[sflag:s9] =	ssyncadd.s32 $0xFFFFFE00  }
0xc6: {  	[tilespmem:s10], [sflag:$0x3] =	stream.linear.gather [hbm4b:s6+s3], $0x200, $0x38;
	[tilespmem:$0x1F600] =	vst v63  }
0xc7: {  	_ =	swait.ge [sflag:s9], $0x200  }
0xc8: {  	v61 =	vld [tilespmem:$0x1FF20]  }
0xc9: {  	v62 =	vld [tilespmem:$0x1FF30]  }
0xca: {  	v63 =	vld [tilespmem:$0x1FF40]  }
0xcb: {  	v47 =	vld [tilespmem:$0x1FF50]  }
0xcc: {  	v50 =	vld [tilespmem:$0x1FF60]  }
0xcd: {  	v51 =	vld [tilespmem:$0x1FF70]  }
0xce: {  	v52 =	vld [tilespmem:$0x1FF80]  }
0xcf: {  	v53 =	vld [tilespmem:$0x1FF90]  }
0xd0: {  	v54 =	vld [tilespmem:$0x1FFA0]  }
0xd1: {  	v55 =	vld [tilespmem:$0x1FFB0]  }
0xd2: {  	v56 =	vld [tilespmem:$0x1FFC0]  }
0xd3: {  	v57 =	vld [tilespmem:$0x1FFD0]  }
0xd4: {  	[sflag:s9] =	ssyncset.done $0x0;
	v58 =	vld [tilespmem:$0x1FFE0]  }
0xd5: {  	s18 =	simm.s32 $0x0;
	v59 =	vld [tilespmem:$0x1FFF0];
	[sflag:s9] =	ssyncadd.s32 $0xFFFFFE00  }
.LBB2_2:
0xd6: {  	s19 =	sshra.s32 s18, $0x2  }
0xd7: {  	v2 =	vld [tilespmem:s19+$0x0];
	_ =	sdelay $0x4  }
0xd8: {  	(v2sf) =	vpush v2, $0x0;
	_ =	sdelay $0x5  }
0xd9: {  	(v2sf) =	vpush v2, $0x1;
	_ =	sdelay $0x8  }
0xda: {  	s20 =	spop (v2sf)  }
0xdb: {  	(v2sf) =	vpush v2, $0x2;
	s21 =	sand.u32 $0x7F, s20  }
0xdc: {  	s26 =	sshra.s32 s20, $0x1F;
	p1 =	slt.s32 s20, $0x1;
	p0 =	sne.s32 s21, $0x0  }
0xdd: {  	s21 =	sshrl.u32 s26, $0x19;
	p0 =	por !p1, !p0  }
0xde: {  	s20 =	sadd.s32 s21, s20;
	s21 =	simm.s32 $0x1;
	p0 =	por !p0, !p0  }
0xdf: {  	s20 =	sshrl.u32 s20, $0x7;
	s21 =	simm.s32 @!p0 $0x0  }
0xe0: {  	s28 =	spop (v2sf);
	s20 =	ssub.s32 s20, s21  }
0xe1: {  	s29 =	sand.u32 $0x7F, s28;
	s30 =	sshra.s32 s28, $0x1F;
	s20 =	sshll.u32 s20, $0x7  }
0xe2: {  	(v2sf) =	vpush v2, $0x3;
	p6 =	slt.s32 s28, $0x1;
	p5 =	sne.s32 s29, $0x0;
	s20 =	sand.u32 $0x1FFFFF80, s20  }
0xe3: {  	p0 =	por !p6, !p5;
	s21 =	sshrl.u32 s30, $0x19;
	s20 =	sadd.s32 s0, s20  }
0xe4: {  	v1 =	vld [tilespmem:s19+$0x200];
	[tilespmem:s13], [sflag:$0x1] =	stream.strided.gather [hbm4b:s20+s13], $0x1000, s12, s13, $0x38  }
0xe5: {  	p0 =	por !p0, !p0;
	s20 =	sadd.s32 s21, s28;
	s21 =	simm.s32 $0x1  }
0xe6: {  	s20 =	sshrl.u32 s20, $0x7;
	s21 =	simm.s32 @!p0 $0x0  }
0xe7: {  	s20 =	ssub.s32 s20, s21  }
0xe8: {  	s20 =	sshll.u32 s20, $0x7  }
0xe9: {  	s20 =	sand.u32 $0x1FFFFF80, s20  }
0xea: {  	s20 =	sadd.s32 s0, s20;
	s31 =	spop (v2sf)  }
0xeb: {  	[tilespmem:s14], [sflag:$0x1] =	stream.strided.gather [hbm4b:s20+s13], $0x1000, s12, s13, $0x38;
	[tilespmem:$0x1F600] =	vst v63  }
0xec: {  	(v2sf) =	vpush v2, $0x4;
	s22 =	sand.u32 $0x7F, s31  }
0xed: {  	s23 =	sshra.s32 s31, $0x1F;
	p2 =	slt.s32 s31, $0x1;
	p1 =	sne.s32 s22, $0x0  }
0xee: {  	s21 =	sshrl.u32 s23, $0x19;
	p0 =	por !p2, !p1  }
0xef: {  	s20 =	sadd.s32 s21, s31;
	s21 =	simm.s32 $0x1;
	p0 =	por !p0, !p0  }
0xf0: {  	s20 =	sshrl.u32 s20, $0x7;
	s21 =	simm.s32 @!p0 $0x0  }
0xf1: {  	s24 =	rddreg [dreg:$0x5];
	s25 =	spop (v2sf);
	s20 =	ssub.s32 s20, s21  }
0xf2: {  	s26 =	sand.u32 $0x7F, s25;
	s28 =	sshra.s32 s25, $0x1F;
	s20 =	sshll.u32 s20, $0x7  }
0xf3: {  	(v2sf) =	vpush v2, $0x5;
	p4 =	slt.s32 s25, $0x1;
	p3 =	sne.s32 s26, $0x0;
	s20 =	sand.u32 $0x1FFFFF80, s20  }
0xf4: {  	p0 =	por !p4, !p3;
	s21 =	sshrl.u32 s28, $0x19;
	s20 =	sadd.s32 s0, s20  }
0xf5: {  	[tilespmem:s24], [sflag:$0x1] =	stream.strided.gather [hbm4b:s20+s13], $0x1000, s12, s13, $0x38;
	[tilespmem:$0x1F600] =	vst v63  }
0xf6: {  	p0 =	por !p0, !p0;
	s20 =	sadd.s32 s21, s25;
	s21 =	simm.s32 $0x1  }
0xf7: {  	s20 =	sshrl.u32 s20, $0x7;
	s21 =	simm.s32 @!p0 $0x0  }
0xf8: {  	s20 =	ssub.s32 s20, s21  }
0xf9: {  	s20 =	sshll.u32 s20, $0x7  }
0xfa: {  	s20 =	sand.u32 $0x1FFFFF80, s20  }
0xfb: {  	s29 =	rddreg [dreg:$0x6];
	s20 =	sadd.s32 s0, s20;
	s30 =	spop (v2sf)  }
0xfc: {  	[tilespmem:s29], [sflag:$0x1] =	stream.strided.gather [hbm4b:s20+s13], $0x1000, s12, s13, $0x38;
	[tilespmem:$0x1F600] =	vst v63  }
0xfd: {  	(v2sf) =	vpush v2, $0x6;
	s31 =	sand.u32 $0x7F, s30  }
0xfe: {  	s22 =	sshra.s32 s30, $0x1F;
	p6 =	slt.s32 s30, $0x1;
	p5 =	sne.s32 s31, $0x0  }
0xff: {  	s21 =	sshrl.u32 s22, $0x19;
	p0 =	por !p6, !p5  }
0x100: {  	s20 =	sadd.s32 s21, s30;
	s21 =	simm.s32 $0x1;
	p0 =	por !p0, !p0  }
0x101: {  	s20 =	sshrl.u32 s20, $0x7;
	s21 =	simm.s32 @!p0 $0x0  }
0x102: {  	s23 =	rddreg [dreg:$0x7];
	s24 =	spop (v2sf);
	s20 =	ssub.s32 s20, s21  }
0x103: {  	s25 =	sand.u32 $0x7F, s24;
	s26 =	sshra.s32 s24, $0x1F;
	s20 =	sshll.u32 s20, $0x7  }
0x104: {  	(v2sf) =	vpush v2, $0x7;
	p2 =	slt.s32 s24, $0x1;
	p1 =	sne.s32 s25, $0x0;
	s20 =	sand.u32 $0x1FFFFF80, s20  }
0x105: {  	p0 =	por !p2, !p1;
	s21 =	sshrl.u32 s26, $0x19;
	s20 =	sadd.s32 s0, s20  }
0x106: {  	[tilespmem:s23], [sflag:$0x1] =	stream.strided.gather [hbm4b:s20+s13], $0x1000, s12, s13, $0x38;
	[tilespmem:$0x1F600] =	vst v63  }
0x107: {  	p0 =	por !p0, !p0;
	s20 =	sadd.s32 s21, s24;
	s21 =	simm.s32 $0x1  }
0x108: {  	s20 =	sshrl.u32 s20, $0x7;
	s21 =	simm.s32 @!p0 $0x0  }
0x109: {  	s20 =	ssub.s32 s20, s21  }
0x10a: {  	s20 =	sshll.u32 s20, $0x7  }
0x10b: {  	s20 =	sand.u32 $0x1FFFFF80, s20  }
0x10c: {  	s28 =	rddreg [dreg:$0x8];
	s20 =	sadd.s32 s0, s20;
	s29 =	spop (v2sf)  }
0x10d: {  	[tilespmem:s28], [sflag:$0x1] =	stream.strided.gather [hbm4b:s20+s13], $0x1000, s12, s13, $0x38;
	[tilespmem:$0x1F600] =	vst v63  }
0x10e: {  	(v2sf) =	vpush v2, $0x8;
	s30 =	sand.u32 $0x7F, s29  }
0x10f: {  	s31 =	sshra.s32 s29, $0x1F;
	p4 =	slt.s32 s29, $0x1;
	p3 =	sne.s32 s30, $0x0  }
0x110: {  	s21 =	sshrl.u32 s31, $0x19;
	p0 =	por !p4, !p3  }
0x111: {  	s20 =	sadd.s32 s21, s29;
	s21 =	simm.s32 $0x1;
	p0 =	por !p0, !p0  }
0x112: {  	s20 =	sshrl.u32 s20, $0x7;
	s21 =	simm.s32 @!p0 $0x0  }
0x113: {  	s22 =	rddreg [dreg:$0x9];
	s23 =	spop (v2sf);
	s20 =	ssub.s32 s20, s21  }
0x114: {  	s24 =	sand.u32 $0x7F, s23;
	s25 =	sshra.s32 s23, $0x1F;
	s20 =	sshll.u32 s20, $0x7  }
0x115: {  	(v2sf) =	vpush v2, $0x9;
	p6 =	slt.s32 s23, $0x1;
	p5 =	sne.s32 s24, $0x0;
	s20 =	sand.u32 $0x1FFFFF80, s20  }
0x116: {  	p0 =	por !p6, !p5;
	s21 =	sshrl.u32 s25, $0x19;
	s20 =	sadd.s32 s0, s20  }
0x117: {  	[tilespmem:s22], [sflag:$0x1] =	stream.strided.gather [hbm4b:s20+s13], $0x1000, s12, s13, $0x38;
	[tilespmem:$0x1F600] =	vst v63  }
0x118: {  	p0 =	por !p0, !p0;
	s20 =	sadd.s32 s21, s23;
	s21 =	simm.s32 $0x1  }
0x119: {  	s20 =	sshrl.u32 s20, $0x7;
	s21 =	simm.s32 @!p0 $0x0  }
0x11a: {  	s20 =	ssub.s32 s20, s21  }
0x11b: {  	s20 =	sshll.u32 s20, $0x7  }
0x11c: {  	s20 =	sand.u32 $0x1FFFFF80, s20  }
0x11d: {  	s26 =	rddreg [dreg:$0xa];
	s20 =	sadd.s32 s0, s20;
	s28 =	spop (v2sf)  }
0x11e: {  	[tilespmem:s26], [sflag:$0x1] =	stream.strided.gather [hbm4b:s20+s13], $0x1000, s12, s13, $0x38;
	[tilespmem:$0x1F600] =	vst v63  }
0x11f: {  	(v2sf) =	vpush v2, $0xA;
	s29 =	sand.u32 $0x7F, s28  }
0x120: {  	s30 =	sshra.s32 s28, $0x1F;
	p2 =	slt.s32 s28, $0x1;
	p1 =	sne.s32 s29, $0x0  }
0x121: {  	s21 =	sshrl.u32 s30, $0x19;
	p0 =	por !p2, !p1  }
0x122: {  	s20 =	sadd.s32 s21, s28;
	s21 =	simm.s32 $0x1;
	p0 =	por !p0, !p0  }
0x123: {  	s20 =	sshrl.u32 s20, $0x7;
	s21 =	simm.s32 @!p0 $0x0  }
0x124: {  	s31 =	rddreg [dreg:$0xb];
	s22 =	spop (v2sf);
	s20 =	ssub.s32 s20, s21  }
0x125: {  	s23 =	sand.u32 $0x7F, s22;
	s24 =	sshra.s32 s22, $0x1F;
	s20 =	sshll.u32 s20, $0x7  }
0x126: {  	(v2sf) =	vpush v2, $0xB;
	p4 =	slt.s32 s22, $0x1;
	p3 =	sne.s32 s23, $0x0;
	s20 =	sand.u32 $0x1FFFFF80, s20  }
0x127: {  	p0 =	por !p4, !p3;
	s21 =	sshrl.u32 s24, $0x19;
	s20 =	sadd.s32 s0, s20  }
0x128: {  	[tilespmem:s31], [sflag:$0x1] =	stream.strided.gather [hbm4b:s20+s13], $0x1000, s12, s13, $0x38;
	[tilespmem:$0x1F600] =	vst v63  }
0x129: {  	p0 =	por !p0, !p0;
	s20 =	sadd.s32 s21, s22;
	s21 =	simm.s32 $0x1  }
0x12a: {  	s20 =	sshrl.u32 s20, $0x7;
	s21 =	simm.s32 @!p0 $0x0  }
0x12b: {  	s20 =	ssub.s32 s20, s21  }
0x12c: {  	s20 =	sshll.u32 s20, $0x7  }
0x12d: {  	s20 =	sand.u32 $0x1FFFFF80, s20  }
0x12e: {  	s25 =	rddreg [dreg:$0xc];
	s20 =	sadd.s32 s0, s20;
	s26 =	spop (v2sf)  }
0x12f: {  	[tilespmem:s25], [sflag:$0x1] =	stream.strided.gather [hbm4b:s20+s13], $0x1000, s12, s13, $0x38;
	[tilespmem:$0x1F600] =	vst v63  }
0x130: {  	(v2sf) =	vpush v2, $0xC;
	s28 =	sand.u32 $0x7F, s26  }
0x131: {  	s29 =	sshra.s32 s26, $0x1F;
	p6 =	slt.s32 s26, $0x1;
	p5 =	sne.s32 s28, $0x0  }
0x132: {  	s21 =	sshrl.u32 s29, $0x19;
	p0 =	por !p6, !p5  }
0x133: {  	s20 =	sadd.s32 s21, s26;
	s21 =	simm.s32 $0x1;
	p0 =	por !p0, !p0  }
0x134: {  	s20 =	sshrl.u32 s20, $0x7;
	s21 =	simm.s32 @!p0 $0x0  }
0x135: {  	s30 =	rddreg [dreg:$0xd];
	s31 =	spop (v2sf);
	s20 =	ssub.s32 s20, s21  }
0x136: {  	s22 =	sand.u32 $0x7F, s31;
	s23 =	sshra.s32 s31, $0x1F;
	s20 =	sshll.u32 s20, $0x7  }
0x137: {  	(v2sf) =	vpush v2, $0xD;
	p2 =	slt.s32 s31, $0x1;
	p1 =	sne.s32 s22, $0x0;
	s20 =	sand.u32 $0x1FFFFF80, s20  }
0x138: {  	p0 =	por !p2, !p1;
	s21 =	sshrl.u32 s23, $0x19;
	s20 =	sadd.s32 s0, s20  }
0x139: {  	[tilespmem:s30], [sflag:$0x1] =	stream.strided.gather [hbm4b:s20+s13], $0x1000, s12, s13, $0x38;
	[tilespmem:$0x1F600] =	vst v63  }
0x13a: {  	p0 =	por !p0, !p0;
	s20 =	sadd.s32 s21, s31;
	s21 =	simm.s32 $0x1  }
0x13b: {  	s20 =	sshrl.u32 s20, $0x7;
	s21 =	simm.s32 @!p0 $0x0  }
0x13c: {  	s20 =	ssub.s32 s20, s21  }
0x13d: {  	s20 =	sshll.u32 s20, $0x7  }
0x13e: {  	s20 =	sand.u32 $0x1FFFFF80, s20  }
0x13f: {  	s24 =	rddreg [dreg:$0xe];
	s20 =	sadd.s32 s0, s20;
	s25 =	spop (v2sf)  }
0x140: {  	[tilespmem:s24], [sflag:$0x1] =	stream.strided.gather [hbm4b:s20+s13], $0x1000, s12, s13, $0x38;
	[tilespmem:$0x1F600] =	vst v63  }
0x141: {  	(v2sf) =	vpush v2, $0xE;
	s26 =	sand.u32 $0x7F, s25  }
0x142: {  	s28 =	sshra.s32 s25, $0x1F;
	p4 =	slt.s32 s25, $0x1;
	p3 =	sne.s32 s26, $0x0  }
0x143: {  	s21 =	sshrl.u32 s28, $0x19;
	p0 =	por !p4, !p3  }
0x144: {  	s20 =	sadd.s32 s21, s25;
	s21 =	simm.s32 $0x1;
	p0 =	por !p0, !p0  }
0x145: {  	s20 =	sshrl.u32 s20, $0x7;
	s21 =	simm.s32 @!p0 $0x0  }
0x146: {  	s29 =	rddreg [dreg:$0xf];
	s30 =	spop (v2sf);
	s20 =	ssub.s32 s20, s21  }
0x147: {  	s31 =	sand.u32 $0x7F, s30;
	s22 =	sshra.s32 s30, $0x1F;
	s20 =	sshll.u32 s20, $0x7  }
0x148: {  	(v2sf) =	vpush v2, $0xF;
	p6 =	slt.s32 s30, $0x1;
	p5 =	sne.s32 s31, $0x0;
	s20 =	sand.u32 $0x1FFFFF80, s20  }
0x149: {  	p0 =	por !p6, !p5;
	s21 =	sshrl.u32 s22, $0x19;
	s20 =	sadd.s32 s0, s20  }
0x14a: {  	[tilespmem:s29], [sflag:$0x1] =	stream.strided.gather [hbm4b:s20+s13], $0x1000, s12, s13, $0x38;
	[tilespmem:$0x1F600] =	vst v63  }
0x14b: {  	p0 =	por !p0, !p0;
	s20 =	sadd.s32 s21, s30;
	s21 =	simm.s32 $0x1  }
0x14c: {  	s20 =	sshrl.u32 s20, $0x7;
	s21 =	simm.s32 @!p0 $0x0  }
0x14d: {  	s20 =	ssub.s32 s20, s21  }
0x14e: {  	s20 =	sshll.u32 s20, $0x7  }
0x14f: {  	s20 =	sand.u32 $0x1FFFFF80, s20  }
0x150: {  	s23 =	rddreg [dreg:$0x10];
	s20 =	sadd.s32 s0, s20;
	s24 =	spop (v2sf)  }
0x151: {  	[tilespmem:s23], [sflag:$0x1] =	stream.strided.gather [hbm4b:s20+s13], $0x1000, s12, s13, $0x38;
	[tilespmem:$0x1F600] =	vst v63  }
0x152: {  	s25 =	sand.u32 $0x7F, s24  }
0x153: {  	s26 =	sshra.s32 s24, $0x1F;
	p2 =	slt.s32 s24, $0x1;
	p1 =	sne.s32 s25, $0x0  }
0x154: {  	s21 =	sshrl.u32 s26, $0x19;
	p0 =	por !p2, !p1  }
0x155: {  	s20 =	sadd.s32 s21, s24;
	s21 =	simm.s32 $0x1;
	p0 =	por !p0, !p0  }
0x156: {  	s20 =	sshrl.u32 s20, $0x7;
	s21 =	simm.s32 @!p0 $0x0  }
0x157: {  	s28 =	rddreg [dreg:$0x11];
	s29 =	spop (v2sf);
	s20 =	ssub.s32 s20, s21  }
0x158: {  	s30 =	sand.u32 $0x7F, s29;
	s31 =	sshra.s32 s29, $0x1F;
	s20 =	sshll.u32 s20, $0x7  }
0x159: {  	p4 =	slt.s32 s29, $0x1;
	p3 =	sne.s32 s30, $0x0;
	s20 =	sand.u32 $0x1FFFFF80, s20  }
0x15a: {  	p0 =	por !p4, !p3;
	s21 =	sshrl.u32 s31, $0x19;
	s20 =	sadd.s32 s0, s20  }
0x15b: {  	[tilespmem:s28], [sflag:$0x1] =	stream.strided.gather [hbm4b:s20+s13], $0x1000, s12, s13, $0x38;
	[tilespmem:$0x1F600] =	vst v63  }
0x15c: {  	p0 =	por !p0, !p0;
	s20 =	sadd.s32 s21, s29;
	s21 =	simm.s32 $0x1  }
0x15d: {  	s20 =	sshrl.u32 s20, $0x7;
	s21 =	simm.s32 @!p0 $0x0  }
0x15e: {  	s20 =	ssub.s32 s20, s21  }
0x15f: {  	s20 =	sshll.u32 s20, $0x7  }
0x160: {  	s20 =	sand.u32 $0x1FFFFF80, s20  }
0x161: {  	s22 =	rddreg [dreg:$0x12];
	s20 =	sadd.s32 s0, s20  }
0x162: {  	[tilespmem:s22], [sflag:$0x1] =	stream.strided.gather [hbm4b:s20+s13], $0x1000, s12, s13, $0x38;
	[tilespmem:$0x1F600] =	vst v63  }
0x163: {  	_ =	swait.ge [sflag:s11], $0x1000  }
0x164: {  	[sflag:s11] =	ssyncset.done $0x0  }
0x165: {  	[sflag:s11] =	ssyncadd.s32 $0xFFFFF000  }
0x166: {  	_ =	swait.ge [sflag:s11], $0x1000  }
0x167: {  	[sflag:s11] =	ssyncset.done $0x0  }
0x168: {  	[sflag:s11] =	ssyncadd.s32 $0xFFFFF000  }
0x169: {  	_ =	swait.ge [sflag:s11], $0x1000  }
0x16a: {  	[sflag:s11] =	ssyncset.done $0x0  }
0x16b: {  	[sflag:s11] =	ssyncadd.s32 $0xFFFFF000  }
0x16c: {  	_ =	swait.ge [sflag:s11], $0x1000  }
0x16d: {  	[sflag:s11] =	ssyncset.done $0x0  }
0x16e: {  	[sflag:s11] =	ssyncadd.s32 $0xFFFFF000  }
0x16f: {  	_ =	swait.ge [sflag:s11], $0x1000  }
0x170: {  	[sflag:s11] =	ssyncset.done $0x0  }
0x171: {  	[sflag:s11] =	ssyncadd.s32 $0xFFFFF000  }
0x172: {  	_ =	swait.ge [sflag:s11], $0x1000  }
0x173: {  	[sflag:s11] =	ssyncset.done $0x0  }
0x174: {  	[sflag:s11] =	ssyncadd.s32 $0xFFFFF000  }
0x175: {  	_ =	swait.ge [sflag:s11], $0x1000  }
0x176: {  	[sflag:s11] =	ssyncset.done $0x0  }
0x177: {  	[sflag:s11] =	ssyncadd.s32 $0xFFFFF000  }
0x178: {  	_ =	swait.ge [sflag:s11], $0x1000  }
0x179: {  	[sflag:s11] =	ssyncset.done $0x0  }
0x17a: {  	[sflag:s11] =	ssyncadd.s32 $0xFFFFF000  }
0x17b: {  	_ =	swait.ge [sflag:s11], $0x1000  }
0x17c: {  	[sflag:s11] =	ssyncset.done $0x0  }
0x17d: {  	[sflag:s11] =	ssyncadd.s32 $0xFFFFF000  }
0x17e: {  	_ =	swait.ge [sflag:s11], $0x1000  }
0x17f: {  	[sflag:s11] =	ssyncset.done $0x0  }
0x180: {  	[sflag:s11] =	ssyncadd.s32 $0xFFFFF000  }
0x181: {  	_ =	swait.ge [sflag:s11], $0x1000  }
0x182: {  	[sflag:s11] =	ssyncset.done $0x0  }
0x183: {  	[sflag:s11] =	ssyncadd.s32 $0xFFFFF000  }
0x184: {  	_ =	swait.ge [sflag:s11], $0x1000  }
0x185: {  	[sflag:s11] =	ssyncset.done $0x0  }
0x186: {  	[sflag:s11] =	ssyncadd.s32 $0xFFFFF000  }
0x187: {  	_ =	swait.ge [sflag:s11], $0x1000  }
0x188: {  	[sflag:s11] =	ssyncset.done $0x0  }
0x189: {  	[sflag:s11] =	ssyncadd.s32 $0xFFFFF000  }
0x18a: {  	_ =	swait.ge [sflag:s11], $0x1000  }
0x18b: {  	[sflag:s11] =	ssyncset.done $0x0  }
0x18c: {  	[sflag:s11] =	ssyncadd.s32 $0xFFFFF000  }
0x18d: {  	_ =	swait.ge [sflag:s11], $0x1000  }
0x18e: {  	[sflag:s11] =	ssyncset.done $0x0  }
0x18f: {  	[sflag:s11] =	ssyncadd.s32 $0xFFFFF000  }
0x190: {  	_ =	swait.ge [sflag:s11], $0x1000  }
0x191: {  	(v2sf) =	vpush v1, $0x0;
	_ =	sdelay $0x5  }
0x192: {  	(v2sf) =	vpush v1, $0x1;
	_ =	sdelay $0x8  }
0x193: {  	s23 =	spop (v2sf)  }
0x194: {  	(v2sf) =	vpush v1, $0x2;
	s24 =	sand.u32 $0x7F, s23  }
0x195: {  	s25 =	sshra.s32 s23, $0x1F;
	p6 =	slt.s32 s23, $0x1;
	p5 =	sne.s32 s24, $0x0  }
0x196: {  	s26 =	rddreg [dreg:$0x13];
	s21 =	sshrl.u32 s25, $0x19;
	p0 =	por !p6, !p5  }
0x197: {  	s20 =	sadd.s32 s21, s23;
	s21 =	simm.s32 $0x1;
	p0 =	por !p0, !p0  }
0x198: {  	[sflag:s11] =	ssyncset.done $0x0;
	s20 =	sshrl.u32 s20, $0x7;
	s21 =	simm.s32 @!p0 $0x0  }
0x199: {  	[sflag:s11] =	ssyncadd.s32 $0xFFFFF000;
	s28 =	spop (v2sf);
	s20 =	ssub.s32 s20, s21  }
0x19a: {  	s29 =	sand.u32 $0x7F, s28;
	s30 =	sshra.s32 s28, $0x1F;
	s20 =	sshll.u32 s20, $0x7  }
0x19b: {  	(v2sf) =	vpush v1, $0x3;
	p2 =	slt.s32 s28, $0x1;
	p1 =	sne.s32 s29, $0x0;
	s20 =	sand.u32 $0x1FFFFF80, s20  }
0x19c: {  	p0 =	por !p2, !p1;
	s21 =	sshrl.u32 s30, $0x19;
	s20 =	sadd.s32 s1, s20  }
0x19d: {  	[tilespmem:s26], [sflag:$0x2] =	stream.strided.gather [hbm4b:s20+s13], $0x1000, s12, s13, $0x38;
	[tilespmem:$0x1F600] =	vst v63  }
0x19e: {  	p0 =	por !p0, !p0;
	s20 =	sadd.s32 s21, s28;
	s21 =	simm.s32 $0x1  }
0x19f: {  	s20 =	sshrl.u32 s20, $0x7;
	s21 =	simm.s32 @!p0 $0x0  }
0x1a0: {  	s20 =	ssub.s32 s20, s21  }
0x1a1: {  	s20 =	sshll.u32 s20, $0x7  }
0x1a2: {  	s20 =	sand.u32 $0x1FFFFF80, s20  }
0x1a3: {  	s31 =	rddreg [dreg:$0x14];
	s20 =	sadd.s32 s1, s20;
	s22 =	spop (v2sf)  }
0x1a4: {  	[tilespmem:s31], [sflag:$0x2] =	stream.strided.gather [hbm4b:s20+s13], $0x1000, s12, s13, $0x38;
	[tilespmem:$0x1F600] =	vst v63  }
0x1a5: {  	(v2sf) =	vpush v1, $0x4;
	s23 =	sand.u32 $0x7F, s22  }
0x1a6: {  	s24 =	sshra.s32 s22, $0x1F;
	p4 =	slt.s32 s22, $0x1;
	p3 =	sne.s32 s23, $0x0  }
0x1a7: {  	s21 =	sshrl.u32 s24, $0x19;
	p0 =	por !p4, !p3  }
0x1a8: {  	s20 =	sadd.s32 s21, s22;
	s21 =	simm.s32 $0x1;
	p0 =	por !p0, !p0  }
0x1a9: {  	s20 =	sshrl.u32 s20, $0x7;
	s21 =	simm.s32 @!p0 $0x0  }
0x1aa: {  	s25 =	rddreg [dreg:$0x15];
	s26 =	spop (v2sf);
	s20 =	ssub.s32 s20, s21  }
0x1ab: {  	s28 =	sand.u32 $0x7F, s26;
	s29 =	sshra.s32 s26, $0x1F;
	s20 =	sshll.u32 s20, $0x7  }
0x1ac: {  	(v2sf) =	vpush v1, $0x5;
	p6 =	slt.s32 s26, $0x1;
	p5 =	sne.s32 s28, $0x0;
	s20 =	sand.u32 $0x1FFFFF80, s20  }
0x1ad: {  	p0 =	por !p6, !p5;
	s21 =	sshrl.u32 s29, $0x19;
	s20 =	sadd.s32 s1, s20  }
0x1ae: {  	[tilespmem:s25], [sflag:$0x2] =	stream.strided.gather [hbm4b:s20+s13], $0x1000, s12, s13, $0x38;
	[tilespmem:$0x1F600] =	vst v63  }
0x1af: {  	p0 =	por !p0, !p0;
	s20 =	sadd.s32 s21, s26;
	s21 =	simm.s32 $0x1  }
0x1b0: {  	s20 =	sshrl.u32 s20, $0x7;
	s21 =	simm.s32 @!p0 $0x0  }
0x1b1: {  	s20 =	ssub.s32 s20, s21  }
0x1b2: {  	s20 =	sshll.u32 s20, $0x7  }
0x1b3: {  	s20 =	sand.u32 $0x1FFFFF80, s20  }
0x1b4: {  	s30 =	rddreg [dreg:$0x16];
	s20 =	sadd.s32 s1, s20;
	s31 =	spop (v2sf)  }
0x1b5: {  	[tilespmem:s30], [sflag:$0x2] =	stream.strided.gather [hbm4b:s20+s13], $0x1000, s12, s13, $0x38;
	[tilespmem:$0x1F600] =	vst v63  }
0x1b6: {  	(v2sf) =	vpush v1, $0x6;
	s22 =	sand.u32 $0x7F, s31  }
0x1b7: {  	s23 =	sshra.s32 s31, $0x1F;
	p2 =	slt.s32 s31, $0x1;
	p1 =	sne.s32 s22, $0x0  }
0x1b8: {  	s21 =	sshrl.u32 s23, $0x19;
	p0 =	por !p2, !p1  }
0x1b9: {  	s20 =	sadd.s32 s21, s31;
	s21 =	simm.s32 $0x1;
	p0 =	por !p0, !p0  }
0x1ba: {  	s20 =	sshrl.u32 s20, $0x7;
	s21 =	simm.s32 @!p0 $0x0  }
0x1bb: {  	s24 =	rddreg [dreg:$0x17];
	s25 =	spop (v2sf);
	s20 =	ssub.s32 s20, s21  }
0x1bc: {  	s26 =	sand.u32 $0x7F, s25;
	s28 =	sshra.s32 s25, $0x1F;
	s20 =	sshll.u32 s20, $0x7  }
0x1bd: {  	(v2sf) =	vpush v1, $0x7;
	p4 =	slt.s32 s25, $0x1;
	p3 =	sne.s32 s26, $0x0;
	s20 =	sand.u32 $0x1FFFFF80, s20  }
0x1be: {  	p0 =	por !p4, !p3;
	s21 =	sshrl.u32 s28, $0x19;
	s20 =	sadd.s32 s1, s20  }
0x1bf: {  	[tilespmem:s24], [sflag:$0x2] =	stream.strided.gather [hbm4b:s20+s13], $0x1000, s12, s13, $0x38;
	[tilespmem:$0x1F600] =	vst v63  }
0x1c0: {  	p0 =	por !p0, !p0;
	s20 =	sadd.s32 s21, s25;
	s21 =	simm.s32 $0x1  }
0x1c1: {  	s20 =	sshrl.u32 s20, $0x7;
	s21 =	simm.s32 @!p0 $0x0  }
0x1c2: {  	s20 =	ssub.s32 s20, s21  }
0x1c3: {  	s20 =	sshll.u32 s20, $0x7  }
0x1c4: {  	s20 =	sand.u32 $0x1FFFFF80, s20  }
0x1c5: {  	s29 =	rddreg [dreg:$0x18];
	s20 =	sadd.s32 s1, s20;
	s30 =	spop (v2sf)  }
0x1c6: {  	[tilespmem:s29], [sflag:$0x2] =	stream.strided.gather [hbm4b:s20+s13], $0x1000, s12, s13, $0x38;
	[tilespmem:$0x1F600] =	vst v63  }
0x1c7: {  	(v2sf) =	vpush v1, $0x8;
	s31 =	sand.u32 $0x7F, s30  }
0x1c8: {  	s22 =	sshra.s32 s30, $0x1F;
	p6 =	slt.s32 s30, $0x1;
	p5 =	sne.s32 s31, $0x0  }
0x1c9: {  	s21 =	sshrl.u32 s22, $0x19;
	p0 =	por !p6, !p5  }
0x1ca: {  	s20 =	sadd.s32 s21, s30;
	s21 =	simm.s32 $0x1;
	p0 =	por !p0, !p0  }
0x1cb: {  	s20 =	sshrl.u32 s20, $0x7;
	s21 =	simm.s32 @!p0 $0x0  }
0x1cc: {  	s23 =	rddreg [dreg:$0x19];
	s24 =	spop (v2sf);
	s20 =	ssub.s32 s20, s21  }
0x1cd: {  	s25 =	sand.u32 $0x7F, s24;
	s26 =	sshra.s32 s24, $0x1F;
	s20 =	sshll.u32 s20, $0x7  }
0x1ce: {  	(v2sf) =	vpush v1, $0x9;
	p2 =	slt.s32 s24, $0x1;
	p1 =	sne.s32 s25, $0x0;
	s20 =	sand.u32 $0x1FFFFF80, s20  }
0x1cf: {  	p0 =	por !p2, !p1;
	s21 =	sshrl.u32 s26, $0x19;
	s20 =	sadd.s32 s1, s20  }
0x1d0: {  	[tilespmem:s23], [sflag:$0x2] =	stream.strided.gather [hbm4b:s20+s13], $0x1000, s12, s13, $0x38;
	[tilespmem:$0x1F600] =	vst v63  }
0x1d1: {  	p0 =	por !p0, !p0;
	s20 =	sadd.s32 s21, s24;
	s21 =	simm.s32 $0x1  }
0x1d2: {  	s20 =	sshrl.u32 s20, $0x7;
	s21 =	simm.s32 @!p0 $0x0  }
0x1d3: {  	s20 =	ssub.s32 s20, s21  }
0x1d4: {  	s20 =	sshll.u32 s20, $0x7  }
0x1d5: {  	s20 =	sand.u32 $0x1FFFFF80, s20  }
0x1d6: {  	s28 =	rddreg [dreg:$0x1a];
	s20 =	sadd.s32 s1, s20;
	s29 =	spop (v2sf)  }
0x1d7: {  	[tilespmem:s28], [sflag:$0x2] =	stream.strided.gather [hbm4b:s20+s13], $0x1000, s12, s13, $0x38;
	[tilespmem:$0x1F600] =	vst v63  }
0x1d8: {  	(v2sf) =	vpush v1, $0xA;
	s30 =	sand.u32 $0x7F, s29  }
0x1d9: {  	s31 =	sshra.s32 s29, $0x1F;
	p4 =	slt.s32 s29, $0x1;
	p3 =	sne.s32 s30, $0x0  }
0x1da: {  	s21 =	sshrl.u32 s31, $0x19;
	p0 =	por !p4, !p3  }
0x1db: {  	s20 =	sadd.s32 s21, s29;
	s21 =	simm.s32 $0x1;
	p0 =	por !p0, !p0  }
0x1dc: {  	s20 =	sshrl.u32 s20, $0x7;
	s21 =	simm.s32 @!p0 $0x0  }
0x1dd: {  	s22 =	rddreg [dreg:$0x1b];
	s23 =	spop (v2sf);
	s20 =	ssub.s32 s20, s21  }
0x1de: {  	s24 =	sand.u32 $0x7F, s23;
	s25 =	sshra.s32 s23, $0x1F;
	s20 =	sshll.u32 s20, $0x7  }
0x1df: {  	(v2sf) =	vpush v1, $0xB;
	p6 =	slt.s32 s23, $0x1;
	p5 =	sne.s32 s24, $0x0;
	s20 =	sand.u32 $0x1FFFFF80, s20  }
0x1e0: {  	p0 =	por !p6, !p5;
	s21 =	sshrl.u32 s25, $0x19;
	s20 =	sadd.s32 s1, s20  }
0x1e1: {  	[tilespmem:s22], [sflag:$0x2] =	stream.strided.gather [hbm4b:s20+s13], $0x1000, s12, s13, $0x38;
	[tilespmem:$0x1F600] =	vst v63  }
0x1e2: {  	p0 =	por !p0, !p0;
	s20 =	sadd.s32 s21, s23;
	s21 =	simm.s32 $0x1  }
0x1e3: {  	s20 =	sshrl.u32 s20, $0x7;
	s21 =	simm.s32 @!p0 $0x0  }
0x1e4: {  	s20 =	ssub.s32 s20, s21  }
0x1e5: {  	s20 =	sshll.u32 s20, $0x7  }
0x1e6: {  	s20 =	sand.u32 $0x1FFFFF80, s20  }
0x1e7: {  	s26 =	rddreg [dreg:$0x1c];
	s20 =	sadd.s32 s1, s20;
	s28 =	spop (v2sf)  }
0x1e8: {  	[tilespmem:s26], [sflag:$0x2] =	stream.strided.gather [hbm4b:s20+s13], $0x1000, s12, s13, $0x38;
	[tilespmem:$0x1F600] =	vst v63  }
0x1e9: {  	(v2sf) =	vpush v1, $0xC;
	s29 =	sand.u32 $0x7F, s28  }
0x1ea: {  	s30 =	sshra.s32 s28, $0x1F;
	p2 =	slt.s32 s28, $0x1;
	p1 =	sne.s32 s29, $0x0  }
0x1eb: {  	s21 =	sshrl.u32 s30, $0x19;
	p0 =	por !p2, !p1  }
0x1ec: {  	s20 =	sadd.s32 s21, s28;
	s21 =	simm.s32 $0x1;
	p0 =	por !p0, !p0  }
0x1ed: {  	s20 =	sshrl.u32 s20, $0x7;
	s21 =	simm.s32 @!p0 $0x0  }
0x1ee: {  	s31 =	rddreg [dreg:$0x1d];
	s22 =	spop (v2sf);
	s20 =	ssub.s32 s20, s21  }
0x1ef: {  	s23 =	sand.u32 $0x7F, s22;
	s24 =	sshra.s32 s22, $0x1F;
	s20 =	sshll.u32 s20, $0x7  }
0x1f0: {  	(v2sf) =	vpush v1, $0xD;
	p4 =	slt.s32 s22, $0x1;
	p3 =	sne.s32 s23, $0x0;
	s20 =	sand.u32 $0x1FFFFF80, s20  }
0x1f1: {  	p0 =	por !p4, !p3;
	s21 =	sshrl.u32 s24, $0x19;
	s20 =	sadd.s32 s1, s20  }
0x1f2: {  	[tilespmem:s31], [sflag:$0x2] =	stream.strided.gather [hbm4b:s20+s13], $0x1000, s12, s13, $0x38;
	[tilespmem:$0x1F600] =	vst v63  }
0x1f3: {  	p0 =	por !p0, !p0;
	s20 =	sadd.s32 s21, s22;
	s21 =	simm.s32 $0x1  }
0x1f4: {  	s20 =	sshrl.u32 s20, $0x7;
	s21 =	simm.s32 @!p0 $0x0  }
0x1f5: {  	s20 =	ssub.s32 s20, s21  }
0x1f6: {  	s20 =	sshll.u32 s20, $0x7  }
0x1f7: {  	s20 =	sand.u32 $0x1FFFFF80, s20  }
0x1f8: {  	s25 =	rddreg [dreg:$0x1e];
	s20 =	sadd.s32 s1, s20;
	s26 =	spop (v2sf)  }
0x1f9: {  	[tilespmem:s25], [sflag:$0x2] =	stream.strided.gather [hbm4b:s20+s13], $0x1000, s12, s13, $0x38;
	[tilespmem:$0x1F600] =	vst v63  }
0x1fa: {  	s28 =	sand.u32 $0x7F, s26  }
0x1fb: {  	s29 =	sshra.s32 s26, $0x1F;
	p6 =	slt.s32 s26, $0x1;
	p5 =	sne.s32 s28, $0x0  }
0x1fc: {  	s21 =	sshrl.u32 s29, $0x19;
	p0 =	por !p6, !p5  }
0x1fd: {  	s20 =	sadd.s32 s21, s26;
	s21 =	simm.s32 $0x1;
	p0 =	por !p0, !p0  }
0x1fe: {  	s20 =	sshrl.u32 s20, $0x7;
	s21 =	simm.s32 @!p0 $0x0  }
0x1ff: {  	s30 =	rddreg [dreg:$0x1f];
	s31 =	spop (v2sf);
	s20 =	ssub.s32 s20, s21  }
0x200: {  	s22 =	sand.u32 $0x7F, s31;
	s23 =	sshra.s32 s31, $0x1F;
	s20 =	sshll.u32 s20, $0x7  }
0x201: {  	p2 =	slt.s32 s31, $0x1;
	p1 =	sne.s32 s22, $0x0;
	s20 =	sand.u32 $0x1FFFFF80, s20  }
0x202: {  	p0 =	por !p2, !p1;
	s21 =	sshrl.u32 s23, $0x19;
	s20 =	sadd.s32 s1, s20  }
0x203: {  	[tilespmem:s30], [sflag:$0x2] =	stream.strided.gather [hbm4b:s20+s13], $0x1000, s12, s13, $0x38;
	[tilespmem:$0x1F600] =	vst v63  }
0x204: {  	p0 =	por !p0, !p0;
	s20 =	sadd.s32 s21, s31;
	s21 =	simm.s32 $0x1  }
0x205: {  	v2 =	vand.u32 $0x7F, v2;
	s20 =	sshrl.u32 s20, $0x7;
	s21 =	simm.s32 @!p0 $0x0  }
0x206: {  	v3 =	vor.u32 v0, v2;
	s20 =	ssub.s32 s20, s21  }
0x207: {  	s24 =	sld [smem:$0x7FD];
	s20 =	sshll.u32 s20, $0x7  }
0x208: {  	s20 =	sand.u32 $0x1FFFFF80, s20  }
0x209: {  	s20 =	sadd.s32 s1, s20  }
0x20a: {  	[tilespmem:s24], [sflag:$0x2] =	stream.strided.gather [hbm4b:s20+s13], $0x1000, s12, s13, $0x38;
	[tilespmem:$0x1F600] =	vst v63  }
0x20b: {  	v3 =	vld.idx.msk [tilespmem:v3+s13+$0x0], $0xffff  }
0x20c: {  	v4 =	vor.u32 v13, v2;
	_ =	sdelay $0x3  }
0x20d: {  	[tilespmem:$0x1E400] =	vst v3  }
0x20e: {  	v3 =	vld.idx.msk [tilespmem:v4+s13+$0x0], $0xffff  }
0x20f: {  	v4 =	vor.u32 v5, v2;
	_ =	sdelay $0x3  }
0x210: {  	[tilespmem:$0x1E480] =	vst v3  }
0x211: {  	v3 =	vld.idx.msk [tilespmem:v4+s13+$0x0], $0xffff  }
0x212: {  	v4 =	vor.u32 v6, v2;
	_ =	sdelay $0x3  }
0x213: {  	[tilespmem:$0x1E500] =	vst v3  }
0x214: {  	v3 =	vld.idx.msk [tilespmem:v4+s13+$0x0], $0xffff  }
0x215: {  	v4 =	vor.u32 v7, v2;
	_ =	sdelay $0x3  }
0x216: {  	[tilespmem:$0x1E580] =	vst v3  }
0x217: {  	v3 =	vld.idx.msk [tilespmem:v4+s13+$0x0], $0xffff  }
0x218: {  	v4 =	vor.u32 v8, v2;
	_ =	sdelay $0x3  }
0x219: {  	[tilespmem:$0x1E600] =	vst v3  }
0x21a: {  	v3 =	vld.idx.msk [tilespmem:v4+s13+$0x0], $0xffff  }
0x21b: {  	v4 =	vor.u32 v9, v2;
	_ =	sdelay $0x3  }
0x21c: {  	[tilespmem:$0x1E680] =	vst v3  }
0x21d: {  	v3 =	vld.idx.msk [tilespmem:v4+s13+$0x0], $0xffff  }
0x21e: {  	v4 =	vor.u32 v10, v2;
	_ =	sdelay $0x3  }
0x21f: {  	[tilespmem:$0x1E700] =	vst v3  }
0x220: {  	v3 =	vld.idx.msk [tilespmem:v4+s13+$0x0], $0xffff  }
0x221: {  	v4 =	vor.u32 v11, v2;
	_ =	sdelay $0x3  }
0x222: {  	[tilespmem:$0x1E780] =	vst v3  }
0x223: {  	v3 =	vld.idx.msk [tilespmem:v4+s13+$0x0], $0xffff  }
0x224: {  	v4 =	vor.u32 v12, v2;
	_ =	sdelay $0x3  }
0x225: {  	[tilespmem:$0x1E800] =	vst v3  }
0x226: {  	v3 =	vld.idx.msk [tilespmem:v4+s13+$0x0], $0xffff  }
0x227: {  	v4 =	vor.u32 v14, v2;
	_ =	sdelay $0x3  }
0x228: {  	[tilespmem:$0x1E880] =	vst v3  }
0x229: {  	v3 =	vld.idx.msk [tilespmem:v4+s13+$0x0], $0xffff  }
0x22a: {  	v4 =	vor.u32 v15, v2;
	_ =	sdelay $0x3  }
0x22b: {  	[tilespmem:$0x1E900] =	vst v3  }
0x22c: {  	v3 =	vld.idx.msk [tilespmem:v4+s13+$0x0], $0xffff  }
0x22d: {  	v4 =	vor.u32 v16, v2;
	_ =	sdelay $0x3  }
0x22e: {  	[tilespmem:$0x1E980] =	vst v3  }
0x22f: {  	v3 =	vld.idx.msk [tilespmem:v4+s13+$0x0], $0xffff  }
0x230: {  	v4 =	vor.u32 v17, v2;
	_ =	sdelay $0x3  }
0x231: {  	[tilespmem:$0x1EA00] =	vst v3  }
0x232: {  	v3 =	vld.idx.msk [tilespmem:v4+s13+$0x0], $0xffff  }
0x233: {  	v4 =	vor.u32 v18, v2;
	_ =	sdelay $0x3  }
0x234: {  	[tilespmem:$0x1EA80] =	vst v3  }
0x235: {  	v3 =	vld.idx.msk [tilespmem:v4+s13+$0x0], $0xffff  }
0x236: {  	v4 =	vor.u32 v19, v2;
	_ =	sdelay $0x3  }
0x237: {  	[tilespmem:$0x1EB00] =	vst v3  }
0x238: {  	v3 =	vld.idx.msk [tilespmem:v4+s13+$0x0], $0xffff  }
0x239: {  	v4 =	vor.u32 v20, v2;
	_ =	sdelay $0x3  }
0x23a: {  	[tilespmem:$0x1EB80] =	vst v3  }
0x23b: {  	v3 =	vld.idx.msk [tilespmem:v4+s13+$0x0], $0xffff  }
0x23c: {  	v4 =	vor.u32 v21, v2;
	_ =	sdelay $0x3  }
0x23d: {  	[tilespmem:$0x1EC00] =	vst v3  }
0x23e: {  	v3 =	vld.idx.msk [tilespmem:v4+s13+$0x0], $0xffff  }
0x23f: {  	v4 =	vor.u32 v22, v2;
	_ =	sdelay $0x3  }
0x240: {  	[tilespmem:$0x1EC80] =	vst v3  }
0x241: {  	v3 =	vld.idx.msk [tilespmem:v4+s13+$0x0], $0xffff  }
0x242: {  	v4 =	vor.u32 v23, v2;
	_ =	sdelay $0x3  }
0x243: {  	[tilespmem:$0x1ED00] =	vst v3  }
0x244: {  	v3 =	vld.idx.msk [tilespmem:v4+s13+$0x0], $0xffff  }
0x245: {  	v4 =	vor.u32 v24, v2;
	_ =	sdelay $0x3  }
0x246: {  	[tilespmem:$0x1ED80] =	vst v3  }
0x247: {  	v3 =	vld.idx.msk [tilespmem:v4+s13+$0x0], $0xffff  }
0x248: {  	v4 =	vor.u32 v25, v2;
	_ =	sdelay $0x3  }
0x249: {  	[tilespmem:$0x1EE00] =	vst v3  }
0x24a: {  	v3 =	vld.idx.msk [tilespmem:v4+s13+$0x0], $0xffff  }
0x24b: {  	v4 =	vor.u32 v26, v2;
	_ =	sdelay $0x3  }
0x24c: {  	[tilespmem:$0x1EE80] =	vst v3  }
0x24d: {  	v3 =	vld.idx.msk [tilespmem:v4+s13+$0x0], $0xffff  }
0x24e: {  	v4 =	vor.u32 v27, v2;
	_ =	sdelay $0x3  }
0x24f: {  	[tilespmem:$0x1EF00] =	vst v3  }
0x250: {  	v3 =	vld.idx.msk [tilespmem:v4+s13+$0x0], $0xffff  }
0x251: {  	v4 =	vor.u32 v28, v2;
	_ =	sdelay $0x3  }
0x252: {  	[tilespmem:$0x1EF80] =	vst v3  }
0x253: {  	v3 =	vld.idx.msk [tilespmem:v4+s13+$0x0], $0xffff  }
0x254: {  	v4 =	vor.u32 v29, v2;
	_ =	sdelay $0x3  }
0x255: {  	[tilespmem:$0x1F000] =	vst v3  }
0x256: {  	v3 =	vld.idx.msk [tilespmem:v4+s13+$0x0], $0xffff  }
0x257: {  	v4 =	vor.u32 v30, v2;
	_ =	sdelay $0x3  }
0x258: {  	[tilespmem:$0x1F080] =	vst v3  }
0x259: {  	v3 =	vld.idx.msk [tilespmem:v4+s13+$0x0], $0xffff  }
0x25a: {  	v4 =	vor.u32 v31, v2;
	_ =	sdelay $0x3  }
0x25b: {  	[tilespmem:$0x1F100] =	vst v3  }
0x25c: {  	v3 =	vld.idx.msk [tilespmem:v4+s13+$0x0], $0xffff  }
0x25d: {  	v4 =	vor.u32 v32, v2;
	_ =	sdelay $0x3  }
0x25e: {  	(v2sf) =	vpush v1, $0xE;
	[tilespmem:$0x1F180] =	vst v3  }
0x25f: {  	v3 =	vld.idx.msk [tilespmem:v4+s13+$0x0], $0xffff  }
0x260: {  	v4 =	vor.u32 v33, v2;
	_ =	sdelay $0x3  }
0x261: {  	(v2sf) =	vpush v1, $0xF;
	[tilespmem:$0x1F200] =	vst v3  }
0x262: {  	v3 =	vld.idx.msk [tilespmem:v4+s13+$0x0], $0xffff  }
0x263: {  	v4 =	vor.u32 v35, v2;
	_ =	sdelay $0x3  }
0x264: {  	[tilespmem:$0x1F280] =	vst v3  }
0x265: {  	v3 =	vld.idx.msk [tilespmem:v4+s13+$0x0], $0xffff  }
0x266: {  	v2 =	vor.u32 v38, v2  }
0x267: {  	s25 =	spop (v2sf)  }
0x268: {  	s26 =	sand.u32 $0x7F, s25  }
0x269: {  	s28 =	sshra.s32 s25, $0x1F;
	p4 =	slt.s32 s25, $0x1;
	p3 =	sne.s32 s26, $0x0  }
0x26a: {  	s21 =	sshrl.u32 s28, $0x19;
	p0 =	por !p4, !p3;
	[tilespmem:$0x1F300] =	vst v3  }
0x26b: {  	s20 =	sadd.s32 s21, s25;
	s21 =	simm.s32 $0x1;
	p0 =	por !p0, !p0;
	v2 =	vld.idx.msk [tilespmem:v2+s13+$0x0], $0xffff  }
0x26c: {  	s20 =	sshrl.u32 s20, $0x7;
	s21 =	simm.s32 @!p0 $0x0  }
0x26d: {  	s29 =	spop (v2sf);
	s20 =	ssub.s32 s20, s21  }
0x26e: {  	s30 =	sand.u32 $0x7F, s29;
	s31 =	sshra.s32 s29, $0x1F;
	s20 =	sshll.u32 s20, $0x7  }
0x26f: {  	p6 =	slt.s32 s29, $0x1;
	p5 =	sne.s32 s30, $0x0;
	s20 =	sand.u32 $0x1FFFFF80, s20  }
0x270: {  	p0 =	por !p6, !p5;
	s21 =	sshrl.u32 s31, $0x19;
	s20 =	sadd.s32 s1, s20;
	[tilespmem:$0x1F380] =	vst v2  }
0x271: {  	[tilespmem:s13], [sflag:$0x2] =	stream.strided.gather [hbm4b:s20+s13], $0x1000, s12, s13, $0x38;
	[tilespmem:$0x1F600] =	vst v63  }
0x272: {  	p0 =	por !p0, !p0;
	s20 =	sadd.s32 s21, s29;
	s21 =	simm.s32 $0x1  }
0x273: {  	s20 =	sshrl.u32 s20, $0x7;
	s21 =	simm.s32 @!p0 $0x0  }
0x274: {  	s20 =	ssub.s32 s20, s21  }
0x275: {  	s20 =	sshll.u32 s20, $0x7  }
0x276: {  	s20 =	sand.u32 $0x1FFFFF80, s20  }
0x277: {  	s20 =	sadd.s32 s1, s20  }
0x278: {  	[tilespmem:s14], [sflag:$0x2] =	stream.strided.gather [hbm4b:s20+s13], $0x1000, s12, s13, $0x38;
	[tilespmem:$0x1F600] =	vst v63  }
0x279: {  	_ =	swait.ge [sflag:s15], $0x1000  }
0x27a: {  	[sflag:s15] =	ssyncset.done $0x0  }
0x27b: {  	[sflag:s15] =	ssyncadd.s32 $0xFFFFF000  }
0x27c: {  	_ =	swait.ge [sflag:s15], $0x1000  }
0x27d: {  	[sflag:s15] =	ssyncset.done $0x0  }
0x27e: {  	[sflag:s15] =	ssyncadd.s32 $0xFFFFF000  }
0x27f: {  	_ =	swait.ge [sflag:s15], $0x1000  }
0x280: {  	[sflag:s15] =	ssyncset.done $0x0  }
0x281: {  	[sflag:s15] =	ssyncadd.s32 $0xFFFFF000  }
0x282: {  	_ =	swait.ge [sflag:s15], $0x1000  }
0x283: {  	[sflag:s15] =	ssyncset.done $0x0  }
0x284: {  	[sflag:s15] =	ssyncadd.s32 $0xFFFFF000  }
0x285: {  	_ =	swait.ge [sflag:s15], $0x1000  }
0x286: {  	[sflag:s15] =	ssyncset.done $0x0  }
0x287: {  	[sflag:s15] =	ssyncadd.s32 $0xFFFFF000  }
0x288: {  	_ =	swait.ge [sflag:s15], $0x1000  }
0x289: {  	[sflag:s15] =	ssyncset.done $0x0  }
0x28a: {  	[sflag:s15] =	ssyncadd.s32 $0xFFFFF000  }
0x28b: {  	_ =	swait.ge [sflag:s15], $0x1000  }
0x28c: {  	[sflag:s15] =	ssyncset.done $0x0  }
0x28d: {  	[sflag:s15] =	ssyncadd.s32 $0xFFFFF000  }
0x28e: {  	_ =	swait.ge [sflag:s15], $0x1000  }
0x28f: {  	[sflag:s15] =	ssyncset.done $0x0  }
0x290: {  	[sflag:s15] =	ssyncadd.s32 $0xFFFFF000  }
0x291: {  	_ =	swait.ge [sflag:s15], $0x1000  }
0x292: {  	[sflag:s15] =	ssyncset.done $0x0  }
0x293: {  	[sflag:s15] =	ssyncadd.s32 $0xFFFFF000  }
0x294: {  	_ =	swait.ge [sflag:s15], $0x1000  }
0x295: {  	[sflag:s15] =	ssyncset.done $0x0  }
0x296: {  	[sflag:s15] =	ssyncadd.s32 $0xFFFFF000  }
0x297: {  	_ =	swait.ge [sflag:s15], $0x1000  }
0x298: {  	[sflag:s15] =	ssyncset.done $0x0  }
0x299: {  	[sflag:s15] =	ssyncadd.s32 $0xFFFFF000  }
0x29a: {  	_ =	swait.ge [sflag:s15], $0x1000  }
0x29b: {  	[sflag:s15] =	ssyncset.done $0x0  }
0x29c: {  	[sflag:s15] =	ssyncadd.s32 $0xFFFFF000  }
0x29d: {  	_ =	swait.ge [sflag:s15], $0x1000  }
0x29e: {  	[sflag:s15] =	ssyncset.done $0x0  }
0x29f: {  	[sflag:s15] =	ssyncadd.s32 $0xFFFFF000  }
0x2a0: {  	_ =	swait.ge [sflag:s15], $0x1000  }
0x2a1: {  	[sflag:s15] =	ssyncset.done $0x0  }
0x2a2: {  	[sflag:s15] =	ssyncadd.s32 $0xFFFFF000  }
0x2a3: {  	v1 =	vand.u32 $0x7F, v1;
	_ =	swait.ge [sflag:s15], $0x1000  }
0x2a4: {  	v2 =	vor.u32 v41, v1;
	[sflag:s15] =	ssyncset.done $0x0  }
0x2a5: {  	[sflag:s15] =	ssyncadd.s32 $0xFFFFF000  }
0x2a6: {  	v3 =	vor.u32 v44, v1;
	_ =	swait.ge [sflag:s15], $0x1000  }
0x2a7: {  	[sflag:s15] =	ssyncset.done $0x0  }
0x2a8: {  	v39 =	vmov v15;
	v15 =	vmov v6;
	v6 =	vld [tilespmem:$0x1FE60];
	[sflag:s15] =	ssyncadd.s32 $0xFFFFF000  }
0x2a9: {  	v43 =	vmov v38;
	v2 =	vld.idx.msk [tilespmem:v2+s13+$0x0], $0xffff  }
0x2aa: {  	v38 =	vmovc v30;
	v30 =	vmovc v22;
	v22 =	vmov v14;
	v14 =	vmov v5;
	v4 =	vor.u32 v34, v1;
	v5 =	vld [tilespmem:$0x1E400]  }
0x2ab: {  	v40 =	vmov v32;
	v45 =	vmov v17;
	v3 =	vld.idx.msk [tilespmem:v3+s13+$0x0], $0xffff  }
0x2ac: {  	v17 =	vmovc v8;
	v8 =	vor.u32 v36, v1;
	v32 =	vmovc v24;
	v24 =	vmov v16;
	v16 =	vmov v7;
	v7 =	vld [tilespmem:$0x1E480]  }
0x2ad: {  	v48 =	vmov v20;
	v20 =	vmov v11;
	v11 =	vld [tilespmem:$0x1FE70];
	v6 =	vor.u32 v6, v1  }
0x2ae: {  	v60 =	vmov v29;
	v29 =	vmov v21;
	v21 =	vmov v12;
	v12 =	vld [tilespmem:$0x1FE80]  }
0x2af: {  	v4 =	vld.idx.msk [tilespmem:v4+s13+$0x0], $0xffff  }
0x2b0: {  	v46 =	vmovc v18;
	v42 =	vmovc v19;
	v18 =	vmov v9;
	v19 =	vmov v10;
	v10 =	vor.u32 v37, v1;
	v9 =	vld [tilespmem:$0x1E500]  }
0x2b1: {  	v2 =	vmul.f32 v5, v2;
	v3 =	vmul.f32 v7, v3;
	v7 =	vld.idx.msk [tilespmem:v8+s13+$0x0], $0xffff  }
0x2b2: {  	v5 =	vld.idx.msk [tilespmem:v6+s13+$0x0], $0xffff  }
0x2b3: {  	v11 =	vor.u32 v11, v1;
	v2 =	vadd.f32 $0.0e+00, v2;
	v6 =	vld [tilespmem:$0x1E580]  }
0x2b4: {  	v8 =	vld [tilespmem:$0x1E600]  }
0x2b5: {  	v12 =	vor.u32 v12, v1;
	v2 =	vadd.f32 v3, v2;
	v3 =	vmul.f32 v9, v4;
	v4 =	vld.idx.msk [tilespmem:v10+s13+$0x0], $0xffff  }
0x2b6: {  	v9 =	vld [tilespmem:$0x1E680]  }
0x2b7: {  	v10 =	vld [tilespmem:$0x1FE90]  }
0x2b8: {  	v2 =	vadd.f32 v3, v2;
	v3 =	vmul.f32 v6, v5;
	v5 =	vld.idx.msk [tilespmem:v11+s13+$0x0], $0xffff  }
0x2b9: {  	v11 =	vld [tilespmem:$0x1FEA0]  }
0x2ba: {  	v2 =	vadd.f32 v3, v2;
	v3 =	vmul.f32 v8, v7;
	v7 =	vld.idx.msk [tilespmem:v12+s13+$0x0], $0xffff  }
0x2bb: {  	v12 =	vld [tilespmem:$0x1FEB0]  }
0x2bc: {  	v10 =	vor.u32 v10, v1;
	_ =	sdelay $0x1  }
0x2bd: {  	v6 =	vld [tilespmem:$0x1E700];
	v11 =	vor.u32 v11, v1  }
0x2be: {  	v8 =	vld [tilespmem:$0x1E780]  }
0x2bf: {  	v2 =	vadd.f32 v3, v2;
	v3 =	vmul.f32 v9, v4;
	v9 =	vld [tilespmem:$0x1E800];
	v12 =	vor.u32 v12, v1  }
0x2c0: {  	v4 =	vld.idx.msk [tilespmem:v10+s13+$0x0], $0xffff  }
0x2c1: {  	v10 =	vld [tilespmem:$0x1FEC0]  }
0x2c2: {  	v2 =	vadd.f32 v3, v2;
	v3 =	vmul.f32 v6, v5;
	v5 =	vld.idx.msk [tilespmem:v11+s13+$0x0], $0xffff  }
0x2c3: {  	v11 =	vld [tilespmem:$0x1FED0]  }
0x2c4: {  	v2 =	vadd.f32 v3, v2;
	v3 =	vmul.f32 v8, v7;
	v7 =	vld.idx.msk [tilespmem:v12+s13+$0x0], $0xffff  }
0x2c5: {  	v12 =	vld [tilespmem:$0x1FEE0]  }
0x2c6: {  	v10 =	vor.u32 v10, v1;
	_ =	sdelay $0x1  }
0x2c7: {  	v6 =	vld [tilespmem:$0x1E880];
	v11 =	vor.u32 v11, v1  }
0x2c8: {  	v8 =	vld [tilespmem:$0x1E900]  }
0x2c9: {  	v2 =	vadd.f32 v3, v2;
	v3 =	vmul.f32 v9, v4;
	v9 =	vld [tilespmem:$0x1E980];
	v12 =	vor.u32 v12, v1  }
0x2ca: {  	v4 =	vld.idx.msk [tilespmem:v10+s13+$0x0], $0xffff  }
0x2cb: {  	v10 =	vld [tilespmem:$0x1FEF0]  }
0x2cc: {  	v2 =	vadd.f32 v3, v2;
	v3 =	vmul.f32 v6, v5;
	v5 =	vld.idx.msk [tilespmem:v11+s13+$0x0], $0xffff  }
0x2cd: {  	v11 =	vld [tilespmem:$0x1FF00]  }
0x2ce: {  	v2 =	vadd.f32 v3, v2;
	v3 =	vmul.f32 v8, v7;
	v7 =	vld.idx.msk [tilespmem:v12+s13+$0x0], $0xffff  }
0x2cf: {  	v12 =	vld [tilespmem:$0x1FF10]  }
0x2d0: {  	v10 =	vor.u32 v10, v1  }
0x2d1: {  	v6 =	vld [tilespmem:$0x1EA00]  }
0x2d2: {  	v11 =	vor.u32 v11, v1  }
0x2d3: {  	v8 =	vld [tilespmem:$0x1EA80]  }
0x2d4: {  	v2 =	vadd.f32 v3, v2;
	v3 =	vmul.f32 v9, v4;
	v9 =	vld [tilespmem:$0x1EB00];
	v12 =	vor.u32 v12, v1  }
0x2d5: {  	v4 =	vld.idx.msk [tilespmem:v10+s13+$0x0], $0xffff;
	v10 =	vor.u32 v61, v1  }
0x2d6: {  	v2 =	vadd.f32 v3, v2;
	v3 =	vmul.f32 v6, v5;
	v6 =	vld [tilespmem:$0x1EB80]  }
0x2d7: {  	v5 =	vld.idx.msk [tilespmem:v11+s13+$0x0], $0xffff;
	v11 =	vor.u32 v62, v1  }
0x2d8: {  	v2 =	vadd.f32 v3, v2;
	v3 =	vmul.f32 v8, v7;
	v8 =	vld [tilespmem:$0x1EC00]  }
0x2d9: {  	v7 =	vld.idx.msk [tilespmem:v12+s13+$0x0], $0xffff;
	v12 =	vor.u32 v63, v1  }
0x2da: {  	v2 =	vadd.f32 v3, v2;
	v3 =	vmul.f32 v9, v4;
	v4 =	vld.idx.msk [tilespmem:v10+s13+$0x0], $0xffff  }
0x2db: {  	v9 =	vld [tilespmem:$0x1EC80];
	v10 =	vor.u32 v47, v1  }
0x2dc: {  	v2 =	vadd.f32 v3, v2;
	v3 =	vmul.f32 v6, v5;
	v5 =	vld.idx.msk [tilespmem:v11+s13+$0x0], $0xffff  }
0x2dd: {  	v6 =	vld [tilespmem:$0x1ED00];
	v11 =	vor.u32 v50, v1  }
0x2de: {  	v2 =	vadd.f32 v3, v2;
	v3 =	vmul.f32 v8, v7;
	v7 =	vld.idx.msk [tilespmem:v12+s13+$0x0], $0xffff  }
0x2df: {  	v8 =	vld [tilespmem:$0x1ED80];
	v12 =	vor.u32 v51, v1  }
0x2e0: {  	v2 =	vadd.f32 v3, v2;
	v3 =	vmul.f32 v9, v4;
	v4 =	vld.idx.msk [tilespmem:v10+s13+$0x0], $0xffff  }
0x2e1: {  	v9 =	vld [tilespmem:$0x1EE00];
	v10 =	vor.u32 v52, v1  }
0x2e2: {  	v2 =	vadd.f32 v3, v2;
	v3 =	vmul.f32 v6, v5;
	v5 =	vld.idx.msk [tilespmem:v11+s13+$0x0], $0xffff  }
0x2e3: {  	v6 =	vld [tilespmem:$0x1EE80];
	v11 =	vor.u32 v53, v1  }
0x2e4: {  	v2 =	vadd.f32 v3, v2;
	v3 =	vmul.f32 v8, v7;
	v7 =	vld.idx.msk [tilespmem:v12+s13+$0x0], $0xffff  }
0x2e5: {  	v8 =	vld [tilespmem:$0x1EF00];
	v12 =	vor.u32 v54, v1  }
0x2e6: {  	v2 =	vadd.f32 v3, v2;
	v3 =	vmul.f32 v9, v4;
	v4 =	vld.idx.msk [tilespmem:v10+s13+$0x0], $0xffff  }
0x2e7: {  	v9 =	vld [tilespmem:$0x1EF80];
	v10 =	vor.u32 v55, v1  }
0x2e8: {  	v2 =	vadd.f32 v3, v2;
	v3 =	vmul.f32 v6, v5;
	v5 =	vld.idx.msk [tilespmem:v11+s13+$0x0], $0xffff  }
0x2e9: {  	v6 =	vld [tilespmem:$0x1F000];
	v11 =	vor.u32 v56, v1  }
0x2ea: {  	v2 =	vadd.f32 v3, v2;
	v3 =	vmul.f32 v8, v7;
	v7 =	vld.idx.msk [tilespmem:v12+s13+$0x0], $0xffff  }
0x2eb: {  	v8 =	vld [tilespmem:$0x1F080];
	v12 =	vor.u32 v57, v1  }
0x2ec: {  	v2 =	vadd.f32 v3, v2;
	v3 =	vmul.f32 v9, v4;
	v4 =	vld.idx.msk [tilespmem:v10+s13+$0x0], $0xffff  }
0x2ed: {  	v9 =	vld [tilespmem:$0x1F100];
	v10 =	vor.u32 v58, v1  }
0x2ee: {  	v2 =	vadd.f32 v3, v2;
	v3 =	vmul.f32 v6, v5;
	v5 =	vld.idx.msk [tilespmem:v11+s13+$0x0], $0xffff  }
0x2ef: {  	v6 =	vld [tilespmem:$0x1F180];
	v11 =	vor.u32 v59, v1  }
0x2f0: {  	v2 =	vadd.f32 v3, v2;
	v3 =	vmul.f32 v8, v7;
	v7 =	vld.idx.msk [tilespmem:v12+s13+$0x0], $0xffff  }
0x2f1: {  	v1 =	vor.u32 v49, v1;
	v8 =	vld [tilespmem:$0x1F200]  }
0x2f2: {  	v2 =	vadd.f32 v3, v2;
	v3 =	vmul.f32 v9, v4;
	v4 =	vld.idx.msk [tilespmem:v10+s13+$0x0], $0xffff  }
0x2f3: {  	v9 =	vld [tilespmem:$0x1F280]  }
0x2f4: {  	v2 =	vadd.f32 v3, v2;
	v3 =	vmul.f32 v6, v5;
	v5 =	vld.idx.msk [tilespmem:v11+s13+$0x0], $0xffff  }
0x2f5: {  	v6 =	vld [tilespmem:$0x1F300]  }
0x2f6: {  	v1 =	vld.idx.msk [tilespmem:v1+s13+$0x0], $0xffff;
	v2 =	vadd.f32 v3, v2;
	v3 =	vmul.f32 v8, v7  }
0x2f7: {  	v7 =	vld [tilespmem:$0x1F380]  }
0x2f8: {  	v2 =	vadd.f32 v3, v2;
	v3 =	vmul.f32 v9, v4;
	_ =	sdelay $0x1  }
0x2f9: {  	v2 =	vadd.f32 v3, v2;
	v3 =	vmul.f32 v6, v5  }
0x2fa: {  	p0 =	sne.s32 s18, $0x7C0  }
.Ltmp0:
0x2fb: {  	v12 =	vmovc v21;
	v21 =	vmovc v29;
	v29 =	vmov v60;
	v1 =	vmul.f32 v7, v1;
	v2 =	vadd.f32 v3, v2;
	(pc) =	sbr.rel @p0 .LBB2_2-.Ltmp0, $4  }
0x2fc: {  	v10 =	vmovc v19;
	v19 =	vmovc v42;
	v11 =	vmov v20;
	v20 =	vmov v48;
	v8 =	vmov v17  }
0x2fd: {  	v17 =	vmovc v45;
	v9 =	vmovc v18;
	v18 =	vmov v46;
	v6 =	vmov v15;
	v1 =	vadd.f32 v1, v2  }
0x2fe: {  	v15 =	vmovc v39;
	v5 =	vmovc v14;
	v14 =	vmov v22;
	v22 =	vmov v30;
	v30 =	vmov v38  }
0x2ff: {  	s18 =	sadd.s32 $0x40, s18;
	v38 =	vmovc v43;
	v7 =	vmovc v16;
	v16 =	vmov v24;
	v24 =	vmov v32;
	v32 =	vmov v40;
	[tilespmem:s19+$0x1F400] =	vst v1  }
0x300: {  	s17 =	sadd.s32 $0x1, s17  }
0x301: {  	p0 =	sne.s32 s17, s8  }
.Ltmp1:
0x302: {  	_ = 	snop;
	(pc) =	sbr.rel @p0 .LBB2_1-.Ltmp1, $4  }
0x303: {  	[hbm4b:s7+s3] =	stream.linear.scatter [tilespmem:s16], [sflag:$0x3], $0x200, $0x38;
	[tilespmem:$0x1F600] =	vst v63  }
0x304: {  	_ =	swait.ge [sflag:s9], $0x200  }
0x305: {  	[sflag:s9] =	ssyncset.done $0x0  }
0x306: {  	[sflag:s9] =	ssyncadd.s32 $0xFFFFFE00  }
0x307: {  	_ =	sfence.sel $0x180000  }
0x308: {  	[bflag:$0x0] =	sbarrier.arrive $0xFFFF  }
0x309: {  	p0 =	sne.s32 s4, $0x0;
	_ =	strace $0x90000047  }
0x30a: {  	s0 =	sadd.s32 @!p0 $0x100000, s2;
	[bflag:$0x2] =	sbarrier.arrive $0xFFFF  }
0x30b: {  	[sflag:s0] =	ssyncadd.tile.s32 @!p0 $0x1;
	_ =	shalt  }
.Lfunc_end2:
_tile_overlayer_lowered:
.L_overlay_start_2:
0x30c: {  	(tag) =	ssettag $0x2  }
0x30d: {  	s0 =	rddreg [dreg:$0x0];
	s2 =	stileid.u32  }
0x30e: {  	s1 =	rddreg [dreg:$0x1];
	p0 =	sne.s32 s2, $0x0  }
0x30f: {  	s3 =	rddreg [dreg:$0x2];
	[bflag:$0x3] =	sbarrier.arrive $0xFFFF;
	s2 =	simm.s32 @!p0 $0x1C03  }
0x310: {  	[timem:s3], [sflag:s2] =	dma.local @!p0 [hbm:s0], s1  }
0x311: {  	s0 =	simm.s32 @!p0 $0x3  }
0x312: {  	_ =	swait.ge @!p0 [sflag:s0], s1  }
0x313: {  	s1 =	ssub.s32 @!p0 $0x0, s1;
	[sflag:s0] =	ssyncset.done @!p0 $0x0  }
0x314: {  	[sflag:s0] =	ssyncadd.s32 @!p0 s1  }
0x315: {  	[bflag:$0x3] =	sbarrier.arrive $0xFFFF  }
0x316: {  	_ =	shalt  }

</sc_bundles>
